<compile_context>
chip_gen: v7x
topology: tpu7x:2x2x1
jax: 0.10.2.dev20260603
libtpu: 0.0.44.dev20260713+nightly
codegen_flags: <defaults>
</compile_context>

<pallas_src>
import jax
import jax.numpy as jnp
from jax import lax
from jax.experimental import pallas as pl
from jax.experimental.pallas import tpu as pltpu
from jax.experimental.pallas import tpu_sc as plsc

_L = 16
_NW = 32
_RB = 2
_NBUF = 4


def kernel(x, pe_table):
    B, S, H = x.shape
    rows_per_w = S // _NW
    steps = rows_per_w // _RB
    groups = steps // _NBUF

    mesh = plsc.VectorSubcoreMesh(core_axis_name="c", subcore_axis_name="s")

    @pl.kernel(
        out_type=jax.ShapeDtypeStruct((B, S, H), x.dtype),
        mesh=mesh,
        scratch_types=[
            pltpu.VMEM((_NBUF, B, _RB, H), jnp.float32),
            pltpu.VMEM((_NBUF, _RB, H), jnp.float32),
            pltpu.VMEM((_NBUF, B, _RB, H), jnp.float32),
            pltpu.SemaphoreType.DMA((_NBUF,)),
            pltpu.SemaphoreType.DMA((_NBUF,)),
        ],
    )
    def pe_add_sc(x_hbm, pe_hbm, o_hbm, xb, peb, ob, insem, outsem):
        wid = lax.axis_index("c") * 16 + lax.axis_index("s")
        base = wid * rows_per_w

        def in_copies(row, k):
            cx = pltpu.make_async_copy(
                x_hbm.at[:, pl.ds(row, _RB), :], xb.at[k], insem.at[k]
            )
            cpe = pltpu.make_async_copy(
                pe_hbm.at[pl.ds(row, _RB), :], peb.at[k], insem.at[k]
            )
            return cx, cpe

        for k in range(_NBUF):
            cx, cpe = in_copies(base + k * _RB, k)
            cx.start()
            cpe.start()

        @pl.loop(0, groups)
        def _group(g):
            for k in range(_NBUF):
                row = base + (g * _NBUF + k) * _RB
                cx, cpe = in_copies(row, k)
                cx.wait()
                cpe.wait()

                cout = pltpu.make_async_copy(
                    ob.at[k], o_hbm.at[:, pl.ds(row, _RB), :], outsem.at[k]
                )

                @pl.when(g > 0)
                def _drain():
                    pltpu.make_async_copy(
                        ob.at[k],
                        o_hbm.at[:, pl.ds(row, _RB), :],
                        outsem.at[k],
                    ).wait()

                for r in range(_RB):

                    @plsc.parallel_loop(0, H, step=_L, unroll=4)
                    def _chunk(col, _r=r, _k=k):
                        slc = pl.ds(col, _L)
                        pe_chunk = peb.at[_k].at[_r].at[slc][...]
                        for b in range(B):
                            ob.at[_k].at[b].at[_r].at[slc][...] = (
                                xb.at[_k].at[b].at[_r].at[slc][...] + pe_chunk
                            )

                cout.start()

                @pl.when(g < groups - 1)
                def _refill():
                    nrow = base + ((g + 1) * _NBUF + k) * _RB
                    ncx, ncpe = in_copies(nrow, k)
                    ncx.start()
                    ncpe.start()

        for k in range(_NBUF):
            row = base + ((groups - 1) * _NBUF + k) * _RB
            pltpu.make_async_copy(
                ob.at[k], o_hbm.at[:, pl.ds(row, _RB), :], outsem.at[k]
            ).wait()

    return pe_add_sc(x, pe_table)

# --- scband reference (transcript-rebuilt; emitter-appended) ---
"""Pipeline reference for scband-learned-positional-encoding-88467736363437 (READ-ONLY COPY).

The authoritative reference and input builder live on the scoring server;
editing this copy changes nothing except your own understanding.
"""

import jax, jax.numpy as jnp
import numpy as np

MAX_LEN = 8192
NUM_HIDDENS = 1024
B, S = 4, 4096

def setup_inputs(seed: int = 0) -> dict:
    key = jax.random.key(seed)
    k1, k2 = jax.random.split(key)
    x = jax.random.normal(k1, (B, S, NUM_HIDDENS), dtype=jnp.float32)
    # nn.Embedding default init: N(0, 1)
    pe_table = jax.random.normal(k2, (MAX_LEN, NUM_HIDDENS), dtype=jnp.float32)
    return {"x": x, "pe_table": pe_table}

def reference(x, pe_table):
    # pos = arange(seq_len) expanded over batch
    pos = jnp.arange(x.shape[1], dtype=jnp.int32)
    pos = jnp.broadcast_to(pos[None, :], (x.shape[0], x.shape[1]))
    # embedding lookup: table[idx]
    pe = jnp.take(pe_table, pos, axis=0)  # [B, S, num_hiddens]
    out = x + pe
    # dropout is None -> identity
    return out

if __name__ == "__main__":
    import jax
    _d = setup_inputs()
    print(jax.jit(kernel)(*tuple(_d.values())))

</pallas_src>

<mosaic_0001>
#map = affine_map<(d0, d1) -> (0, 0, 0)>
#map1 = affine_map<(d0, d1) -> (0, 0)>
module attributes {stable_mosaic.version = 14 : i64} {
  func.func @pe_add_sc(%arg0: i32, %arg1: i32, %arg2: memref<4x4096x1024xf32, #tpu.memory_space<hbm>>, %arg3: memref<8192x1024xf32, #tpu.memory_space<hbm>>, %arg4: memref<4x4096x1024xf32, #tpu.memory_space<hbm>>, %arg5: memref<4x4x2x1024xf32, #tpu.memory_space<vmem>>, %arg6: memref<4x2x1024xf32, #tpu.memory_space<vmem>>, %arg7: memref<4x4x2x1024xf32, #tpu.memory_space<vmem>>, %arg8: memref<4x!tpu.dma_semaphore, #tpu.memory_space<semaphore_mem>>, %arg9: memref<4x!tpu.dma_semaphore, #tpu.memory_space<semaphore_mem>>) attributes {dimension_semantics = [#tpu.dimension_semantics<core_parallel>, #tpu.dimension_semantics<subcore_parallel>], iteration_bounds = array<i64: 2, 16>, scalar_prefetch = 0 : i64, scratch_operands = 5 : i64, tpu.core_type = #tpu.core_type<sc_vector_subcore>, window_params = [{transform_indices = #map}, {transform_indices = #map1}, {transform_indices = #map}]} {
    %mul3A = arith.constant 16 : i32
    %mul3A_0 = arith.muli %arg0, %mul3A : i32
    %add3A = arith.addi %mul3A_0, %arg1 : i32
    %mul3A_1 = arith.constant 128 : i32
    %mul3A_2 = arith.muli %add3A, %mul3A_1 : i32
    %add3A_3 = arith.constant 0 : i32
    %add3A_4 = arith.addi %mul3A_2, %add3A_3 : i32
    %dma_start3A = arith.constant 0 : i32
    %dma_start3A_5 = arith.constant 0 : i32
    %dma_start3A_6 = arith.constant 0 : i32
    %dma_start3A_7 = arith.constant 0 : i32
    %dma_start3A_8 = arith.constant 0 : i32
    %dma_start3A_9 = tpu.memref_slice %arg5[%dma_start3A, %dma_start3A_6, %dma_start3A_7, %dma_start3A_8] : memref<4x4x2x1024xf32, #tpu.memory_space<vmem>> -> memref<1x4x2x1024xf32, #tpu.memory_space<vmem>>
    %dma_start3A_10 = tpu.memref_squeeze %dma_start3A_9 : memref<1x4x2x1024xf32, #tpu.memory_space<vmem>> -> memref<4x2x1024xf32, #tpu.memory_space<vmem>>
    %dma_start3A_11 = arith.constant 0 : i32
    %dma_start3A_12 = arith.constant 0 : i32
    %dma_start3A_13 = tpu.memref_slice %arg2[%dma_start3A_11, %add3A_4, %dma_start3A_12] : memref<4x4096x1024xf32, #tpu.memory_space<hbm>> -> memref<4x2x1024xf32, #tpu.memory_space<hbm>>
    %dma_start3A_14 = tpu.memref_slice %arg8[%dma_start3A_5] : memref<4x!tpu.dma_semaphore, #tpu.memory_space<semaphore_mem>> -> memref<1x!tpu.dma_semaphore, #tpu.memory_space<semaphore_mem>>
    %dma_start3A_15 = tpu.memref_squeeze %dma_start3A_14 : memref<1x!tpu.dma_semaphore, #tpu.memory_space<semaphore_mem>> -> memref<!tpu.dma_semaphore, #tpu.memory_space<semaphore_mem>>
    %dma_start3A_16 = arith.constant 0 : i32
    %dma_start3A_17 = arith.constant 0 : i32
    %dma_start3A_18 = arith.constant 0 : i32
    %dma_start3A_19 = tpu.memref_slice %arg5[%dma_start3A, %dma_start3A_16, %dma_start3A_17, %dma_start3A_18] : memref<4x4x2x1024xf32, #tpu.memory_space<vmem>> -> memref<1x4x2x1024xf32, #tpu.memory_space<vmem>>
    %dma_start3A_20 = tpu.memref_squeeze %dma_start3A_19 : memref<1x4x2x1024xf32, #tpu.memory_space<vmem>> -> memref<4x2x1024xf32, #tpu.memory_space<vmem>>
    %dma_start3A_21 = arith.constant 0 : i32
    %dma_start3A_22 = arith.constant 0 : i32
    %dma_start3A_23 = tpu.memref_slice %arg2[%dma_start3A_21, %add3A_4, %dma_start3A_22] : memref<4x4096x1024xf32, #tpu.memory_space<hbm>> -> memref<4x2x1024xf32, #tpu.memory_space<hbm>>
    tpu.enqueue_dma source(%dma_start3A_23 : memref<4x2x1024xf32, #tpu.memory_space<hbm>>) target(%dma_start3A_20 : memref<4x2x1024xf32, #tpu.memory_space<vmem>>) target_semaphore(%dma_start3A_15 : memref<!tpu.dma_semaphore, #tpu.memory_space<semaphore_mem>>)
    %dma_start3A_24 = arith.constant 0 : i32
    %dma_start3A_25 = arith.constant 0 : i32
    %dma_start3A_26 = arith.constant 0 : i32
    %dma_start3A_27 = arith.constant 0 : i32
    %dma_start3A_28 = tpu.memref_slice %arg6[%dma_start3A_24, %dma_start3A_26, %dma_start3A_27] : memref<4x2x1024xf32, #tpu.memory_space<vmem>> -> memref<1x2x1024xf32, #tpu.memory_space<vmem>>
    %dma_start3A_29 = tpu.memref_squeeze %dma_start3A_28 : memref<1x2x1024xf32, #tpu.memory_space<vmem>> -> memref<2x1024xf32, #tpu.memory_space<vmem>>
    %dma_start3A_30 = arith.constant 0 : i32
    %dma_start3A_31 = tpu.memref_slice %arg3[%add3A_4, %dma_start3A_30] : memref<8192x1024xf32, #tpu.memory_space<hbm>> -> memref<2x1024xf32, #tpu.memory_space<hbm>>
    %dma_start3A_32 = tpu.memref_slice %arg8[%dma_start3A_25] : memref<4x!tpu.dma_semaphore, #tpu.memory_space<semaphore_mem>> -> memref<1x!tpu.dma_semaphore, #tpu.memory_space<semaphore_mem>>
    %dma_start3A_33 = tpu.memref_squeeze %dma_start3A_32 : memref<1x!tpu.dma_semaphore, #tpu.memory_space<semaphore_mem>> -> memref<!tpu.dma_semaphore, #tpu.memory_space<semaphore_mem>>
    %dma_start3A_34 = arith.constant 0 : i32
    %dma_start3A_35 = arith.constant 0 : i32
    %dma_start3A_36 = tpu.memref_slice %arg6[%dma_start3A_24, %dma_start3A_34, %dma_start3A_35] : memref<4x2x1024xf32, #tpu.memory_space<vmem>> -> memref<1x2x1024xf32, #tpu.memory_space<vmem>>
    %dma_start3A_37 = tpu.memref_squeeze %dma_start3A_36 : memref<1x2x1024xf32, #tpu.memory_space<vmem>> -> memref<2x1024xf32, #tpu.memory_space<vmem>>
    %dma_start3A_38 = arith.constant 0 : i32
    %dma_start3A_39 = tpu.memref_slice %arg3[%add3A_4, %dma_start3A_38] : memref<8192x1024xf32, #tpu.memory_space<hbm>> -> memref<2x1024xf32, #tpu.memory_space<hbm>>
    tpu.enqueue_dma source(%dma_start3A_39 : memref<2x1024xf32, #tpu.memory_space<hbm>>) target(%dma_start3A_37 : memref<2x1024xf32, #tpu.memory_space<vmem>>) target_semaphore(%dma_start3A_33 : memref<!tpu.dma_semaphore, #tpu.memory_space<semaphore_mem>>)
    %add3A_40 = arith.constant 2 : i32
    %add3A_41 = arith.addi %mul3A_2, %add3A_40 : i32
    %dma_start3A_42 = arith.constant 1 : i32
    %dma_start3A_43 = arith.constant 1 : i32
    %dma_start3A_44 = arith.constant 0 : i32
    %dma_start3A_45 = arith.constant 0 : i32
    %dma_start3A_46 = arith.constant 0 : i32
    %dma_start3A_47 = tpu.memref_slice %arg5[%dma_start3A_42, %dma_start3A_44, %dma_start3A_45, %dma_start3A_46] : memref<4x4x2x1024xf32, #tpu.memory_space<vmem>> -> memref<1x4x2x1024xf32, #tpu.memory_space<vmem>>
    %dma_start3A_48 = tpu.memref_squeeze %dma_start3A_47 : memref<1x4x2x1024xf32, #tpu.memory_space<vmem>> -> memref<4x2x1024xf32, #tpu.memory_space<vmem>>
    %dma_start3A_49 = arith.constant 0 : i32
    %dma_start3A_50 = arith.constant 0 : i32
    %dma_start3A_51 = tpu.memref_slice %arg2[%dma_start3A_49, %add3A_41, %dma_start3A_50] : memref<4x4096x1024xf32, #tpu.memory_space<hbm>> -> memref<4x2x1024xf32, #tpu.memory_space<hbm>>
    %dma_start3A_52 = tpu.memref_slice %arg8[%dma_start3A_43] : memref<4x!tpu.dma_semaphore, #tpu.memory_space<semaphore_mem>> -> memref<1x!tpu.dma_semaphore, #tpu.memory_space<semaphore_mem>>
    %dma_start3A_53 = tpu.memref_squeeze %dma_start3A_52 : memref<1x!tpu.dma_semaphore, #tpu.memory_space<semaphore_mem>> -> memref<!tpu.dma_semaphore, #tpu.memory_space<semaphore_mem>>
    %dma_start3A_54 = arith.constant 0 : i32
    %dma_start3A_55 = arith.constant 0 : i32
    %dma_start3A_56 = arith.constant 0 : i32
    %dma_start3A_57 = tpu.memref_slice %arg5[%dma_start3A_42, %dma_start3A_54, %dma_start3A_55, %dma_start3A_56] : memref<4x4x2x1024xf32, #tpu.memory_space<vmem>> -> memref<1x4x2x1024xf32, #tpu.memory_space<vmem>>
    %dma_start3A_58 = tpu.memref_squeeze %dma_start3A_57 : memref<1x4x2x1024xf32, #tpu.memory_space<vmem>> -> memref<4x2x1024xf32, #tpu.memory_space<vmem>>
    %dma_start3A_59 = arith.constant 0 : i32
    %dma_start3A_60 = arith.constant 0 : i32
    %dma_start3A_61 = tpu.memref_slice %arg2[%dma_start3A_59, %add3A_41, %dma_start3A_60] : memref<4x4096x1024xf32, #tpu.memory_space<hbm>> -> memref<4x2x1024xf32, #tpu.memory_space<hbm>>
    tpu.enqueue_dma source(%dma_start3A_61 : memref<4x2x1024xf32, #tpu.memory_space<hbm>>) target(%dma_start3A_58 : memref<4x2x1024xf32, #tpu.memory_space<vmem>>) target_semaphore(%dma_start3A_53 : memref<!tpu.dma_semaphore, #tpu.memory_space<semaphore_mem>>)
    %dma_start3A_62 = arith.constant 1 : i32
    %dma_start3A_63 = arith.constant 1 : i32
    %dma_start3A_64 = arith.constant 0 : i32
    %dma_start3A_65 = arith.constant 0 : i32
    %dma_start3A_66 = tpu.memref_slice %arg6[%dma_start3A_62, %dma_start3A_64, %dma_start3A_65] : memref<4x2x1024xf32, #tpu.memory_space<vmem>> -> memref<1x2x1024xf32, #tpu.memory_space<vmem>>
    %dma_start3A_67 = tpu.memref_squeeze %dma_start3A_66 : memref<1x2x1024xf32, #tpu.memory_space<vmem>> -> memref<2x1024xf32, #tpu.memory_space<vmem>>
    %dma_start3A_68 = arith.constant 0 : i32
    %dma_start3A_69 = tpu.memref_slice %arg3[%add3A_41, %dma_start3A_68] : memref<8192x1024xf32, #tpu.memory_space<hbm>> -> memref<2x1024xf32, #tpu.memory_space<hbm>>
    %dma_start3A_70 = tpu.memref_slice %arg8[%dma_start3A_63] : memref<4x!tpu.dma_semaphore, #tpu.memory_space<semaphore_mem>> -> memref<1x!tpu.dma_semaphore, #tpu.memory_space<semaphore_mem>>
    %dma_start3A_71 = tpu.memref_squeeze %dma_start3A_70 : memref<1x!tpu.dma_semaphore, #tpu.memory_space<semaphore_mem>> -> memref<!tpu.dma_semaphore, #tpu.memory_space<semaphore_mem>>
    %dma_start3A_72 = arith.constant 0 : i32
    %dma_start3A_73 = arith.constant 0 : i32
    %dma_start3A_74 = tpu.memref_slice %arg6[%dma_start3A_62, %dma_start3A_72, %dma_start3A_73] : memref<4x2x1024xf32, #tpu.memory_space<vmem>> -> memref<1x2x1024xf32, #tpu.memory_space<vmem>>
    %dma_start3A_75 = tpu.memref_squeeze %dma_start3A_74 : memref<1x2x1024xf32, #tpu.memory_space<vmem>> -> memref<2x1024xf32, #tpu.memory_space<vmem>>
    %dma_start3A_76 = arith.constant 0 : i32
    %dma_start3A_77 = tpu.memref_slice %arg3[%add3A_41, %dma_start3A_76] : memref<8192x1024xf32, #tpu.memory_space<hbm>> -> memref<2x1024xf32, #tpu.memory_space<hbm>>
    tpu.enqueue_dma source(%dma_start3A_77 : memref<2x1024xf32, #tpu.memory_space<hbm>>) target(%dma_start3A_75 : memref<2x1024xf32, #tpu.memory_space<vmem>>) target_semaphore(%dma_start3A_71 : memref<!tpu.dma_semaphore, #tpu.memory_space<semaphore_mem>>)
    %add3A_78 = arith.constant 4 : i32
    %add3A_79 = arith.addi %mul3A_2, %add3A_78 : i32
    %dma_start3A_80 = arith.constant 2 : i32
    %dma_start3A_81 = arith.constant 2 : i32
    %dma_start3A_82 = arith.constant 0 : i32
    %dma_start3A_83 = arith.constant 0 : i32
    %dma_start3A_84 = arith.constant 0 : i32
    %dma_start3A_85 = tpu.memref_slice %arg5[%dma_start3A_80, %dma_start3A_82, %dma_start3A_83, %dma_start3A_84] : memref<4x4x2x1024xf32, #tpu.memory_space<vmem>> -> memref<1x4x2x1024xf32, #tpu.memory_space<vmem>>
    %dma_start3A_86 = tpu.memref_squeeze %dma_start3A_85 : memref<1x4x2x1024xf32, #tpu.memory_space<vmem>> -> memref<4x2x1024xf32, #tpu.memory_space<vmem>>
    %dma_start3A_87 = arith.constant 0 : i32
    %dma_start3A_88 = arith.constant 0 : i32
    %dma_start3A_89 = tpu.memref_slice %arg2[%dma_start3A_87, %add3A_79, %dma_start3A_88] : memref<4x4096x1024xf32, #tpu.memory_space<hbm>> -> memref<4x2x1024xf32, #tpu.memory_space<hbm>>
    %dma_start3A_90 = tpu.memref_slice %arg8[%dma_start3A_81] : memref<4x!tpu.dma_semaphore, #tpu.memory_space<semaphore_mem>> -> memref<1x!tpu.dma_semaphore, #tpu.memory_space<semaphore_mem>>
    %dma_start3A_91 = tpu.memref_squeeze %dma_start3A_90 : memref<1x!tpu.dma_semaphore, #tpu.memory_space<semaphore_mem>> -> memref<!tpu.dma_semaphore, #tpu.memory_space<semaphore_mem>>
    %dma_start3A_92 = arith.constant 0 : i32
    %dma_start3A_93 = arith.constant 0 : i32
    %dma_start3A_94 = arith.constant 0 : i32
    %dma_start3A_95 = tpu.memref_slice %arg5[%dma_start3A_80, %dma_start3A_92, %dma_start3A_93, %dma_start3A_94] : memref<4x4x2x1024xf32, #tpu.memory_space<vmem>> -> memref<1x4x2x1024xf32, #tpu.memory_space<vmem>>
    %dma_start3A_96 = tpu.memref_squeeze %dma_start3A_95 : memref<1x4x2x1024xf32, #tpu.memory_space<vmem>> -> memref<4x2x1024xf32, #tpu.memory_space<vmem>>
    %dma_start3A_97 = arith.constant 0 : i32
    %dma_start3A_98 = arith.constant 0 : i32
    %dma_start3A_99 = tpu.memref_slice %arg2[%dma_start3A_97, %add3A_79, %dma_start3A_98] : memref<4x4096x1024xf32, #tpu.memory_space<hbm>> -> memref<4x2x1024xf32, #tpu.memory_space<hbm>>
    tpu.enqueue_dma source(%dma_start3A_99 : memref<4x2x1024xf32, #tpu.memory_space<hbm>>) target(%dma_start3A_96 : memref<4x2x1024xf32, #tpu.memory_space<vmem>>) target_semaphore(%dma_start3A_91 : memref<!tpu.dma_semaphore, #tpu.memory_space<semaphore_mem>>)
    %dma_start3A_100 = arith.constant 2 : i32
    %dma_start3A_101 = arith.constant 2 : i32
    %dma_start3A_102 = arith.constant 0 : i32
    %dma_start3A_103 = arith.constant 0 : i32
    %dma_start3A_104 = tpu.memref_slice %arg6[%dma_start3A_100, %dma_start3A_102, %dma_start3A_103] : memref<4x2x1024xf32, #tpu.memory_space<vmem>> -> memref<1x2x1024xf32, #tpu.memory_space<vmem>>
    %dma_start3A_105 = tpu.memref_squeeze %dma_start3A_104 : memref<1x2x1024xf32, #tpu.memory_space<vmem>> -> memref<2x1024xf32, #tpu.memory_space<vmem>>
    %dma_start3A_106 = arith.constant 0 : i32
    %dma_start3A_107 = tpu.memref_slice %arg3[%add3A_79, %dma_start3A_106] : memref<8192x1024xf32, #tpu.memory_space<hbm>> -> memref<2x1024xf32, #tpu.memory_space<hbm>>
    %dma_start3A_108 = tpu.memref_slice %arg8[%dma_start3A_101] : memref<4x!tpu.dma_semaphore, #tpu.memory_space<semaphore_mem>> -> memref<1x!tpu.dma_semaphore, #tpu.memory_space<semaphore_mem>>
    %dma_start3A_109 = tpu.memref_squeeze %dma_start3A_108 : memref<1x!tpu.dma_semaphore, #tpu.memory_space<semaphore_mem>> -> memref<!tpu.dma_semaphore, #tpu.memory_space<semaphore_mem>>
    %dma_start3A_110 = arith.constant 0 : i32
    %dma_start3A_111 = arith.constant 0 : i32
    %dma_start3A_112 = tpu.memref_slice %arg6[%dma_start3A_100, %dma_start3A_110, %dma_start3A_111] : memref<4x2x1024xf32, #tpu.memory_space<vmem>> -> memref<1x2x1024xf32, #tpu.memory_space<vmem>>
    %dma_start3A_113 = tpu.memref_squeeze %dma_start3A_112 : memref<1x2x1024xf32, #tpu.memory_space<vmem>> -> memref<2x1024xf32, #tpu.memory_space<vmem>>
    %dma_start3A_114 = arith.constant 0 : i32
    %dma_start3A_115 = tpu.memref_slice %arg3[%add3A_79, %dma_start3A_114] : memref<8192x1024xf32, #tpu.memory_space<hbm>> -> memref<2x1024xf32, #tpu.memory_space<hbm>>
    tpu.enqueue_dma source(%dma_start3A_115 : memref<2x1024xf32, #tpu.memory_space<hbm>>) target(%dma_start3A_113 : memref<2x1024xf32, #tpu.memory_space<vmem>>) target_semaphore(%dma_start3A_109 : memref<!tpu.dma_semaphore, #tpu.memory_space<semaphore_mem>>)
    %add3A_116 = arith.constant 6 : i32
    %add3A_117 = arith.addi %mul3A_2, %add3A_116 : i32
    %dma_start3A_118 = arith.constant 3 : i32
    %dma_start3A_119 = arith.constant 3 : i32
    %dma_start3A_120 = arith.constant 0 : i32
    %dma_start3A_121 = arith.constant 0 : i32
    %dma_start3A_122 = arith.constant 0 : i32
    %dma_start3A_123 = tpu.memref_slice %arg5[%dma_start3A_118, %dma_start3A_120, %dma_start3A_121, %dma_start3A_122] : memref<4x4x2x1024xf32, #tpu.memory_space<vmem>> -> memref<1x4x2x1024xf32, #tpu.memory_space<vmem>>
    %dma_start3A_124 = tpu.memref_squeeze %dma_start3A_123 : memref<1x4x2x1024xf32, #tpu.memory_space<vmem>> -> memref<4x2x1024xf32, #tpu.memory_space<vmem>>
    %dma_start3A_125 = arith.constant 0 : i32
    %dma_start3A_126 = arith.constant 0 : i32
    %dma_start3A_127 = tpu.memref_slice %arg2[%dma_start3A_125, %add3A_117, %dma_start3A_126] : memref<4x4096x1024xf32, #tpu.memory_space<hbm>> -> memref<4x2x1024xf32, #tpu.memory_space<hbm>>
    %dma_start3A_128 = tpu.memref_slice %arg8[%dma_start3A_119] : memref<4x!tpu.dma_semaphore, #tpu.memory_space<semaphore_mem>> -> memref<1x!tpu.dma_semaphore, #tpu.memory_space<semaphore_mem>>
    %dma_start3A_129 = tpu.memref_squeeze %dma_start3A_128 : memref<1x!tpu.dma_semaphore, #tpu.memory_space<semaphore_mem>> -> memref<!tpu.dma_semaphore, #tpu.memory_space<semaphore_mem>>
    %dma_start3A_130 = arith.constant 0 : i32
    %dma_start3A_131 = arith.constant 0 : i32
    %dma_start3A_132 = arith.constant 0 : i32
    %dma_start3A_133 = tpu.memref_slice %arg5[%dma_start3A_118, %dma_start3A_130, %dma_start3A_131, %dma_start3A_132] : memref<4x4x2x1024xf32, #tpu.memory_space<vmem>> -> memref<1x4x2x1024xf32, #tpu.memory_space<vmem>>
    %dma_start3A_134 = tpu.memref_squeeze %dma_start3A_133 : memref<1x4x2x1024xf32, #tpu.memory_space<vmem>> -> memref<4x2x1024xf32, #tpu.memory_space<vmem>>
    %dma_start3A_135 = arith.constant 0 : i32
    %dma_start3A_136 = arith.constant 0 : i32
    %dma_start3A_137 = tpu.memref_slice %arg2[%dma_start3A_135, %add3A_117, %dma_start3A_136] : memref<4x4096x1024xf32, #tpu.memory_space<hbm>> -> memref<4x2x1024xf32, #tpu.memory_space<hbm>>
    tpu.enqueue_dma source(%dma_start3A_137 : memref<4x2x1024xf32, #tpu.memory_space<hbm>>) target(%dma_start3A_134 : memref<4x2x1024xf32, #tpu.memory_space<vmem>>) target_semaphore(%dma_start3A_129 : memref<!tpu.dma_semaphore, #tpu.memory_space<semaphore_mem>>)
    %dma_start3A_138 = arith.constant 3 : i32
    %dma_start3A_139 = arith.constant 3 : i32
    %dma_start3A_140 = arith.constant 0 : i32
    %dma_start3A_141 = arith.constant 0 : i32
    %dma_start3A_142 = tpu.memref_slice %arg6[%dma_start3A_138, %dma_start3A_140, %dma_start3A_141] : memref<4x2x1024xf32, #tpu.memory_space<vmem>> -> memref<1x2x1024xf32, #tpu.memory_space<vmem>>
    %dma_start3A_143 = tpu.memref_squeeze %dma_start3A_142 : memref<1x2x1024xf32, #tpu.memory_space<vmem>> -> memref<2x1024xf32, #tpu.memory_space<vmem>>
    %dma_start3A_144 = arith.constant 0 : i32
    %dma_start3A_145 = tpu.memref_slice %arg3[%add3A_117, %dma_start3A_144] : memref<8192x1024xf32, #tpu.memory_space<hbm>> -> memref<2x1024xf32, #tpu.memory_space<hbm>>
    %dma_start3A_146 = tpu.memref_slice %arg8[%dma_start3A_139] : memref<4x!tpu.dma_semaphore, #tpu.memory_space<semaphore_mem>> -> memref<1x!tpu.dma_semaphore, #tpu.memory_space<semaphore_mem>>
    %dma_start3A_147 = tpu.memref_squeeze %dma_start3A_146 : memref<1x!tpu.dma_semaphore, #tpu.memory_space<semaphore_mem>> -> memref<!tpu.dma_semaphore, #tpu.memory_space<semaphore_mem>>
    %dma_start3A_148 = arith.constant 0 : i32
    %dma_start3A_149 = arith.constant 0 : i32
    %dma_start3A_150 = tpu.memref_slice %arg6[%dma_start3A_138, %dma_start3A_148, %dma_start3A_149] : memref<4x2x1024xf32, #tpu.memory_space<vmem>> -> memref<1x2x1024xf32, #tpu.memory_space<vmem>>
    %dma_start3A_151 = tpu.memref_squeeze %dma_start3A_150 : memref<1x2x1024xf32, #tpu.memory_space<vmem>> -> memref<2x1024xf32, #tpu.memory_space<vmem>>
    %dma_start3A_152 = arith.constant 0 : i32
    %dma_start3A_153 = tpu.memref_slice %arg3[%add3A_117, %dma_start3A_152] : memref<8192x1024xf32, #tpu.memory_space<hbm>> -> memref<2x1024xf32, #tpu.memory_space<hbm>>
    tpu.enqueue_dma source(%dma_start3A_153 : memref<2x1024xf32, #tpu.memory_space<hbm>>) target(%dma_start3A_151 : memref<2x1024xf32, #tpu.memory_space<vmem>>) target_semaphore(%dma_start3A_147 : memref<!tpu.dma_semaphore, #tpu.memory_space<semaphore_mem>>)
    %scan3A = arith.constant 0 : i32
    %scan3A_154 = arith.constant 16 : i32
    %scan3A_155 = arith.addi %scan3A, %scan3A_154 : i32
    %scan3A_156 = arith.constant 1 : i32
    scf.for %scan3A_245 = %scan3A to %scan3A_155 step %scan3A_156  : i32 {
      %mul3A_246 = arith.constant 1 : i32
      %mul3A_247 = arith.muli %scan3A_245, %mul3A_246 : i32
      %add3A_248 = arith.constant 0 : i32
      %add3A_249 = arith.addi %add3A_248, %mul3A_247 : i32
      %mul3A_250 = arith.constant 4 : i32
      %mul3A_251 = arith.muli %add3A_249, %mul3A_250 : i32
      %add3A_252 = arith.constant 0 : i32
      %add3A_253 = arith.addi %mul3A_251, %add3A_252 : i32
      %mul3A_254 = arith.constant 2 : i32
      %mul3A_255 = arith.muli %add3A_253, %mul3A_254 : i32
      %add3A_256 = arith.addi %mul3A_2, %mul3A_255 : i32
      %dma_wait3A_257 = arith.constant 0 : i32
      %dma_wait3A_258 = arith.constant 0 : i32
      %dma_wait3A_259 = arith.constant 0 : i32
      %dma_wait3A_260 = arith.constant 0 : i32
      %dma_wait3A_261 = arith.constant 0 : i32
      %dma_wait3A_262 = tpu.memref_slice %arg5[%dma_wait3A_257, %dma_wait3A_259, %dma_wait3A_260, %dma_wait3A_261] : memref<4x4x2x1024xf32, #tpu.memory_space<vmem>> -> memref<1x4x2x1024xf32, #tpu.memory_space<vmem>>
      %dma_wait3A_263 = tpu.memref_squeeze %dma_wait3A_262 : memref<1x4x2x1024xf32, #tpu.memory_space<vmem>> -> memref<4x2x1024xf32, #tpu.memory_space<vmem>>
      %dma_wait3A_264 = arith.constant 0 : i32
      %dma_wait3A_265 = arith.constant 0 : i32
      %dma_wait3A_266 = tpu.memref_slice %arg2[%dma_wait3A_264, %add3A_256, %dma_wait3A_265] : memref<4x4096x1024xf32, #tpu.memory_space<hbm>> -> memref<4x2x1024xf32, #tpu.memory_space<hbm>>
      %dma_wait3A_267 = tpu.memref_slice %arg8[%dma_wait3A_258] : memref<4x!tpu.dma_semaphore, #tpu.memory_space<semaphore_mem>> -> memref<1x!tpu.dma_semaphore, #tpu.memory_space<semaphore_mem>>
      %dma_wait3A_268 = tpu.memref_squeeze %dma_wait3A_267 : memref<1x!tpu.dma_semaphore, #tpu.memory_space<semaphore_mem>> -> memref<!tpu.dma_semaphore, #tpu.memory_space<semaphore_mem>>
      %dma_wait3A_269 = arith.constant 0 : i32
      %dma_wait3A_270 = arith.constant 0 : i32
      %dma_wait3A_271 = arith.constant 0 : i32
      %dma_wait3A_272 = tpu.memref_slice %arg5[%dma_wait3A_257, %dma_wait3A_269, %dma_wait3A_270, %dma_wait3A_271] : memref<4x4x2x1024xf32, #tpu.memory_space<vmem>> -> memref<1x4x2x1024xf32, #tpu.memory_space<vmem>>
      %dma_wait3A_273 = tpu.memref_squeeze %dma_wait3A_272 : memref<1x4x2x1024xf32, #tpu.memory_space<vmem>> -> memref<4x2x1024xf32, #tpu.memory_space<vmem>>
      %dma_wait3A_274 = arith.constant 0 : i32
      %dma_wait3A_275 = arith.constant 0 : i32
      %dma_wait3A_276 = tpu.memref_slice %arg2[%dma_wait3A_274, %add3A_256, %dma_wait3A_275] : memref<4x4096x1024xf32, #tpu.memory_space<hbm>> -> memref<4x2x1024xf32, #tpu.memory_space<hbm>>
      tpu.wait_dma2 semaphore(%dma_wait3A_268 : memref<!tpu.dma_semaphore, #tpu.memory_space<semaphore_mem>>) src(%dma_wait3A_276 : memref<4x2x1024xf32, #tpu.memory_space<hbm>>) dst(%dma_wait3A_273 : memref<4x2x1024xf32, #tpu.memory_space<vmem>>)
      %dma_wait3A_277 = arith.constant 0 : i32
      %dma_wait3A_278 = arith.constant 0 : i32
      %dma_wait3A_279 = arith.constant 0 : i32
      %dma_wait3A_280 = arith.constant 0 : i32
      %dma_wait3A_281 = tpu.memref_slice %arg6[%dma_wait3A_277, %dma_wait3A_279, %dma_wait3A_280] : memref<4x2x1024xf32, #tpu.memory_space<vmem>> -> memref<1x2x1024xf32, #tpu.memory_space<vmem>>
      %dma_wait3A_282 = tpu.memref_squeeze %dma_wait3A_281 : memref<1x2x1024xf32, #tpu.memory_space<vmem>> -> memref<2x1024xf32, #tpu.memory_space<vmem>>
      %dma_wait3A_283 = arith.constant 0 : i32
      %dma_wait3A_284 = tpu.memref_slice %arg3[%add3A_256, %dma_wait3A_283] : memref<8192x1024xf32, #tpu.memory_space<hbm>> -> memref<2x1024xf32, #tpu.memory_space<hbm>>
      %dma_wait3A_285 = tpu.memref_slice %arg8[%dma_wait3A_278] : memref<4x!tpu.dma_semaphore, #tpu.memory_space<semaphore_mem>> -> memref<1x!tpu.dma_semaphore, #tpu.memory_space<semaphore_mem>>
      %dma_wait3A_286 = tpu.memref_squeeze %dma_wait3A_285 : memref<1x!tpu.dma_semaphore, #tpu.memory_space<semaphore_mem>> -> memref<!tpu.dma_semaphore, #tpu.memory_space<semaphore_mem>>
      %dma_wait3A_287 = arith.constant 0 : i32
      %dma_wait3A_288 = arith.constant 0 : i32
      %dma_wait3A_289 = tpu.memref_slice %arg6[%dma_wait3A_277, %dma_wait3A_287, %dma_wait3A_288] : memref<4x2x1024xf32, #tpu.memory_space<vmem>> -> memref<1x2x1024xf32, #tpu.memory_space<vmem>>
      %dma_wait3A_290 = tpu.memref_squeeze %dma_wait3A_289 : memref<1x2x1024xf32, #tpu.memory_space<vmem>> -> memref<2x1024xf32, #tpu.memory_space<vmem>>
      %dma_wait3A_291 = arith.constant 0 : i32
      %dma_wait3A_292 = tpu.memref_slice %arg3[%add3A_256, %dma_wait3A_291] : memref<8192x1024xf32, #tpu.memory_space<hbm>> -> memref<2x1024xf32, #tpu.memory_space<hbm>>
      tpu.wait_dma2 semaphore(%dma_wait3A_286 : memref<!tpu.dma_semaphore, #tpu.memory_space<semaphore_mem>>) src(%dma_wait3A_292 : memref<2x1024xf32, #tpu.memory_space<hbm>>) dst(%dma_wait3A_290 : memref<2x1024xf32, #tpu.memory_space<vmem>>)
      %gt3A = arith.constant 0 : i32
      %gt3A_293 = arith.cmpi sgt, %add3A_249, %gt3A : i32
      %convert_element_type3A = arith.extui %gt3A_293 : i1 to i32
      %cond3A = arith.constant 0 : i32
      %cond3A_294 = arith.cmpi ne, %convert_element_type3A, %cond3A : i32
      scf.if %cond3A_294 {
        %dma_wait3A_561 = arith.constant 0 : i32
        %dma_wait3A_562 = arith.constant 0 : i32
        %dma_wait3A_563 = arith.constant 0 : i32
        %dma_wait3A_564 = arith.constant 0 : i32
        %dma_wait3A_565 = arith.constant 0 : i32
        %dma_wait3A_566 = tpu.memref_slice %arg7[%dma_wait3A_561, %dma_wait3A_563, %dma_wait3A_564, %dma_wait3A_565] : memref<4x4x2x1024xf32, #tpu.memory_space<vmem>> -> memref<1x4x2x1024xf32, #tpu.memory_space<vmem>>
        %dma_wait3A_567 = tpu.memref_squeeze %dma_wait3A_566 : memref<1x4x2x1024xf32, #tpu.memory_space<vmem>> -> memref<4x2x1024xf32, #tpu.memory_space<vmem>>
        %dma_wait3A_568 = arith.constant 0 : i32
        %dma_wait3A_569 = arith.constant 0 : i32
        %dma_wait3A_570 = tpu.memref_slice %arg4[%dma_wait3A_568, %add3A_256, %dma_wait3A_569] : memref<4x4096x1024xf32, #tpu.memory_space<hbm>> -> memref<4x2x1024xf32, #tpu.memory_space<hbm>>
        %dma_wait3A_571 = tpu.memref_slice %arg9[%dma_wait3A_562] : memref<4x!tpu.dma_semaphore, #tpu.memory_space<semaphore_mem>> -> memref<1x!tpu.dma_semaphore, #tpu.memory_space<semaphore_mem>>
        %dma_wait3A_572 = tpu.memref_squeeze %dma_wait3A_571 : memref<1x!tpu.dma_semaphore, #tpu.memory_space<semaphore_mem>> -> memref<!tpu.dma_semaphore, #tpu.memory_space<semaphore_mem>>
        %dma_wait3A_573 = arith.constant 0 : i32
        %dma_wait3A_574 = arith.constant 0 : i32
        %dma_wait3A_575 = tpu.memref_slice %arg4[%dma_wait3A_573, %add3A_256, %dma_wait3A_574] : memref<4x4096x1024xf32, #tpu.memory_space<hbm>> -> memref<4x2x1024xf32, #tpu.memory_space<hbm>>
        %dma_wait3A_576 = arith.constant 0 : i32
        %dma_wait3A_577 = arith.constant 0 : i32
        %dma_wait3A_578 = arith.constant 0 : i32
        %dma_wait3A_579 = tpu.memref_slice %arg7[%dma_wait3A_561, %dma_wait3A_576, %dma_wait3A_577, %dma_wait3A_578] : memref<4x4x2x1024xf32, #tpu.memory_space<vmem>> -> memref<1x4x2x1024xf32, #tpu.memory_space<vmem>>
        %dma_wait3A_580 = tpu.memref_squeeze %dma_wait3A_579 : memref<1x4x2x1024xf32, #tpu.memory_space<vmem>> -> memref<4x2x1024xf32, #tpu.memory_space<vmem>>
        tpu.wait_dma2 semaphore(%dma_wait3A_572 : memref<!tpu.dma_semaphore, #tpu.memory_space<semaphore_mem>>) src(%dma_wait3A_580 : memref<4x2x1024xf32, #tpu.memory_space<vmem>>) dst(%dma_wait3A_575 : memref<4x2x1024xf32, #tpu.memory_space<hbm>>)
      } else {
      }
      %parallel_loop3A = arith.constant 0 : i32
      %parallel_loop3A_295 = arith.constant 1024 : i32
      %parallel_loop3A_296 = arith.constant 16 : i32
      scf.for %parallel_loop3A_561 = %parallel_loop3A to %parallel_loop3A_295 step %parallel_loop3A_296  : i32 {
        %parallel_loop3A_562 = arith.constant 0 : i32
        %parallel_loop3A_563 = arith.constant 0 : i32
        %parallel_loop3A_564 = arith.constant 0 : i32
        %parallel_loop3A_565 = arith.constant 0 : i32
        %parallel_loop3A_566 = tpu.memref_slice %arg6[%parallel_loop3A_562, %parallel_loop3A_564, %parallel_loop3A_565] : memref<4x2x1024xf32, #tpu.memory_space<vmem>> -> memref<1x2x1024xf32, #tpu.memory_space<vmem>>
        %parallel_loop3A_567 = tpu.memref_squeeze %parallel_loop3A_566 : memref<1x2x1024xf32, #tpu.memory_space<vmem>> -> memref<2x1024xf32, #tpu.memory_space<vmem>>
        %parallel_loop3A_568 = arith.constant 0 : i32
        %parallel_loop3A_569 = tpu.memref_slice %parallel_loop3A_567[%parallel_loop3A_563, %parallel_loop3A_568] : memref<2x1024xf32, #tpu.memory_space<vmem>> -> memref<1x1024xf32, #tpu.memory_space<vmem>>
        %parallel_loop3A_570 = tpu.memref_squeeze %parallel_loop3A_569 : memref<1x1024xf32, #tpu.memory_space<vmem>> -> memref<1024xf32, #tpu.memory_space<vmem>>
        %parallel_loop3A_571 = arith.index_cast %parallel_loop3A_561 : i32 to index
        %parallel_loop3A_572 = tpu.vector_load %parallel_loop3A_570[%parallel_loop3A_571] {strides = array<i32>} : memref<1024xf32, #tpu.memory_space<vmem>>, vector<16xf32>,
        %parallel_loop3A_573 = vector.shape_cast %parallel_loop3A_572 : vector<16xf32> to vector<16xf32>
        %parallel_loop3A_574 = arith.constant 0 : i32
        %parallel_loop3A_575 = arith.constant 0 : i32
        %parallel_loop3A_576 = arith.constant 0 : i32
        %parallel_loop3A_577 = arith.constant 0 : i32
        %parallel_loop3A_578 = arith.constant 0 : i32
        %parallel_loop3A_579 = arith.constant 0 : i32
        %parallel_loop3A_580 = tpu.memref_slice %arg5[%parallel_loop3A_574, %parallel_loop3A_577, %parallel_loop3A_578, %parallel_loop3A_579] : memref<4x4x2x1024xf32, #tpu.memory_space<vmem>> -> memref<1x4x2x1024xf32, #tpu.memory_space<vmem>>
        %parallel_loop3A_581 = tpu.memref_squeeze %parallel_loop3A_580 : memref<1x4x2x1024xf32, #tpu.memory_space<vmem>> -> memref<4x2x1024xf32, #tpu.memory_space<vmem>>
        %parallel_loop3A_582 = arith.constant 0 : i32
        %parallel_loop3A_583 = arith.constant 0 : i32
        %parallel_loop3A_584 = tpu.memref_slice %parallel_loop3A_581[%parallel_loop3A_575, %parallel_loop3A_582, %parallel_loop3A_583] : memref<4x2x1024xf32, #tpu.memory_space<vmem>> -> memref<1x2x1024xf32, #tpu.memory_space<vmem>>
        %parallel_loop3A_585 = tpu.memref_squeeze %parallel_loop3A_584 : memref<1x2x1024xf32, #tpu.memory_space<vmem>> -> memref<2x1024xf32, #tpu.memory_space<vmem>>
        %parallel_loop3A_586 = arith.constant 0 : i32
        %parallel_loop3A_587 = tpu.memref_slice %parallel_loop3A_585[%parallel_loop3A_576, %parallel_loop3A_586] : memref<2x1024xf32, #tpu.memory_space<vmem>> -> memref<1x1024xf32, #tpu.memory_space<vmem>>
        %parallel_loop3A_588 = tpu.memref_squeeze %parallel_loop3A_587 : memref<1x1024xf32, #tpu.memory_space<vmem>> -> memref<1024xf32, #tpu.memory_space<vmem>>
        %parallel_loop3A_589 = arith.index_cast %parallel_loop3A_561 : i32 to index
        %parallel_loop3A_590 = tpu.vector_load %parallel_loop3A_588[%parallel_loop3A_589] {strides = array<i32>} : memref<1024xf32, #tpu.memory_space<vmem>>, vector<16xf32>,
        %parallel_loop3A_591 = vector.shape_cast %parallel_loop3A_590 : vector<16xf32> to vector<16xf32>
        %parallel_loop3A_592 = arith.addf %parallel_loop3A_591, %parallel_loop3A_573 : vector<16xf32>
        %parallel_loop3A_593 = arith.constant 0 : i32
        %parallel_loop3A_594 = arith.constant 0 : i32
        %parallel_loop3A_595 = arith.constant 0 : i32
        %parallel_loop3A_596 = arith.constant 0 : i32
        %parallel_loop3A_597 = arith.constant 0 : i32
        %parallel_loop3A_598 = arith.constant 0 : i32
        %parallel_loop3A_599 = tpu.memref_slice %arg7[%parallel_loop3A_593, %parallel_loop3A_596, %parallel_loop3A_597, %parallel_loop3A_598] : memref<4x4x2x1024xf32, #tpu.memory_space<vmem>> -> memref<1x4x2x1024xf32, #tpu.memory_space<vmem>>
        %parallel_loop3A_600 = tpu.memref_squeeze %parallel_loop3A_599 : memref<1x4x2x1024xf32, #tpu.memory_space<vmem>> -> memref<4x2x1024xf32, #tpu.memory_space<vmem>>
        %parallel_loop3A_601 = arith.constant 0 : i32
        %parallel_loop3A_602 = arith.constant 0 : i32
        %parallel_loop3A_603 = tpu.memref_slice %parallel_loop3A_600[%parallel_loop3A_594, %parallel_loop3A_601, %parallel_loop3A_602] : memref<4x2x1024xf32, #tpu.memory_space<vmem>> -> memref<1x2x1024xf32, #tpu.memory_space<vmem>>
        %parallel_loop3A_604 = tpu.memref_squeeze %parallel_loop3A_603 : memref<1x2x1024xf32, #tpu.memory_space<vmem>> -> memref<2x1024xf32, #tpu.memory_space<vmem>>
        %parallel_loop3A_605 = arith.constant 0 : i32
        %parallel_loop3A_606 = tpu.memref_slice %parallel_loop3A_604[%parallel_loop3A_595, %parallel_loop3A_605] : memref<2x1024xf32, #tpu.memory_space<vmem>> -> memref<1x1024xf32, #tpu.memory_space<vmem>>
        %parallel_loop3A_607 = tpu.memref_squeeze %parallel_loop3A_606 : memref<1x1024xf32, #tpu.memory_space<vmem>> -> memref<1024xf32, #tpu.memory_space<vmem>>
        %parallel_loop3A_608 = arith.index_cast %parallel_loop3A_561 : i32 to index
        %parallel_loop3A_609 = tpu.vector_load %parallel_loop3A_607[%parallel_loop3A_608] {strides = array<i32>} : memref<1024xf32, #tpu.memory_space<vmem>>, vector<16xf32>,
        %parallel_loop3A_610 = vector.shape_cast %parallel_loop3A_609 : vector<16xf32> to vector<16xf32>
        %parallel_loop3A_611 = vector.shape_cast %parallel_loop3A_592 : vector<16xf32> to vector<16xf32>
        tpu.vector_store %parallel_loop3A_607[%parallel_loop3A_608], %parallel_loop3A_611 {strides = array<i32>} : memref<1024xf32, #tpu.memory_space<vmem>>, vector<16xf32>,
        %parallel_loop3A_612 = arith.constant 0 : i32
        %parallel_loop3A_613 = arith.constant 1 : i32
        %parallel_loop3A_614 = arith.constant 0 : i32
        %parallel_loop3A_615 = arith.constant 0 : i32
        %parallel_loop3A_616 = arith.constant 0 : i32
        %parallel_loop3A_617 = arith.constant 0 : i32
        %parallel_loop3A_618 = tpu.memref_slice %arg5[%parallel_loop3A_612, %parallel_loop3A_615, %parallel_loop3A_616, %parallel_loop3A_617] : memref<4x4x2x1024xf32, #tpu.memory_space<vmem>> -> memref<1x4x2x1024xf32, #tpu.memory_space<vmem>>
        %parallel_loop3A_619 = tpu.memref_squeeze %parallel_loop3A_618 : memref<1x4x2x1024xf32, #tpu.memory_space<vmem>> -> memref<4x2x1024xf32, #tpu.memory_space<vmem>>
        %parallel_loop3A_620 = arith.constant 0 : i32
        %parallel_loop3A_621 = arith.constant 0 : i32
        %parallel_loop3A_622 = tpu.memref_slice %parallel_loop3A_619[%parallel_loop3A_613, %parallel_loop3A_620, %parallel_loop3A_621] : memref<4x2x1024xf32, #tpu.memory_space<vmem>> -> memref<1x2x1024xf32, #tpu.memory_space<vmem>>
        %parallel_loop3A_623 = tpu.memref_squeeze %parallel_loop3A_622 : memref<1x2x1024xf32, #tpu.memory_space<vmem>> -> memref<2x1024xf32, #tpu.memory_space<vmem>>
        %parallel_loop3A_624 = arith.constant 0 : i32
        %parallel_loop3A_625 = tpu.memref_slice %parallel_loop3A_623[%parallel_loop3A_614, %parallel_loop3A_624] : memref<2x1024xf32, #tpu.memory_space<vmem>> -> memref<1x1024xf32, #tpu.memory_space<vmem>>
        %parallel_loop3A_626 = tpu.memref_squeeze %parallel_loop3A_625 : memref<1x1024xf32, #tpu.memory_space<vmem>> -> memref<1024xf32, #tpu.memory_space<vmem>>
        %parallel_loop3A_627 = arith.index_cast %parallel_loop3A_561 : i32 to index
        %parallel_loop3A_628 = tpu.vector_load %parallel_loop3A_626[%parallel_loop3A_627] {strides = array<i32>} : memref<1024xf32, #tpu.memory_space<vmem>>, vector<16xf32>,
        %parallel_loop3A_629 = vector.shape_cast %parallel_loop3A_628 : vector<16xf32> to vector<16xf32>
        %parallel_loop3A_630 = arith.addf %parallel_loop3A_629, %parallel_loop3A_573 : vector<16xf32>
        %parallel_loop3A_631 = arith.constant 0 : i32
        %parallel_loop3A_632 = arith.constant 1 : i32
        %parallel_loop3A_633 = arith.constant 0 : i32
        %parallel_loop3A_634 = arith.constant 0 : i32
        %parallel_loop3A_635 = arith.constant 0 : i32
        %parallel_loop3A_636 = arith.constant 0 : i32
        %parallel_loop3A_637 = tpu.memref_slice %arg7[%parallel_loop3A_631, %parallel_loop3A_634, %parallel_loop3A_635, %parallel_loop3A_636] : memref<4x4x2x1024xf32, #tpu.memory_space<vmem>> -> memref<1x4x2x1024xf32, #tpu.memory_space<vmem>>
        %parallel_loop3A_638 = tpu.memref_squeeze %parallel_loop3A_637 : memref<1x4x2x1024xf32, #tpu.memory_space<vmem>> -> memref<4x2x1024xf32, #tpu.memory_space<vmem>>
        %parallel_loop3A_639 = arith.constant 0 : i32
        %parallel_loop3A_640 = arith.constant 0 : i32
        %parallel_loop3A_641 = tpu.memref_slice %parallel_loop3A_638[%parallel_loop3A_632, %parallel_loop3A_639, %parallel_loop3A_640] : memref<4x2x1024xf32, #tpu.memory_space<vmem>> -> memref<1x2x1024xf32, #tpu.memory_space<vmem>>
        %parallel_loop3A_642 = tpu.memref_squeeze %parallel_loop3A_641 : memref<1x2x1024xf32, #tpu.memory_space<vmem>> -> memref<2x1024xf32, #tpu.memory_space<vmem>>
        %parallel_loop3A_643 = arith.constant 0 : i32
        %parallel_loop3A_644 = tpu.memref_slice %parallel_loop3A_642[%parallel_loop3A_633, %parallel_loop3A_643] : memref<2x1024xf32, #tpu.memory_space<vmem>> -> memref<1x1024xf32, #tpu.memory_space<vmem>>
        %parallel_loop3A_645 = tpu.memref_squeeze %parallel_loop3A_644 : memref<1x1024xf32, #tpu.memory_space<vmem>> -> memref<1024xf32, #tpu.memory_space<vmem>>
        %parallel_loop3A_646 = arith.index_cast %parallel_loop3A_561 : i32 to index
        %parallel_loop3A_647 = tpu.vector_load %parallel_loop3A_645[%parallel_loop3A_646] {strides = array<i32>} : memref<1024xf32, #tpu.memory_space<vmem>>, vector<16xf32>,
        %parallel_loop3A_648 = vector.shape_cast %parallel_loop3A_647 : vector<16xf32> to vector<16xf32>
        %parallel_loop3A_649 = vector.shape_cast %parallel_loop3A_630 : vector<16xf32> to vector<16xf32>
        tpu.vector_store %parallel_loop3A_645[%parallel_loop3A_646], %parallel_loop3A_649 {strides = array<i32>} : memref<1024xf32, #tpu.memory_space<vmem>>, vector<16xf32>,
        %parallel_loop3A_650 = arith.constant 0 : i32
        %parallel_loop3A_651 = arith.constant 2 : i32
        %parallel_loop3A_652 = arith.constant 0 : i32
        %parallel_loop3A_653 = arith.constant 0 : i32
        %parallel_loop3A_654 = arith.constant 0 : i32
        %parallel_loop3A_655 = arith.constant 0 : i32
        %parallel_loop3A_656 = tpu.memref_slice %arg5[%parallel_loop3A_650, %parallel_loop3A_653, %parallel_loop3A_654, %parallel_loop3A_655] : memref<4x4x2x1024xf32, #tpu.memory_space<vmem>> -> memref<1x4x2x1024xf32, #tpu.memory_space<vmem>>
        %parallel_loop3A_657 = tpu.memref_squeeze %parallel_loop3A_656 : memref<1x4x2x1024xf32, #tpu.memory_space<vmem>> -> memref<4x2x1024xf32, #tpu.memory_space<vmem>>
        %parallel_loop3A_658 = arith.constant 0 : i32
        %parallel_loop3A_659 = arith.constant 0 : i32
        %parallel_loop3A_660 = tpu.memref_slice %parallel_loop3A_657[%parallel_loop3A_651, %parallel_loop3A_658, %parallel_loop3A_659] : memref<4x2x1024xf32, #tpu.memory_space<vmem>> -> memref<1x2x1024xf32, #tpu.memory_space<vmem>>
        %parallel_loop3A_661 = tpu.memref_squeeze %parallel_loop3A_660 : memref<1x2x1024xf32, #tpu.memory_space<vmem>> -> memref<2x1024xf32, #tpu.memory_space<vmem>>
        %parallel_loop3A_662 = arith.constant 0 : i32
        %parallel_loop3A_663 = tpu.memref_slice %parallel_loop3A_661[%parallel_loop3A_652, %parallel_loop3A_662] : memref<2x1024xf32, #tpu.memory_space<vmem>> -> memref<1x1024xf32, #tpu.memory_space<vmem>>
        %parallel_loop3A_664 = tpu.memref_squeeze %parallel_loop3A_663 : memref<1x1024xf32, #tpu.memory_space<vmem>> -> memref<1024xf32, #tpu.memory_space<vmem>>
        %parallel_loop3A_665 = arith.index_cast %parallel_loop3A_561 : i32 to index
        %parallel_loop3A_666 = tpu.vector_load %parallel_loop3A_664[%parallel_loop3A_665] {strides = array<i32>} : memref<1024xf32, #tpu.memory_space<vmem>>, vector<16xf32>,
        %parallel_loop3A_667 = vector.shape_cast %parallel_loop3A_666 : vector<16xf32> to vector<16xf32>
        %parallel_loop3A_668 = arith.addf %parallel_loop3A_667, %parallel_loop3A_573 : vector<16xf32>
        %parallel_loop3A_669 = arith.constant 0 : i32
        %parallel_loop3A_670 = arith.constant 2 : i32
        %parallel_loop3A_671 = arith.constant 0 : i32
        %parallel_loop3A_672 = arith.constant 0 : i32
        %parallel_loop3A_673 = arith.constant 0 : i32
        %parallel_loop3A_674 = arith.constant 0 : i32
        %parallel_loop3A_675 = tpu.memref_slice %arg7[%parallel_loop3A_669, %parallel_loop3A_672, %parallel_loop3A_673, %parallel_loop3A_674] : memref<4x4x2x1024xf32, #tpu.memory_space<vmem>> -> memref<1x4x2x1024xf32, #tpu.memory_space<vmem>>
        %parallel_loop3A_676 = tpu.memref_squeeze %parallel_loop3A_675 : memref<1x4x2x1024xf32, #tpu.memory_space<vmem>> -> memref<4x2x1024xf32, #tpu.memory_space<vmem>>
        %parallel_loop3A_677 = arith.constant 0 : i32
        %parallel_loop3A_678 = arith.constant 0 : i32
        %parallel_loop3A_679 = tpu.memref_slice %parallel_loop3A_676[%parallel_loop3A_670, %parallel_loop3A_677, %parallel_loop3A_678] : memref<4x2x1024xf32, #tpu.memory_space<vmem>> -> memref<1x2x1024xf32, #tpu.memory_space<vmem>>
        %parallel_loop3A_680 = tpu.memref_squeeze %parallel_loop3A_679 : memref<1x2x1024xf32, #tpu.memory_space<vmem>> -> memref<2x1024xf32, #tpu.memory_space<vmem>>
        %parallel_loop3A_681 = arith.constant 0 : i32
        %parallel_loop3A_682 = tpu.memref_slice %parallel_loop3A_680[%parallel_loop3A_671, %parallel_loop3A_681] : memref<2x1024xf32, #tpu.memory_space<vmem>> -> memref<1x1024xf32, #tpu.memory_space<vmem>>
        %parallel_loop3A_683 = tpu.memref_squeeze %parallel_loop3A_682 : memref<1x1024xf32, #tpu.memory_space<vmem>> -> memref<1024xf32, #tpu.memory_space<vmem>>
        %parallel_loop3A_684 = arith.index_cast %parallel_loop3A_561 : i32 to index
        %parallel_loop3A_685 = tpu.vector_load %parallel_loop3A_683[%parallel_loop3A_684] {strides = array<i32>} : memref<1024xf32, #tpu.memory_space<vmem>>, vector<16xf32>,
        %parallel_loop3A_686 = vector.shape_cast %parallel_loop3A_685 : vector<16xf32> to vector<16xf32>
        %parallel_loop3A_687 = vector.shape_cast %parallel_loop3A_668 : vector<16xf32> to vector<16xf32>
        tpu.vector_store %parallel_loop3A_683[%parallel_loop3A_684], %parallel_loop3A_687 {strides = array<i32>} : memref<1024xf32, #tpu.memory_space<vmem>>, vector<16xf32>,
        %parallel_loop3A_688 = arith.constant 0 : i32
        %parallel_loop3A_689 = arith.constant 3 : i32
        %parallel_loop3A_690 = arith.constant 0 : i32
        %parallel_loop3A_691 = arith.constant 0 : i32
        %parallel_loop3A_692 = arith.constant 0 : i32
        %parallel_loop3A_693 = arith.constant 0 : i32
        %parallel_loop3A_694 = tpu.memref_slice %arg5[%parallel_loop3A_688, %parallel_loop3A_691, %parallel_loop3A_692, %parallel_loop3A_693] : memref<4x4x2x1024xf32, #tpu.memory_space<vmem>> -> memref<1x4x2x1024xf32, #tpu.memory_space<vmem>>
        %parallel_loop3A_695 = tpu.memref_squeeze %parallel_loop3A_694 : memref<1x4x2x1024xf32, #tpu.memory_space<vmem>> -> memref<4x2x1024xf32, #tpu.memory_space<vmem>>
        %parallel_loop3A_696 = arith.constant 0 : i32
        %parallel_loop3A_697 = arith.constant 0 : i32
        %parallel_loop3A_698 = tpu.memref_slice %parallel_loop3A_695[%parallel_loop3A_689, %parallel_loop3A_696, %parallel_loop3A_697] : memref<4x2x1024xf32, #tpu.memory_space<vmem>> -> memref<1x2x1024xf32, #tpu.memory_space<vmem>>
        %parallel_loop3A_699 = tpu.memref_squeeze %parallel_loop3A_698 : memref<1x2x1024xf32, #tpu.memory_space<vmem>> -> memref<2x1024xf32, #tpu.memory_space<vmem>>
        %parallel_loop3A_700 = arith.constant 0 : i32
        %parallel_loop3A_701 = tpu.memref_slice %parallel_loop3A_699[%parallel_loop3A_690, %parallel_loop3A_700] : memref<2x1024xf32, #tpu.memory_space<vmem>> -> memref<1x1024xf32, #tpu.memory_space<vmem>>
        %parallel_loop3A_702 = tpu.memref_squeeze %parallel_loop3A_701 : memref<1x1024xf32, #tpu.memory_space<vmem>> -> memref<1024xf32, #tpu.memory_space<vmem>>
        %parallel_loop3A_703 = arith.index_cast %parallel_loop3A_561 : i32 to index
        %parallel_loop3A_704 = tpu.vector_load %parallel_loop3A_702[%parallel_loop3A_703] {strides = array<i32>} : memref<1024xf32, #tpu.memory_space<vmem>>, vector<16xf32>,
        %parallel_loop3A_705 = vector.shape_cast %parallel_loop3A_704 : vector<16xf32> to vector<16xf32>
        %parallel_loop3A_706 = arith.addf %parallel_loop3A_705, %parallel_loop3A_573 : vector<16xf32>
        %parallel_loop3A_707 = arith.constant 0 : i32
        %parallel_loop3A_708 = arith.constant 3 : i32
        %parallel_loop3A_709 = arith.constant 0 : i32
        %parallel_loop3A_710 = arith.constant 0 : i32
        %parallel_loop3A_711 = arith.constant 0 : i32
        %parallel_loop3A_712 = arith.constant 0 : i32
        %parallel_loop3A_713 = tpu.memref_slice %arg7[%parallel_loop3A_707, %parallel_loop3A_710, %parallel_loop3A_711, %parallel_loop3A_712] : memref<4x4x2x1024xf32, #tpu.memory_space<vmem>> -> memref<1x4x2x1024xf32, #tpu.memory_space<vmem>>
        %parallel_loop3A_714 = tpu.memref_squeeze %parallel_loop3A_713 : memref<1x4x2x1024xf32, #tpu.memory_space<vmem>> -> memref<4x2x1024xf32, #tpu.memory_space<vmem>>
        %parallel_loop3A_715 = arith.constant 0 : i32
        %parallel_loop3A_716 = arith.constant 0 : i32
        %parallel_loop3A_717 = tpu.memref_slice %parallel_loop3A_714[%parallel_loop3A_708, %parallel_loop3A_715, %parallel_loop3A_716] : memref<4x2x1024xf32, #tpu.memory_space<vmem>> -> memref<1x2x1024xf32, #tpu.memory_space<vmem>>
        %parallel_loop3A_718 = tpu.memref_squeeze %parallel_loop3A_717 : memref<1x2x1024xf32, #tpu.memory_space<vmem>> -> memref<2x1024xf32, #tpu.memory_space<vmem>>
        %parallel_loop3A_719 = arith.constant 0 : i32
        %parallel_loop3A_720 = tpu.memref_slice %parallel_loop3A_718[%parallel_loop3A_709, %parallel_loop3A_719] : memref<2x1024xf32, #tpu.memory_space<vmem>> -> memref<1x1024xf32, #tpu.memory_space<vmem>>
        %parallel_loop3A_721 = tpu.memref_squeeze %parallel_loop3A_720 : memref<1x1024xf32, #tpu.memory_space<vmem>> -> memref<1024xf32, #tpu.memory_space<vmem>>
        %parallel_loop3A_722 = arith.index_cast %parallel_loop3A_561 : i32 to index
        %parallel_loop3A_723 = tpu.vector_load %parallel_loop3A_721[%parallel_loop3A_722] {strides = array<i32>} : memref<1024xf32, #tpu.memory_space<vmem>>, vector<16xf32>,
        %parallel_loop3A_724 = vector.shape_cast %parallel_loop3A_723 : vector<16xf32> to vector<16xf32>
        %parallel_loop3A_725 = vector.shape_cast %parallel_loop3A_706 : vector<16xf32> to vector<16xf32>
        tpu.vector_store %parallel_loop3A_721[%parallel_loop3A_722], %parallel_loop3A_725 {strides = array<i32>} : memref<1024xf32, #tpu.memory_space<vmem>>, vector<16xf32>,
      } {sc.loop_unroll_factor = 4 : i64, sc.parallel_access}
      %parallel_loop3A_297 = arith.constant 0 : i32
      %parallel_loop3A_298 = arith.constant 1024 : i32
      %parallel_loop3A_299 = arith.constant 16 : i32
      scf.for %parallel_loop3A_561 = %parallel_loop3A_297 to %parallel_loop3A_298 step %parallel_loop3A_299  : i32 {
        %parallel_loop3A_562 = arith.constant 0 : i32
        %parallel_loop3A_563 = arith.constant 1 : i32
        %parallel_loop3A_564 = arith.constant 0 : i32
        %parallel_loop3A_565 = arith.constant 0 : i32
        %parallel_loop3A_566 = tpu.memref_slice %arg6[%parallel_loop3A_562, %parallel_loop3A_564, %parallel_loop3A_565] : memref<4x2x1024xf32, #tpu.memory_space<vmem>> -> memref<1x2x1024xf32, #tpu.memory_space<vmem>>
        %parallel_loop3A_567 = tpu.memref_squeeze %parallel_loop3A_566 : memref<1x2x1024xf32, #tpu.memory_space<vmem>> -> memref<2x1024xf32, #tpu.memory_space<vmem>>
        %parallel_loop3A_568 = arith.constant 0 : i32
        %parallel_loop3A_569 = tpu.memref_slice %parallel_loop3A_567[%parallel_loop3A_563, %parallel_loop3A_568] : memref<2x1024xf32, #tpu.memory_space<vmem>> -> memref<1x1024xf32, #tpu.memory_space<vmem>>
        %parallel_loop3A_570 = tpu.memref_squeeze %parallel_loop3A_569 : memref<1x1024xf32, #tpu.memory_space<vmem>> -> memref<1024xf32, #tpu.memory_space<vmem>>
        %parallel_loop3A_571 = arith.index_cast %parallel_loop3A_561 : i32 to index
        %parallel_loop3A_572 = tpu.vector_load %parallel_loop3A_570[%parallel_loop3A_571] {strides = array<i32>} : memref<1024xf32, #tpu.memory_space<vmem>>, vector<16xf32>,
        %parallel_loop3A_573 = vector.shape_cast %parallel_loop3A_572 : vector<16xf32> to vector<16xf32>
        %parallel_loop3A_574 = arith.constant 0 : i32
        %parallel_loop3A_575 = arith.constant 0 : i32
        %parallel_loop3A_576 = arith.constant 1 : i32
        %parallel_loop3A_577 = arith.constant 0 : i32
        %parallel_loop3A_578 = arith.constant 0 : i32
        %parallel_loop3A_579 = arith.constant 0 : i32
        %parallel_loop3A_580 = tpu.memref_slice %arg5[%parallel_loop3A_574, %parallel_loop3A_577, %parallel_loop3A_578, %parallel_loop3A_579] : memref<4x4x2x1024xf32, #tpu.memory_space<vmem>> -> memref<1x4x2x1024xf32, #tpu.memory_space<vmem>>
        %parallel_loop3A_581 = tpu.memref_squeeze %parallel_loop3A_580 : memref<1x4x2x1024xf32, #tpu.memory_space<vmem>> -> memref<4x2x1024xf32, #tpu.memory_space<vmem>>
        %parallel_loop3A_582 = arith.constant 0 : i32
        %parallel_loop3A_583 = arith.constant 0 : i32
        %parallel_loop3A_584 = tpu.memref_slice %parallel_loop3A_581[%parallel_loop3A_575, %parallel_loop3A_582, %parallel_loop3A_583] : memref<4x2x1024xf32, #tpu.memory_space<vmem>> -> memref<1x2x1024xf32, #tpu.memory_space<vmem>>
        %parallel_loop3A_585 = tpu.memref_squeeze %parallel_loop3A_584 : memref<1x2x1024xf32, #tpu.memory_space<vmem>> -> memref<2x1024xf32, #tpu.memory_space<vmem>>
        %parallel_loop3A_586 = arith.constant 0 : i32
        %parallel_loop3A_587 = tpu.memref_slice %parallel_loop3A_585[%parallel_loop3A_576, %parallel_loop3A_586] : memref<2x1024xf32, #tpu.memory_space<vmem>> -> memref<1x1024xf32, #tpu.memory_space<vmem>>
        %parallel_loop3A_588 = tpu.memref_squeeze %parallel_loop3A_587 : memref<1x1024xf32, #tpu.memory_space<vmem>> -> memref<1024xf32, #tpu.memory_space<vmem>>
        %parallel_loop3A_589 = arith.index_cast %parallel_loop3A_561 : i32 to index
        %parallel_loop3A_590 = tpu.vector_load %parallel_loop3A_588[%parallel_loop3A_589] {strides = array<i32>} : memref<1024xf32, #tpu.memory_space<vmem>>, vector<16xf32>,
        %parallel_loop3A_591 = vector.shape_cast %parallel_loop3A_590 : vector<16xf32> to vector<16xf32>
        %parallel_loop3A_592 = arith.addf %parallel_loop3A_591, %parallel_loop3A_573 : vector<16xf32>
        %parallel_loop3A_593 = arith.constant 0 : i32
        %parallel_loop3A_594 = arith.constant 0 : i32
        %parallel_loop3A_595 = arith.constant 1 : i32
        %parallel_loop3A_596 = arith.constant 0 : i32
        %parallel_loop3A_597 = arith.constant 0 : i32
        %parallel_loop3A_598 = arith.constant 0 : i32
        %parallel_loop3A_599 = tpu.memref_slice %arg7[%parallel_loop3A_593, %parallel_loop3A_596, %parallel_loop3A_597, %parallel_loop3A_598] : memref<4x4x2x1024xf32, #tpu.memory_space<vmem>> -> memref<1x4x2x1024xf32, #tpu.memory_space<vmem>>
        %parallel_loop3A_600 = tpu.memref_squeeze %parallel_loop3A_599 : memref<1x4x2x1024xf32, #tpu.memory_space<vmem>> -> memref<4x2x1024xf32, #tpu.memory_space<vmem>>
        %parallel_loop3A_601 = arith.constant 0 : i32
        %parallel_loop3A_602 = arith.constant 0 : i32
        %parallel_loop3A_603 = tpu.memref_slice %parallel_loop3A_600[%parallel_loop3A_594, %parallel_loop3A_601, %parallel_loop3A_602] : memref<4x2x1024xf32, #tpu.memory_space<vmem>> -> memref<1x2x1024xf32, #tpu.memory_space<vmem>>
        %parallel_loop3A_604 = tpu.memref_squeeze %parallel_loop3A_603 : memref<1x2x1024xf32, #tpu.memory_space<vmem>> -> memref<2x1024xf32, #tpu.memory_space<vmem>>
        %parallel_loop3A_605 = arith.constant 0 : i32
        %parallel_loop3A_606 = tpu.memref_slice %parallel_loop3A_604[%parallel_loop3A_595, %parallel_loop3A_605] : memref<2x1024xf32, #tpu.memory_space<vmem>> -> memref<1x1024xf32, #tpu.memory_space<vmem>>
        %parallel_loop3A_607 = tpu.memref_squeeze %parallel_loop3A_606 : memref<1x1024xf32, #tpu.memory_space<vmem>> -> memref<1024xf32, #tpu.memory_space<vmem>>
        %parallel_loop3A_608 = arith.index_cast %parallel_loop3A_561 : i32 to index
        %parallel_loop3A_609 = tpu.vector_load %parallel_loop3A_607[%parallel_loop3A_608] {strides = array<i32>} : memref<1024xf32, #tpu.memory_space<vmem>>, vector<16xf32>,
        %parallel_loop3A_610 = vector.shape_cast %parallel_loop3A_609 : vector<16xf32> to vector<16xf32>
        %parallel_loop3A_611 = vector.shape_cast %parallel_loop3A_592 : vector<16xf32> to vector<16xf32>
        tpu.vector_store %parallel_loop3A_607[%parallel_loop3A_608], %parallel_loop3A_611 {strides = array<i32>} : memref<1024xf32, #tpu.memory_space<vmem>>, vector<16xf32>,
        %parallel_loop3A_612 = arith.constant 0 : i32
        %parallel_loop3A_613 = arith.constant 1 : i32
        %parallel_loop3A_614 = arith.constant 1 : i32
        %parallel_loop3A_615 = arith.constant 0 : i32
        %parallel_loop3A_616 = arith.constant 0 : i32
        %parallel_loop3A_617 = arith.constant 0 : i32
        %parallel_loop3A_618 = tpu.memref_slice %arg5[%parallel_loop3A_612, %parallel_loop3A_615, %parallel_loop3A_616, %parallel_loop3A_617] : memref<4x4x2x1024xf32, #tpu.memory_space<vmem>> -> memref<1x4x2x1024xf32, #tpu.memory_space<vmem>>
        %parallel_loop3A_619 = tpu.memref_squeeze %parallel_loop3A_618 : memref<1x4x2x1024xf32, #tpu.memory_space<vmem>> -> memref<4x2x1024xf32, #tpu.memory_space<vmem>>
        %parallel_loop3A_620 = arith.constant 0 : i32
        %parallel_loop3A_621 = arith.constant 0 : i32
        %parallel_loop3A_622 = tpu.memref_slice %parallel_loop3A_619[%parallel_loop3A_613, %parallel_loop3A_620, %parallel_loop3A_621] : memref<4x2x1024xf32, #tpu.memory_space<vmem>> -> memref<1x2x1024xf32, #tpu.memory_space<vmem>>
        %parallel_loop3A_623 = tpu.memref_squeeze %parallel_loop3A_622 : memref<1x2x1024xf32, #tpu.memory_space<vmem>> -> memref<2x1024xf32, #tpu.memory_space<vmem>>
        %parallel_loop3A_624 = arith.constant 0 : i32
        %parallel_loop3A_625 = tpu.memref_slice %parallel_loop3A_623[%parallel_loop3A_614, %parallel_loop3A_624] : memref<2x1024xf32, #tpu.memory_space<vmem>> -> memref<1x1024xf32, #tpu.memory_space<vmem>>
        %parallel_loop3A_626 = tpu.memref_squeeze %parallel_loop3A_625 : memref<1x1024xf32, #tpu.memory_space<vmem>> -> memref<1024xf32, #tpu.memory_space<vmem>>
        %parallel_loop3A_627 = arith.index_cast %parallel_loop3A_561 : i32 to index
        %parallel_loop3A_628 = tpu.vector_load %parallel_loop3A_626[%parallel_loop3A_627] {strides = array<i32>} : memref<1024xf32, #tpu.memory_space<vmem>>, vector<16xf32>,
        %parallel_loop3A_629 = vector.shape_cast %parallel_loop3A_628 : vector<16xf32> to vector<16xf32>
        %parallel_loop3A_630 = arith.addf %parallel_loop3A_629, %parallel_loop3A_573 : vector<16xf32>
        %parallel_loop3A_631 = arith.constant 0 : i32
        %parallel_loop3A_632 = arith.constant 1 : i32
        %parallel_loop3A_633 = arith.constant 1 : i32
        %parallel_loop3A_634 = arith.constant 0 : i32
        %parallel_loop3A_635 = arith.constant 0 : i32
        %parallel_loop3A_636 = arith.constant 0 : i32
        %parallel_loop3A_637 = tpu.memref_slice %arg7[%parallel_loop3A_631, %parallel_loop3A_634, %parallel_loop3A_635, %parallel_loop3A_636] : memref<4x4x2x1024xf32, #tpu.memory_space<vmem>> -> memref<1x4x2x1024xf32, #tpu.memory_space<vmem>>
        %parallel_loop3A_638 = tpu.memref_squeeze %parallel_loop3A_637 : memref<1x4x2x1024xf32, #tpu.memory_space<vmem>> -> memref<4x2x1024xf32, #tpu.memory_space<vmem>>
        %parallel_loop3A_639 = arith.constant 0 : i32
        %parallel_loop3A_640 = arith.constant 0 : i32
        %parallel_loop3A_641 = tpu.memref_slice %parallel_loop3A_638[%parallel_loop3A_632, %parallel_loop3A_639, %parallel_loop3A_640] : memref<4x2x1024xf32, #tpu.memory_space<vmem>> -> memref<1x2x1024xf32, #tpu.memory_space<vmem>>
        %parallel_loop3A_642 = tpu.memref_squeeze %parallel_loop3A_641 : memref<1x2x1024xf32, #tpu.memory_space<vmem>> -> memref<2x1024xf32, #tpu.memory_space<vmem>>
        %parallel_loop3A_643 = arith.constant 0 : i32
        %parallel_loop3A_644 = tpu.memref_slice %parallel_loop3A_642[%parallel_loop3A_633, %parallel_loop3A_643] : memref<2x1024xf32, #tpu.memory_space<vmem>> -> memref<1x1024xf32, #tpu.memory_space<vmem>>
        %parallel_loop3A_645 = tpu.memref_squeeze %parallel_loop3A_644 : memref<1x1024xf32, #tpu.memory_space<vmem>> -> memref<1024xf32, #tpu.memory_space<vmem>>
        %parallel_loop3A_646 = arith.index_cast %parallel_loop3A_561 : i32 to index
        %parallel_loop3A_647 = tpu.vector_load %parallel_loop3A_645[%parallel_loop3A_646] {strides = array<i32>} : memref<1024xf32, #tpu.memory_space<vmem>>, vector<16xf32>,
        %parallel_loop3A_648 = vector.shape_cast %parallel_loop3A_647 : vector<16xf32> to vector<16xf32>
        %parallel_loop3A_649 = vector.shape_cast %parallel_loop3A_630 : vector<16xf32> to vector<16xf32>
        tpu.vector_store %parallel_loop3A_645[%parallel_loop3A_646], %parallel_loop3A_649 {strides = array<i32>} : memref<1024xf32, #tpu.memory_space<vmem>>, vector<16xf32>,
        %parallel_loop3A_650 = arith.constant 0 : i32
        %parallel_loop3A_651 = arith.constant 2 : i32
        %parallel_loop3A_652 = arith.constant 1 : i32
        %parallel_loop3A_653 = arith.constant 0 : i32
        %parallel_loop3A_654 = arith.constant 0 : i32
        %parallel_loop3A_655 = arith.constant 0 : i32
        %parallel_loop3A_656 = tpu.memref_slice %arg5[%parallel_loop3A_650, %parallel_loop3A_653, %parallel_loop3A_654, %parallel_loop3A_655] : memref<4x4x2x1024xf32, #tpu.memory_space<vmem>> -> memref<1x4x2x1024xf32, #tpu.memory_space<vmem>>
        %parallel_loop3A_657 = tpu.memref_squeeze %parallel_loop3A_656 : memref<1x4x2x1024xf32, #tpu.memory_space<vmem>> -> memref<4x2x1024xf32, #tpu.memory_space<vmem>>
        %parallel_loop3A_658 = arith.constant 0 : i32
        %parallel_loop3A_659 = arith.constant 0 : i32
        %parallel_loop3A_660 = tpu.memref_slice %parallel_loop3A_657[%parallel_loop3A_651, %parallel_loop3A_658, %parallel_loop3A_659] : memref<4x2x1024xf32, #tpu.memory_space<vmem>> -> memref<1x2x1024xf32, #tpu.memory_space<vmem>>
        %parallel_loop3A_661 = tpu.memref_squeeze %parallel_loop3A_660 : memref<1x2x1024xf32, #tpu.memory_space<vmem>> -> memref<2x1024xf32, #tpu.memory_space<vmem>>
        %parallel_loop3A_662 = arith.constant 0 : i32
        %parallel_loop3A_663 = tpu.memref_slice %parallel_loop3A_661[%parallel_loop3A_652, %parallel_loop3A_662] : memref<2x1024xf32, #tpu.memory_space<vmem>> -> memref<1x1024xf32, #tpu.memory_space<vmem>>
        %parallel_loop3A_664 = tpu.memref_squeeze %parallel_loop3A_663 : memref<1x1024xf32, #tpu.memory_space<vmem>> -> memref<1024xf32, #tpu.memory_space<vmem>>
        %parallel_loop3A_665 = arith.index_cast %parallel_loop3A_561 : i32 to index
        %parallel_loop3A_666 = tpu.vector_load %parallel_loop3A_664[%parallel_loop3A_665] {strides = array<i32>} : memref<1024xf32, #tpu.memory_space<vmem>>, vector<16xf32>,
        %parallel_loop3A_667 = vector.shape_cast %parallel_loop3A_666 : vector<16xf32> to vector<16xf32>
        %parallel_loop3A_668 = arith.addf %parallel_loop3A_667, %parallel_loop3A_573 : vector<16xf32>
        %parallel_loop3A_669 = arith.constant 0 : i32
        %parallel_loop3A_670 = arith.constant 2 : i32
        %parallel_loop3A_671 = arith.constant 1 : i32
        %parallel_loop3A_672 = arith.constant 0 : i32
        %parallel_loop3A_673 = arith.constant 0 : i32
        %parallel_loop3A_674 = arith.constant 0 : i32
        %parallel_loop3A_675 = tpu.memref_slice %arg7[%parallel_loop3A_669, %parallel_loop3A_672, %parallel_loop3A_673, %parallel_loop3A_674] : memref<4x4x2x1024xf32, #tpu.memory_space<vmem>> -> memref<1x4x2x1024xf32, #tpu.memory_space<vmem>>
        %parallel_loop3A_676 = tpu.memref_squeeze %parallel_loop3A_675 : memref<1x4x2x1024xf32, #tpu.memory_space<vmem>> -> memref<4x2x1024xf32, #tpu.memory_space<vmem>>
        %parallel_loop3A_677 = arith.constant 0 : i32
        %parallel_loop3A_678 = arith.constant 0 : i32
        %parallel_loop3A_679 = tpu.memref_slice %parallel_loop3A_676[%parallel_loop3A_670, %parallel_loop3A_677, %parallel_loop3A_678] : memref<4x2x1024xf32, #tpu.memory_space<vmem>> -> memref<1x2x1024xf32, #tpu.memory_space<vmem>>
        %parallel_loop3A_680 = tpu.memref_squeeze %parallel_loop3A_679 : memref<1x2x1024xf32, #tpu.memory_space<vmem>> -> memref<2x1024xf32, #tpu.memory_space<vmem>>
        %parallel_loop3A_681 = arith.constant 0 : i32
        %parallel_loop3A_682 = tpu.memref_slice %parallel_loop3A_680[%parallel_loop3A_671, %parallel_loop3A_681] : memref<2x1024xf32, #tpu.memory_space<vmem>> -> memref<1x1024xf32, #tpu.memory_space<vmem>>
        %parallel_loop3A_683 = tpu.memref_squeeze %parallel_loop3A_682 : memref<1x1024xf32, #tpu.memory_space<vmem>> -> memref<1024xf32, #tpu.memory_space<vmem>>
        %parallel_loop3A_684 = arith.index_cast %parallel_loop3A_561 : i32 to index
        %parallel_loop3A_685 = tpu.vector_load %parallel_loop3A_683[%parallel_loop3A_684] {strides = array<i32>} : memref<1024xf32, #tpu.memory_space<vmem>>, vector<16xf32>,
        %parallel_loop3A_686 = vector.shape_cast %parallel_loop3A_685 : vector<16xf32> to vector<16xf32>
        %parallel_loop3A_687 = vector.shape_cast %parallel_loop3A_668 : vector<16xf32> to vector<16xf32>
        tpu.vector_store %parallel_loop3A_683[%parallel_loop3A_684], %parallel_loop3A_687 {strides = array<i32>} : memref<1024xf32, #tpu.memory_space<vmem>>, vector<16xf32>,
        %parallel_loop3A_688 = arith.constant 0 : i32
        %parallel_loop3A_689 = arith.constant 3 : i32
        %parallel_loop3A_690 = arith.constant 1 : i32
        %parallel_loop3A_691 = arith.constant 0 : i32
        %parallel_loop3A_692 = arith.constant 0 : i32
        %parallel_loop3A_693 = arith.constant 0 : i32
        %parallel_loop3A_694 = tpu.memref_slice %arg5[%parallel_loop3A_688, %parallel_loop3A_691, %parallel_loop3A_692, %parallel_loop3A_693] : memref<4x4x2x1024xf32, #tpu.memory_space<vmem>> -> memref<1x4x2x1024xf32, #tpu.memory_space<vmem>>
        %parallel_loop3A_695 = tpu.memref_squeeze %parallel_loop3A_694 : memref<1x4x2x1024xf32, #tpu.memory_space<vmem>> -> memref<4x2x1024xf32, #tpu.memory_space<vmem>>
        %parallel_loop3A_696 = arith.constant 0 : i32
        %parallel_loop3A_697 = arith.constant 0 : i32
        %parallel_loop3A_698 = tpu.memref_slice %parallel_loop3A_695[%parallel_loop3A_689, %parallel_loop3A_696, %parallel_loop3A_697] : memref<4x2x1024xf32, #tpu.memory_space<vmem>> -> memref<1x2x1024xf32, #tpu.memory_space<vmem>>
        %parallel_loop3A_699 = tpu.memref_squeeze %parallel_loop3A_698 : memref<1x2x1024xf32, #tpu.memory_space<vmem>> -> memref<2x1024xf32, #tpu.memory_space<vmem>>
        %parallel_loop3A_700 = arith.constant 0 : i32
        %parallel_loop3A_701 = tpu.memref_slice %parallel_loop3A_699[%parallel_loop3A_690, %parallel_loop3A_700] : memref<2x1024xf32, #tpu.memory_space<vmem>> -> memref<1x1024xf32, #tpu.memory_space<vmem>>
        %parallel_loop3A_702 = tpu.memref_squeeze %parallel_loop3A_701 : memref<1x1024xf32, #tpu.memory_space<vmem>> -> memref<1024xf32, #tpu.memory_space<vmem>>
        %parallel_loop3A_703 = arith.index_cast %parallel_loop3A_561 : i32 to index
        %parallel_loop3A_704 = tpu.vector_load %parallel_loop3A_702[%parallel_loop3A_703] {strides = array<i32>} : memref<1024xf32, #tpu.memory_space<vmem>>, vector<16xf32>,
        %parallel_loop3A_705 = vector.shape_cast %parallel_loop3A_704 : vector<16xf32> to vector<16xf32>
        %parallel_loop3A_706 = arith.addf %parallel_loop3A_705, %parallel_loop3A_573 : vector<16xf32>
        %parallel_loop3A_707 = arith.constant 0 : i32
        %parallel_loop3A_708 = arith.constant 3 : i32
        %parallel_loop3A_709 = arith.constant 1 : i32
        %parallel_loop3A_710 = arith.constant 0 : i32
        %parallel_loop3A_711 = arith.constant 0 : i32
        %parallel_loop3A_712 = arith.constant 0 : i32
        %parallel_loop3A_713 = tpu.memref_slice %arg7[%parallel_loop3A_707, %parallel_loop3A_710, %parallel_loop3A_711, %parallel_loop3A_712] : memref<4x4x2x1024xf32, #tpu.memory_space<vmem>> -> memref<1x4x2x1024xf32, #tpu.memory_space<vmem>>
        %parallel_loop3A_714 = tpu.memref_squeeze %parallel_loop3A_713 : memref<1x4x2x1024xf32, #tpu.memory_space<vmem>> -> memref<4x2x1024xf32, #tpu.memory_space<vmem>>
        %parallel_loop3A_715 = arith.constant 0 : i32
        %parallel_loop3A_716 = arith.constant 0 : i32
        %parallel_loop3A_717 = tpu.memref_slice %parallel_loop3A_714[%parallel_loop3A_708, %parallel_loop3A_715, %parallel_loop3A_716] : memref<4x2x1024xf32, #tpu.memory_space<vmem>> -> memref<1x2x1024xf32, #tpu.memory_space<vmem>>
        %parallel_loop3A_718 = tpu.memref_squeeze %parallel_loop3A_717 : memref<1x2x1024xf32, #tpu.memory_space<vmem>> -> memref<2x1024xf32, #tpu.memory_space<vmem>>
        %parallel_loop3A_719 = arith.constant 0 : i32
        %parallel_loop3A_720 = tpu.memref_slice %parallel_loop3A_718[%parallel_loop3A_709, %parallel_loop3A_719] : memref<2x1024xf32, #tpu.memory_space<vmem>> -> memref<1x1024xf32, #tpu.memory_space<vmem>>
        %parallel_loop3A_721 = tpu.memref_squeeze %parallel_loop3A_720 : memref<1x1024xf32, #tpu.memory_space<vmem>> -> memref<1024xf32, #tpu.memory_space<vmem>>
        %parallel_loop3A_722 = arith.index_cast %parallel_loop3A_561 : i32 to index
        %parallel_loop3A_723 = tpu.vector_load %parallel_loop3A_721[%parallel_loop3A_722] {strides = array<i32>} : memref<1024xf32, #tpu.memory_space<vmem>>, vector<16xf32>,
        %parallel_loop3A_724 = vector.shape_cast %parallel_loop3A_723 : vector<16xf32> to vector<16xf32>
        %parallel_loop3A_725 = vector.shape_cast %parallel_loop3A_706 : vector<16xf32> to vector<16xf32>
        tpu.vector_store %parallel_loop3A_721[%parallel_loop3A_722], %parallel_loop3A_725 {strides = array<i32>} : memref<1024xf32, #tpu.memory_space<vmem>>, vector<16xf32>,
      } {sc.loop_unroll_factor = 4 : i64, sc.parallel_access}
      %dma_start3A_300 = arith.constant 0 : i32
      %dma_start3A_301 = arith.constant 0 : i32
      %dma_start3A_302 = arith.constant 0 : i32
      %dma_start3A_303 = arith.constant 0 : i32
      %dma_start3A_304 = arith.constant 0 : i32
      %dma_start3A_305 = tpu.memref_slice %arg7[%dma_start3A_300, %dma_start3A_302, %dma_start3A_303, %dma_start3A_304] : memref<4x4x2x1024xf32, #tpu.memory_space<vmem>> -> memref<1x4x2x1024xf32, #tpu.memory_space<vmem>>
      %dma_start3A_306 = tpu.memref_squeeze %dma_start3A_305 : memref<1x4x2x1024xf32, #tpu.memory_space<vmem>> -> memref<4x2x1024xf32, #tpu.memory_space<vmem>>
      %dma_start3A_307 = arith.constant 0 : i32
      %dma_start3A_308 = arith.constant 0 : i32
      %dma_start3A_309 = tpu.memref_slice %arg4[%dma_start3A_307, %add3A_256, %dma_start3A_308] : memref<4x4096x1024xf32, #tpu.memory_space<hbm>> -> memref<4x2x1024xf32, #tpu.memory_space<hbm>>
      %dma_start3A_310 = tpu.memref_slice %arg9[%dma_start3A_301] : memref<4x!tpu.dma_semaphore, #tpu.memory_space<semaphore_mem>> -> memref<1x!tpu.dma_semaphore, #tpu.memory_space<semaphore_mem>>
      %dma_start3A_311 = tpu.memref_squeeze %dma_start3A_310 : memref<1x!tpu.dma_semaphore, #tpu.memory_space<semaphore_mem>> -> memref<!tpu.dma_semaphore, #tpu.memory_space<semaphore_mem>>
      %dma_start3A_312 = arith.constant 0 : i32
      %dma_start3A_313 = arith.constant 0 : i32
      %dma_start3A_314 = tpu.memref_slice %arg4[%dma_start3A_312, %add3A_256, %dma_start3A_313] : memref<4x4096x1024xf32, #tpu.memory_space<hbm>> -> memref<4x2x1024xf32, #tpu.memory_space<hbm>>
      %dma_start3A_315 = arith.constant 0 : i32
      %dma_start3A_316 = arith.constant 0 : i32
      %dma_start3A_317 = arith.constant 0 : i32
      %dma_start3A_318 = tpu.memref_slice %arg7[%dma_start3A_300, %dma_start3A_315, %dma_start3A_316, %dma_start3A_317] : memref<4x4x2x1024xf32, #tpu.memory_space<vmem>> -> memref<1x4x2x1024xf32, #tpu.memory_space<vmem>>
      %dma_start3A_319 = tpu.memref_squeeze %dma_start3A_318 : memref<1x4x2x1024xf32, #tpu.memory_space<vmem>> -> memref<4x2x1024xf32, #tpu.memory_space<vmem>>
      tpu.enqueue_dma source(%dma_start3A_319 : memref<4x2x1024xf32, #tpu.memory_space<vmem>>) target(%dma_start3A_314 : memref<4x2x1024xf32, #tpu.memory_space<hbm>>) target_semaphore(%dma_start3A_311 : memref<!tpu.dma_semaphore, #tpu.memory_space<semaphore_mem>>)
      %lt3A = arith.constant 15 : i32
      %lt3A_320 = arith.cmpi slt, %add3A_249, %lt3A : i32
      %convert_element_type3A_321 = arith.extui %lt3A_320 : i1 to i32
      %cond3A_322 = arith.constant 0 : i32
      %cond3A_323 = arith.cmpi ne, %convert_element_type3A_321, %cond3A_322 : i32
      scf.if %cond3A_323 {
        %add3A_561 = arith.constant 1 : i32
        %add3A_562 = arith.addi %add3A_249, %add3A_561 : i32
        %mul3A_563 = arith.constant 4 : i32
        %mul3A_564 = arith.muli %add3A_562, %mul3A_563 : i32
        %add3A_565 = arith.constant 0 : i32
        %add3A_566 = arith.addi %mul3A_564, %add3A_565 : i32
        %mul3A_567 = arith.constant 2 : i32
        %mul3A_568 = arith.muli %add3A_566, %mul3A_567 : i32
        %add3A_569 = arith.addi %mul3A_2, %mul3A_568 : i32
        %dma_start3A_570 = arith.constant 0 : i32
        %dma_start3A_571 = arith.constant 0 : i32
        %dma_start3A_572 = arith.constant 0 : i32
        %dma_start3A_573 = arith.constant 0 : i32
        %dma_start3A_574 = arith.constant 0 : i32
        %dma_start3A_575 = tpu.memref_slice %arg5[%dma_start3A_570, %dma_start3A_572, %dma_start3A_573, %dma_start3A_574] : memref<4x4x2x1024xf32, #tpu.memory_space<vmem>> -> memref<1x4x2x1024xf32, #tpu.memory_space<vmem>>
        %dma_start3A_576 = tpu.memref_squeeze %dma_start3A_575 : memref<1x4x2x1024xf32, #tpu.memory_space<vmem>> -> memref<4x2x1024xf32, #tpu.memory_space<vmem>>
        %dma_start3A_577 = arith.constant 0 : i32
        %dma_start3A_578 = arith.constant 0 : i32
        %dma_start3A_579 = tpu.memref_slice %arg2[%dma_start3A_577, %add3A_569, %dma_start3A_578] : memref<4x4096x1024xf32, #tpu.memory_space<hbm>> -> memref<4x2x1024xf32, #tpu.memory_space<hbm>>
        %dma_start3A_580 = tpu.memref_slice %arg8[%dma_start3A_571] : memref<4x!tpu.dma_semaphore, #tpu.memory_space<semaphore_mem>> -> memref<1x!tpu.dma_semaphore, #tpu.memory_space<semaphore_mem>>
        %dma_start3A_581 = tpu.memref_squeeze %dma_start3A_580 : memref<1x!tpu.dma_semaphore, #tpu.memory_space<semaphore_mem>> -> memref<!tpu.dma_semaphore, #tpu.memory_space<semaphore_mem>>
        %dma_start3A_582 = arith.constant 0 : i32
        %dma_start3A_583 = arith.constant 0 : i32
        %dma_start3A_584 = arith.constant 0 : i32
        %dma_start3A_585 = tpu.memref_slice %arg5[%dma_start3A_570, %dma_start3A_582, %dma_start3A_583, %dma_start3A_584] : memref<4x4x2x1024xf32, #tpu.memory_space<vmem>> -> memref<1x4x2x1024xf32, #tpu.memory_space<vmem>>
        %dma_start3A_586 = tpu.memref_squeeze %dma_start3A_585 : memref<1x4x2x1024xf32, #tpu.memory_space<vmem>> -> memref<4x2x1024xf32, #tpu.memory_space<vmem>>
        %dma_start3A_587 = arith.constant 0 : i32
        %dma_start3A_588 = arith.constant 0 : i32
        %dma_start3A_589 = tpu.memref_slice %arg2[%dma_start3A_587, %add3A_569, %dma_start3A_588] : memref<4x4096x1024xf32, #tpu.memory_space<hbm>> -> memref<4x2x1024xf32, #tpu.memory_space<hbm>>
        tpu.enqueue_dma source(%dma_start3A_589 : memref<4x2x1024xf32, #tpu.memory_space<hbm>>) target(%dma_start3A_586 : memref<4x2x1024xf32, #tpu.memory_space<vmem>>) target_semaphore(%dma_start3A_581 : memref<!tpu.dma_semaphore, #tpu.memory_space<semaphore_mem>>)
        %dma_start3A_590 = arith.constant 0 : i32
        %dma_start3A_591 = arith.constant 0 : i32
        %dma_start3A_592 = arith.constant 0 : i32
        %dma_start3A_593 = arith.constant 0 : i32
        %dma_start3A_594 = tpu.memref_slice %arg6[%dma_start3A_590, %dma_start3A_592, %dma_start3A_593] : memref<4x2x1024xf32, #tpu.memory_space<vmem>> -> memref<1x2x1024xf32, #tpu.memory_space<vmem>>
        %dma_start3A_595 = tpu.memref_squeeze %dma_start3A_594 : memref<1x2x1024xf32, #tpu.memory_space<vmem>> -> memref<2x1024xf32, #tpu.memory_space<vmem>>
        %dma_start3A_596 = arith.constant 0 : i32
        %dma_start3A_597 = tpu.memref_slice %arg3[%add3A_569, %dma_start3A_596] : memref<8192x1024xf32, #tpu.memory_space<hbm>> -> memref<2x1024xf32, #tpu.memory_space<hbm>>
        %dma_start3A_598 = tpu.memref_slice %arg8[%dma_start3A_591] : memref<4x!tpu.dma_semaphore, #tpu.memory_space<semaphore_mem>> -> memref<1x!tpu.dma_semaphore, #tpu.memory_space<semaphore_mem>>
        %dma_start3A_599 = tpu.memref_squeeze %dma_start3A_598 : memref<1x!tpu.dma_semaphore, #tpu.memory_space<semaphore_mem>> -> memref<!tpu.dma_semaphore, #tpu.memory_space<semaphore_mem>>
        %dma_start3A_600 = arith.constant 0 : i32
        %dma_start3A_601 = arith.constant 0 : i32
        %dma_start3A_602 = tpu.memref_slice %arg6[%dma_start3A_590, %dma_start3A_600, %dma_start3A_601] : memref<4x2x1024xf32, #tpu.memory_space<vmem>> -> memref<1x2x1024xf32, #tpu.memory_space<vmem>>
        %dma_start3A_603 = tpu.memref_squeeze %dma_start3A_602 : memref<1x2x1024xf32, #tpu.memory_space<vmem>> -> memref<2x1024xf32, #tpu.memory_space<vmem>>
        %dma_start3A_604 = arith.constant 0 : i32
        %dma_start3A_605 = tpu.memref_slice %arg3[%add3A_569, %dma_start3A_604] : memref<8192x1024xf32, #tpu.memory_space<hbm>> -> memref<2x1024xf32, #tpu.memory_space<hbm>>
        tpu.enqueue_dma source(%dma_start3A_605 : memref<2x1024xf32, #tpu.memory_space<hbm>>) target(%dma_start3A_603 : memref<2x1024xf32, #tpu.memory_space<vmem>>) target_semaphore(%dma_start3A_599 : memref<!tpu.dma_semaphore, #tpu.memory_space<semaphore_mem>>)
      } else {
      }
      %mul3A_324 = arith.constant 4 : i32
      %mul3A_325 = arith.muli %add3A_249, %mul3A_324 : i32
      %add3A_326 = arith.constant 1 : i32
      %add3A_327 = arith.addi %mul3A_325, %add3A_326 : i32
      %mul3A_328 = arith.constant 2 : i32
      %mul3A_329 = arith.muli %add3A_327, %mul3A_328 : i32
      %add3A_330 = arith.addi %mul3A_2, %mul3A_329 : i32
      %dma_wait3A_331 = arith.constant 1 : i32
      %dma_wait3A_332 = arith.constant 1 : i32
      %dma_wait3A_333 = arith.constant 0 : i32
      %dma_wait3A_334 = arith.constant 0 : i32
      %dma_wait3A_335 = arith.constant 0 : i32
      %dma_wait3A_336 = tpu.memref_slice %arg5[%dma_wait3A_331, %dma_wait3A_333, %dma_wait3A_334, %dma_wait3A_335] : memref<4x4x2x1024xf32, #tpu.memory_space<vmem>> -> memref<1x4x2x1024xf32, #tpu.memory_space<vmem>>
      %dma_wait3A_337 = tpu.memref_squeeze %dma_wait3A_336 : memref<1x4x2x1024xf32, #tpu.memory_space<vmem>> -> memref<4x2x1024xf32, #tpu.memory_space<vmem>>
      %dma_wait3A_338 = arith.constant 0 : i32
      %dma_wait3A_339 = arith.constant 0 : i32
      %dma_wait3A_340 = tpu.memref_slice %arg2[%dma_wait3A_338, %add3A_330, %dma_wait3A_339] : memref<4x4096x1024xf32, #tpu.memory_space<hbm>> -> memref<4x2x1024xf32, #tpu.memory_space<hbm>>
      %dma_wait3A_341 = tpu.memref_slice %arg8[%dma_wait3A_332] : memref<4x!tpu.dma_semaphore, #tpu.memory_space<semaphore_mem>> -> memref<1x!tpu.dma_semaphore, #tpu.memory_space<semaphore_mem>>
      %dma_wait3A_342 = tpu.memref_squeeze %dma_wait3A_341 : memref<1x!tpu.dma_semaphore, #tpu.memory_space<semaphore_mem>> -> memref<!tpu.dma_semaphore, #tpu.memory_space<semaphore_mem>>
      %dma_wait3A_343 = arith.constant 0 : i32
      %dma_wait3A_344 = arith.constant 0 : i32
      %dma_wait3A_345 = arith.constant 0 : i32
      %dma_wait3A_346 = tpu.memref_slice %arg5[%dma_wait3A_331, %dma_wait3A_343, %dma_wait3A_344, %dma_wait3A_345] : memref<4x4x2x1024xf32, #tpu.memory_space<vmem>> -> memref<1x4x2x1024xf32, #tpu.memory_space<vmem>>
      %dma_wait3A_347 = tpu.memref_squeeze %dma_wait3A_346 : memref<1x4x2x1024xf32, #tpu.memory_space<vmem>> -> memref<4x2x1024xf32, #tpu.memory_space<vmem>>
      %dma_wait3A_348 = arith.constant 0 : i32
      %dma_wait3A_349 = arith.constant 0 : i32
      %dma_wait3A_350 = tpu.memref_slice %arg2[%dma_wait3A_348, %add3A_330, %dma_wait3A_349] : memref<4x4096x1024xf32, #tpu.memory_space<hbm>> -> memref<4x2x1024xf32, #tpu.memory_space<hbm>>
      tpu.wait_dma2 semaphore(%dma_wait3A_342 : memref<!tpu.dma_semaphore, #tpu.memory_space<semaphore_mem>>) src(%dma_wait3A_350 : memref<4x2x1024xf32, #tpu.memory_space<hbm>>) dst(%dma_wait3A_347 : memref<4x2x1024xf32, #tpu.memory_space<vmem>>)
      %dma_wait3A_351 = arith.constant 1 : i32
      %dma_wait3A_352 = arith.constant 1 : i32
      %dma_wait3A_353 = arith.constant 0 : i32
      %dma_wait3A_354 = arith.constant 0 : i32
      %dma_wait3A_355 = tpu.memref_slice %arg6[%dma_wait3A_351, %dma_wait3A_353, %dma_wait3A_354] : memref<4x2x1024xf32, #tpu.memory_space<vmem>> -> memref<1x2x1024xf32, #tpu.memory_space<vmem>>
      %dma_wait3A_356 = tpu.memref_squeeze %dma_wait3A_355 : memref<1x2x1024xf32, #tpu.memory_space<vmem>> -> memref<2x1024xf32, #tpu.memory_space<vmem>>
      %dma_wait3A_357 = arith.constant 0 : i32
      %dma_wait3A_358 = tpu.memref_slice %arg3[%add3A_330, %dma_wait3A_357] : memref<8192x1024xf32, #tpu.memory_space<hbm>> -> memref<2x1024xf32, #tpu.memory_space<hbm>>
      %dma_wait3A_359 = tpu.memref_slice %arg8[%dma_wait3A_352] : memref<4x!tpu.dma_semaphore, #tpu.memory_space<semaphore_mem>> -> memref<1x!tpu.dma_semaphore, #tpu.memory_space<semaphore_mem>>
      %dma_wait3A_360 = tpu.memref_squeeze %dma_wait3A_359 : memref<1x!tpu.dma_semaphore, #tpu.memory_space<semaphore_mem>> -> memref<!tpu.dma_semaphore, #tpu.memory_space<semaphore_mem>>
      %dma_wait3A_361 = arith.constant 0 : i32
      %dma_wait3A_362 = arith.constant 0 : i32
      %dma_wait3A_363 = tpu.memref_slice %arg6[%dma_wait3A_351, %dma_wait3A_361, %dma_wait3A_362] : memref<4x2x1024xf32, #tpu.memory_space<vmem>> -> memref<1x2x1024xf32, #tpu.memory_space<vmem>>
      %dma_wait3A_364 = tpu.memref_squeeze %dma_wait3A_363 : memref<1x2x1024xf32, #tpu.memory_space<vmem>> -> memref<2x1024xf32, #tpu.memory_space<vmem>>
      %dma_wait3A_365 = arith.constant 0 : i32
      %dma_wait3A_366 = tpu.memref_slice %arg3[%add3A_330, %dma_wait3A_365] : memref<8192x1024xf32, #tpu.memory_space<hbm>> -> memref<2x1024xf32, #tpu.memory_space<hbm>>
      tpu.wait_dma2 semaphore(%dma_wait3A_360 : memref<!tpu.dma_semaphore, #tpu.memory_space<semaphore_mem>>) src(%dma_wait3A_366 : memref<2x1024xf32, #tpu.memory_space<hbm>>) dst(%dma_wait3A_364 : memref<2x1024xf32, #tpu.memory_space<vmem>>)
      %gt3A_367 = arith.constant 0 : i32
      %gt3A_368 = arith.cmpi sgt, %add3A_249, %gt3A_367 : i32
      %convert_element_type3A_369 = arith.extui %gt3A_368 : i1 to i32
      %cond3A_370 = arith.constant 0 : i32
      %cond3A_371 = arith.cmpi ne, %convert_element_type3A_369, %cond3A_370 : i32
      scf.if %cond3A_371 {
        %dma_wait3A_561 = arith.constant 1 : i32
        %dma_wait3A_562 = arith.constant 1 : i32
        %dma_wait3A_563 = arith.constant 0 : i32
        %dma_wait3A_564 = arith.constant 0 : i32
        %dma_wait3A_565 = arith.constant 0 : i32
        %dma_wait3A_566 = tpu.memref_slice %arg7[%dma_wait3A_561, %dma_wait3A_563, %dma_wait3A_564, %dma_wait3A_565] : memref<4x4x2x1024xf32, #tpu.memory_space<vmem>> -> memref<1x4x2x1024xf32, #tpu.memory_space<vmem>>
        %dma_wait3A_567 = tpu.memref_squeeze %dma_wait3A_566 : memref<1x4x2x1024xf32, #tpu.memory_space<vmem>> -> memref<4x2x1024xf32, #tpu.memory_space<vmem>>
        %dma_wait3A_568 = arith.constant 0 : i32
        %dma_wait3A_569 = arith.constant 0 : i32
        %dma_wait3A_570 = tpu.memref_slice %arg4[%dma_wait3A_568, %add3A_330, %dma_wait3A_569] : memref<4x4096x1024xf32, #tpu.memory_space<hbm>> -> memref<4x2x1024xf32, #tpu.memory_space<hbm>>
        %dma_wait3A_571 = tpu.memref_slice %arg9[%dma_wait3A_562] : memref<4x!tpu.dma_semaphore, #tpu.memory_space<semaphore_mem>> -> memref<1x!tpu.dma_semaphore, #tpu.memory_space<semaphore_mem>>
        %dma_wait3A_572 = tpu.memref_squeeze %dma_wait3A_571 : memref<1x!tpu.dma_semaphore, #tpu.memory_space<semaphore_mem>> -> memref<!tpu.dma_semaphore, #tpu.memory_space<semaphore_mem>>
        %dma_wait3A_573 = arith.constant 0 : i32
        %dma_wait3A_574 = arith.constant 0 : i32
        %dma_wait3A_575 = tpu.memref_slice %arg4[%dma_wait3A_573, %add3A_330, %dma_wait3A_574] : memref<4x4096x1024xf32, #tpu.memory_space<hbm>> -> memref<4x2x1024xf32, #tpu.memory_space<hbm>>
        %dma_wait3A_576 = arith.constant 0 : i32
        %dma_wait3A_577 = arith.constant 0 : i32
        %dma_wait3A_578 = arith.constant 0 : i32
        %dma_wait3A_579 = tpu.memref_slice %arg7[%dma_wait3A_561, %dma_wait3A_576, %dma_wait3A_577, %dma_wait3A_578] : memref<4x4x2x1024xf32, #tpu.memory_space<vmem>> -> memref<1x4x2x1024xf32, #tpu.memory_space<vmem>>
        %dma_wait3A_580 = tpu.memref_squeeze %dma_wait3A_579 : memref<1x4x2x1024xf32, #tpu.memory_space<vmem>> -> memref<4x2x1024xf32, #tpu.memory_space<vmem>>
        tpu.wait_dma2 semaphore(%dma_wait3A_572 : memref<!tpu.dma_semaphore, #tpu.memory_space<semaphore_mem>>) src(%dma_wait3A_580 : memref<4x2x1024xf32, #tpu.memory_space<vmem>>) dst(%dma_wait3A_575 : memref<4x2x1024xf32, #tpu.memory_space<hbm>>)
      } else {
      }
      %parallel_loop3A_372 = arith.constant 0 : i32
      %parallel_loop3A_373 = arith.constant 1024 : i32
      %parallel_loop3A_374 = arith.constant 16 : i32
      scf.for %parallel_loop3A_561 = %parallel_loop3A_372 to %parallel_loop3A_373 step %parallel_loop3A_374  : i32 {
        %parallel_loop3A_562 = arith.constant 1 : i32
        %parallel_loop3A_563 = arith.constant 0 : i32
        %parallel_loop3A_564 = arith.constant 0 : i32
        %parallel_loop3A_565 = arith.constant 0 : i32
        %parallel_loop3A_566 = tpu.memref_slice %arg6[%parallel_loop3A_562, %parallel_loop3A_564, %parallel_loop3A_565] : memref<4x2x1024xf32, #tpu.memory_space<vmem>> -> memref<1x2x1024xf32, #tpu.memory_space<vmem>>
        %parallel_loop3A_567 = tpu.memref_squeeze %parallel_loop3A_566 : memref<1x2x1024xf32, #tpu.memory_space<vmem>> -> memref<2x1024xf32, #tpu.memory_space<vmem>>
        %parallel_loop3A_568 = arith.constant 0 : i32
        %parallel_loop3A_569 = tpu.memref_slice %parallel_loop3A_567[%parallel_loop3A_563, %parallel_loop3A_568] : memref<2x1024xf32, #tpu.memory_space<vmem>> -> memref<1x1024xf32, #tpu.memory_space<vmem>>
        %parallel_loop3A_570 = tpu.memref_squeeze %parallel_loop3A_569 : memref<1x1024xf32, #tpu.memory_space<vmem>> -> memref<1024xf32, #tpu.memory_space<vmem>>
        %parallel_loop3A_571 = arith.index_cast %parallel_loop3A_561 : i32 to index
        %parallel_loop3A_572 = tpu.vector_load %parallel_loop3A_570[%parallel_loop3A_571] {strides = array<i32>} : memref<1024xf32, #tpu.memory_space<vmem>>, vector<16xf32>,
        %parallel_loop3A_573 = vector.shape_cast %parallel_loop3A_572 : vector<16xf32> to vector<16xf32>
        %parallel_loop3A_574 = arith.constant 1 : i32
        %parallel_loop3A_575 = arith.constant 0 : i32
        %parallel_loop3A_576 = arith.constant 0 : i32
        %parallel_loop3A_577 = arith.constant 0 : i32
        %parallel_loop3A_578 = arith.constant 0 : i32
        %parallel_loop3A_579 = arith.constant 0 : i32
        %parallel_loop3A_580 = tpu.memref_slice %arg5[%parallel_loop3A_574, %parallel_loop3A_577, %parallel_loop3A_578, %parallel_loop3A_579] : memref<4x4x2x1024xf32, #tpu.memory_space<vmem>> -> memref<1x4x2x1024xf32, #tpu.memory_space<vmem>>
        %parallel_loop3A_581 = tpu.memref_squeeze %parallel_loop3A_580 : memref<1x4x2x1024xf32, #tpu.memory_space<vmem>> -> memref<4x2x1024xf32, #tpu.memory_space<vmem>>
        %parallel_loop3A_582 = arith.constant 0 : i32
        %parallel_loop3A_583 = arith.constant 0 : i32
        %parallel_loop3A_584 = tpu.memref_slice %parallel_loop3A_581[%parallel_loop3A_575, %parallel_loop3A_582, %parallel_loop3A_583] : memref<4x2x1024xf32, #tpu.memory_space<vmem>> -> memref<1x2x1024xf32, #tpu.memory_space<vmem>>
        %parallel_loop3A_585 = tpu.memref_squeeze %parallel_loop3A_584 : memref<1x2x1024xf32, #tpu.memory_space<vmem>> -> memref<2x1024xf32, #tpu.memory_space<vmem>>
        %parallel_loop3A_586 = arith.constant 0 : i32
        %parallel_loop3A_587 = tpu.memref_slice %parallel_loop3A_585[%parallel_loop3A_576, %parallel_loop3A_586] : memref<2x1024xf32, #tpu.memory_space<vmem>> -> memref<1x1024xf32, #tpu.memory_space<vmem>>
        %parallel_loop3A_588 = tpu.memref_squeeze %parallel_loop3A_587 : memref<1x1024xf32, #tpu.memory_space<vmem>> -> memref<1024xf32, #tpu.memory_space<vmem>>
        %parallel_loop3A_589 = arith.index_cast %parallel_loop3A_561 : i32 to index
        %parallel_loop3A_590 = tpu.vector_load %parallel_loop3A_588[%parallel_loop3A_589] {strides = array<i32>} : memref<1024xf32, #tpu.memory_space<vmem>>, vector<16xf32>,
        %parallel_loop3A_591 = vector.shape_cast %parallel_loop3A_590 : vector<16xf32> to vector<16xf32>
        %parallel_loop3A_592 = arith.addf %parallel_loop3A_591, %parallel_loop3A_573 : vector<16xf32>
        %parallel_loop3A_593 = arith.constant 1 : i32
        %parallel_loop3A_594 = arith.constant 0 : i32
        %parallel_loop3A_595 = arith.constant 0 : i32
        %parallel_loop3A_596 = arith.constant 0 : i32
        %parallel_loop3A_597 = arith.constant 0 : i32
        %parallel_loop3A_598 = arith.constant 0 : i32
        %parallel_loop3A_599 = tpu.memref_slice %arg7[%parallel_loop3A_593, %parallel_loop3A_596, %parallel_loop3A_597, %parallel_loop3A_598] : memref<4x4x2x1024xf32, #tpu.memory_space<vmem>> -> memref<1x4x2x1024xf32, #tpu.memory_space<vmem>>
        %parallel_loop3A_600 = tpu.memref_squeeze %parallel_loop3A_599 : memref<1x4x2x1024xf32, #tpu.memory_space<vmem>> -> memref<4x2x1024xf32, #tpu.memory_space<vmem>>
        %parallel_loop3A_601 = arith.constant 0 : i32
        %parallel_loop3A_602 = arith.constant 0 : i32
        %parallel_loop3A_603 = tpu.memref_slice %parallel_loop3A_600[%parallel_loop3A_594, %parallel_loop3A_601, %parallel_loop3A_602] : memref<4x2x1024xf32, #tpu.memory_space<vmem>> -> memref<1x2x1024xf32, #tpu.memory_space<vmem>>
        %parallel_loop3A_604 = tpu.memref_squeeze %parallel_loop3A_603 : memref<1x2x1024xf32, #tpu.memory_space<vmem>> -> memref<2x1024xf32, #tpu.memory_space<vmem>>
        %parallel_loop3A_605 = arith.constant 0 : i32
        %parallel_loop3A_606 = tpu.memref_slice %parallel_loop3A_604[%parallel_loop3A_595, %parallel_loop3A_605] : memref<2x1024xf32, #tpu.memory_space<vmem>> -> memref<1x1024xf32, #tpu.memory_space<vmem>>
        %parallel_loop3A_607 = tpu.memref_squeeze %parallel_loop3A_606 : memref<1x1024xf32, #tpu.memory_space<vmem>> -> memref<1024xf32, #tpu.memory_space<vmem>>
        %parallel_loop3A_608 = arith.index_cast %parallel_loop3A_561 : i32 to index
        %parallel_loop3A_609 = tpu.vector_load %parallel_loop3A_607[%parallel_loop3A_608] {strides = array<i32>} : memref<1024xf32, #tpu.memory_space<vmem>>, vector<16xf32>,
        %parallel_loop3A_610 = vector.shape_cast %parallel_loop3A_609 : vector<16xf32> to vector<16xf32>
        %parallel_loop3A_611 = vector.shape_cast %parallel_loop3A_592 : vector<16xf32> to vector<16xf32>
        tpu.vector_store %parallel_loop3A_607[%parallel_loop3A_608], %parallel_loop3A_611 {strides = array<i32>} : memref<1024xf32, #tpu.memory_space<vmem>>, vector<16xf32>,
        %parallel_loop3A_612 = arith.constant 1 : i32
        %parallel_loop3A_613 = arith.constant 1 : i32
        %parallel_loop3A_614 = arith.constant 0 : i32
        %parallel_loop3A_615 = arith.constant 0 : i32
        %parallel_loop3A_616 = arith.constant 0 : i32
        %parallel_loop3A_617 = arith.constant 0 : i32
        %parallel_loop3A_618 = tpu.memref_slice %arg5[%parallel_loop3A_612, %parallel_loop3A_615, %parallel_loop3A_616, %parallel_loop3A_617] : memref<4x4x2x1024xf32, #tpu.memory_space<vmem>> -> memref<1x4x2x1024xf32, #tpu.memory_space<vmem>>
        %parallel_loop3A_619 = tpu.memref_squeeze %parallel_loop3A_618 : memref<1x4x2x1024xf32, #tpu.memory_space<vmem>> -> memref<4x2x1024xf32, #tpu.memory_space<vmem>>
        %parallel_loop3A_620 = arith.constant 0 : i32
        %parallel_loop3A_621 = arith.constant 0 : i32
        %parallel_loop3A_622 = tpu.memref_slice %parallel_loop3A_619[%parallel_loop3A_613, %parallel_loop3A_620, %parallel_loop3A_621] : memref<4x2x1024xf32, #tpu.memory_space<vmem>> -> memref<1x2x1024xf32, #tpu.memory_space<vmem>>
        %parallel_loop3A_623 = tpu.memref_squeeze %parallel_loop3A_622 : memref<1x2x1024xf32, #tpu.memory_space<vmem>> -> memref<2x1024xf32, #tpu.memory_space<vmem>>
        %parallel_loop3A_624 = arith.constant 0 : i32
        %parallel_loop3A_625 = tpu.memref_slice %parallel_loop3A_623[%parallel_loop3A_614, %parallel_loop3A_624] : memref<2x1024xf32, #tpu.memory_space<vmem>> -> memref<1x1024xf32, #tpu.memory_space<vmem>>
        %parallel_loop3A_626 = tpu.memref_squeeze %parallel_loop3A_625 : memref<1x1024xf32, #tpu.memory_space<vmem>> -> memref<1024xf32, #tpu.memory_space<vmem>>
        %parallel_loop3A_627 = arith.index_cast %parallel_loop3A_561 : i32 to index
        %parallel_loop3A_628 = tpu.vector_load %parallel_loop3A_626[%parallel_loop3A_627] {strides = array<i32>} : memref<1024xf32, #tpu.memory_space<vmem>>, vector<16xf32>,
        %parallel_loop3A_629 = vector.shape_cast %parallel_loop3A_628 : vector<16xf32> to vector<16xf32>
        %parallel_loop3A_630 = arith.addf %parallel_loop3A_629, %parallel_loop3A_573 : vector<16xf32>
        %parallel_loop3A_631 = arith.constant 1 : i32
        %parallel_loop3A_632 = arith.constant 1 : i32
        %parallel_loop3A_633 = arith.constant 0 : i32
        %parallel_loop3A_634 = arith.constant 0 : i32
        %parallel_loop3A_635 = arith.constant 0 : i32
        %parallel_loop3A_636 = arith.constant 0 : i32
        %parallel_loop3A_637 = tpu.memref_slice %arg7[%parallel_loop3A_631, %parallel_loop3A_634, %parallel_loop3A_635, %parallel_loop3A_636] : memref<4x4x2x1024xf32, #tpu.memory_space<vmem>> -> memref<1x4x2x1024xf32, #tpu.memory_space<vmem>>
        %parallel_loop3A_638 = tpu.memref_squeeze %parallel_loop3A_637 : memref<1x4x2x1024xf32, #tpu.memory_space<vmem>> -> memref<4x2x1024xf32, #tpu.memory_space<vmem>>
        %parallel_loop3A_639 = arith.constant 0 : i32
        %parallel_loop3A_640 = arith.constant 0 : i32
        %parallel_loop3A_641 = tpu.memref_slice %parallel_loop3A_638[%parallel_loop3A_632, %parallel_loop3A_639, %parallel_loop3A_640] : memref<4x2x1024xf32, #tpu.memory_space<vmem>> -> memref<1x2x1024xf32, #tpu.memory_space<vmem>>
        %parallel_loop3A_642 = tpu.memref_squeeze %parallel_loop3A_641 : memref<1x2x1024xf32, #tpu.memory_space<vmem>> -> memref<2x1024xf32, #tpu.memory_space<vmem>>
        %parallel_loop3A_643 = arith.constant 0 : i32
        %parallel_loop3A_644 = tpu.memref_slice %parallel_loop3A_642[%parallel_loop3A_633, %parallel_loop3A_643] : memref<2x1024xf32, #tpu.memory_space<vmem>> -> memref<1x1024xf32, #tpu.memory_space<vmem>>
        %parallel_loop3A_645 = tpu.memref_squeeze %parallel_loop3A_644 : memref<1x1024xf32, #tpu.memory_space<vmem>> -> memref<1024xf32, #tpu.memory_space<vmem>>
        %parallel_loop3A_646 = arith.index_cast %parallel_loop3A_561 : i32 to index
        %parallel_loop3A_647 = tpu.vector_load %parallel_loop3A_645[%parallel_loop3A_646] {strides = array<i32>} : memref<1024xf32, #tpu.memory_space<vmem>>, vector<16xf32>,
        %parallel_loop3A_648 = vector.shape_cast %parallel_loop3A_647 : vector<16xf32> to vector<16xf32>
        %parallel_loop3A_649 = vector.shape_cast %parallel_loop3A_630 : vector<16xf32> to vector<16xf32>
        tpu.vector_store %parallel_loop3A_645[%parallel_loop3A_646], %parallel_loop3A_649 {strides = array<i32>} : memref<1024xf32, #tpu.memory_space<vmem>>, vector<16xf32>,
        %parallel_loop3A_650 = arith.constant 1 : i32
        %parallel_loop3A_651 = arith.constant 2 : i32
        %parallel_loop3A_652 = arith.constant 0 : i32
        %parallel_loop3A_653 = arith.constant 0 : i32
        %parallel_loop3A_654 = arith.constant 0 : i32
        %parallel_loop3A_655 = arith.constant 0 : i32
        %parallel_loop3A_656 = tpu.memref_slice %arg5[%parallel_loop3A_650, %parallel_loop3A_653, %parallel_loop3A_654, %parallel_loop3A_655] : memref<4x4x2x1024xf32, #tpu.memory_space<vmem>> -> memref<1x4x2x1024xf32, #tpu.memory_space<vmem>>
        %parallel_loop3A_657 = tpu.memref_squeeze %parallel_loop3A_656 : memref<1x4x2x1024xf32, #tpu.memory_space<vmem>> -> memref<4x2x1024xf32, #tpu.memory_space<vmem>>
        %parallel_loop3A_658 = arith.constant 0 : i32
        %parallel_loop3A_659 = arith.constant 0 : i32
        %parallel_loop3A_660 = tpu.memref_slice %parallel_loop3A_657[%parallel_loop3A_651, %parallel_loop3A_658, %parallel_loop3A_659] : memref<4x2x1024xf32, #tpu.memory_space<vmem>> -> memref<1x2x1024xf32, #tpu.memory_space<vmem>>
        %parallel_loop3A_661 = tpu.memref_squeeze %parallel_loop3A_660 : memref<1x2x1024xf32, #tpu.memory_space<vmem>> -> memref<2x1024xf32, #tpu.memory_space<vmem>>
        %parallel_loop3A_662 = arith.constant 0 : i32
        %parallel_loop3A_663 = tpu.memref_slice %parallel_loop3A_661[%parallel_loop3A_652, %parallel_loop3A_662] : memref<2x1024xf32, #tpu.memory_space<vmem>> -> memref<1x1024xf32, #tpu.memory_space<vmem>>
        %parallel_loop3A_664 = tpu.memref_squeeze %parallel_loop3A_663 : memref<1x1024xf32, #tpu.memory_space<vmem>> -> memref<1024xf32, #tpu.memory_space<vmem>>
        %parallel_loop3A_665 = arith.index_cast %parallel_loop3A_561 : i32 to index
        %parallel_loop3A_666 = tpu.vector_load %parallel_loop3A_664[%parallel_loop3A_665] {strides = array<i32>} : memref<1024xf32, #tpu.memory_space<vmem>>, vector<16xf32>,
        %parallel_loop3A_667 = vector.shape_cast %parallel_loop3A_666 : vector<16xf32> to vector<16xf32>
        %parallel_loop3A_668 = arith.addf %parallel_loop3A_667, %parallel_loop3A_573 : vector<16xf32>
        %parallel_loop3A_669 = arith.constant 1 : i32
        %parallel_loop3A_670 = arith.constant 2 : i32
        %parallel_loop3A_671 = arith.constant 0 : i32
        %parallel_loop3A_672 = arith.constant 0 : i32
        %parallel_loop3A_673 = arith.constant 0 : i32
        %parallel_loop3A_674 = arith.constant 0 : i32
        %parallel_loop3A_675 = tpu.memref_slice %arg7[%parallel_loop3A_669, %parallel_loop3A_672, %parallel_loop3A_673, %parallel_loop3A_674] : memref<4x4x2x1024xf32, #tpu.memory_space<vmem>> -> memref<1x4x2x1024xf32, #tpu.memory_space<vmem>>
        %parallel_loop3A_676 = tpu.memref_squeeze %parallel_loop3A_675 : memref<1x4x2x1024xf32, #tpu.memory_space<vmem>> -> memref<4x2x1024xf32, #tpu.memory_space<vmem>>
        %parallel_loop3A_677 = arith.constant 0 : i32
        %parallel_loop3A_678 = arith.constant 0 : i32
        %parallel_loop3A_679 = tpu.memref_slice %parallel_loop3A_676[%parallel_loop3A_670, %parallel_loop3A_677, %parallel_loop3A_678] : memref<4x2x1024xf32, #tpu.memory_space<vmem>> -> memref<1x2x1024xf32, #tpu.memory_space<vmem>>
        %parallel_loop3A_680 = tpu.memref_squeeze %parallel_loop3A_679 : memref<1x2x1024xf32, #tpu.memory_space<vmem>> -> memref<2x1024xf32, #tpu.memory_space<vmem>>
        %parallel_loop3A_681 = arith.constant 0 : i32
        %parallel_loop3A_682 = tpu.memref_slice %parallel_loop3A_680[%parallel_loop3A_671, %parallel_loop3A_681] : memref<2x1024xf32, #tpu.memory_space<vmem>> -> memref<1x1024xf32, #tpu.memory_space<vmem>>
        %parallel_loop3A_683 = tpu.memref_squeeze %parallel_loop3A_682 : memref<1x1024xf32, #tpu.memory_space<vmem>> -> memref<1024xf32, #tpu.memory_space<vmem>>
        %parallel_loop3A_684 = arith.index_cast %parallel_loop3A_561 : i32 to index
        %parallel_loop3A_685 = tpu.vector_load %parallel_loop3A_683[%parallel_loop3A_684] {strides = array<i32>} : memref<1024xf32, #tpu.memory_space<vmem>>, vector<16xf32>,
        %parallel_loop3A_686 = vector.shape_cast %parallel_loop3A_685 : vector<16xf32> to vector<16xf32>
        %parallel_loop3A_687 = vector.shape_cast %parallel_loop3A_668 : vector<16xf32> to vector<16xf32>
        tpu.vector_store %parallel_loop3A_683[%parallel_loop3A_684], %parallel_loop3A_687 {strides = array<i32>} : memref<1024xf32, #tpu.memory_space<vmem>>, vector<16xf32>,
        %parallel_loop3A_688 = arith.constant 1 : i32
        %parallel_loop3A_689 = arith.constant 3 : i32
        %parallel_loop3A_690 = arith.constant 0 : i32
        %parallel_loop3A_691 = arith.constant 0 : i32
        %parallel_loop3A_692 = arith.constant 0 : i32
        %parallel_loop3A_693 = arith.constant 0 : i32
        %parallel_loop3A_694 = tpu.memref_slice %arg5[%parallel_loop3A_688, %parallel_loop3A_691, %parallel_loop3A_692, %parallel_loop3A_693] : memref<4x4x2x1024xf32, #tpu.memory_space<vmem>> -> memref<1x4x2x1024xf32, #tpu.memory_space<vmem>>
        %parallel_loop3A_695 = tpu.memref_squeeze %parallel_loop3A_694 : memref<1x4x2x1024xf32, #tpu.memory_space<vmem>> -> memref<4x2x1024xf32, #tpu.memory_space<vmem>>
        %parallel_loop3A_696 = arith.constant 0 : i32
        %parallel_loop3A_697 = arith.constant 0 : i32
        %parallel_loop3A_698 = tpu.memref_slice %parallel_loop3A_695[%parallel_loop3A_689, %parallel_loop3A_696, %parallel_loop3A_697] : memref<4x2x1024xf32, #tpu.memory_space<vmem>> -> memref<1x2x1024xf32, #tpu.memory_space<vmem>>
        %parallel_loop3A_699 = tpu.memref_squeeze %parallel_loop3A_698 : memref<1x2x1024xf32, #tpu.memory_space<vmem>> -> memref<2x1024xf32, #tpu.memory_space<vmem>>
        %parallel_loop3A_700 = arith.constant 0 : i32
        %parallel_loop3A_701 = tpu.memref_slice %parallel_loop3A_699[%parallel_loop3A_690, %parallel_loop3A_700] : memref<2x1024xf32, #tpu.memory_space<vmem>> -> memref<1x1024xf32, #tpu.memory_space<vmem>>
        %parallel_loop3A_702 = tpu.memref_squeeze %parallel_loop3A_701 : memref<1x1024xf32, #tpu.memory_space<vmem>> -> memref<1024xf32, #tpu.memory_space<vmem>>
        %parallel_loop3A_703 = arith.index_cast %parallel_loop3A_561 : i32 to index
        %parallel_loop3A_704 = tpu.vector_load %parallel_loop3A_702[%parallel_loop3A_703] {strides = array<i32>} : memref<1024xf32, #tpu.memory_space<vmem>>, vector<16xf32>,
        %parallel_loop3A_705 = vector.shape_cast %parallel_loop3A_704 : vector<16xf32> to vector<16xf32>
        %parallel_loop3A_706 = arith.addf %parallel_loop3A_705, %parallel_loop3A_573 : vector<16xf32>
        %parallel_loop3A_707 = arith.constant 1 : i32
        %parallel_loop3A_708 = arith.constant 3 : i32
        %parallel_loop3A_709 = arith.constant 0 : i32
        %parallel_loop3A_710 = arith.constant 0 : i32
        %parallel_loop3A_711 = arith.constant 0 : i32
        %parallel_loop3A_712 = arith.constant 0 : i32
        %parallel_loop3A_713 = tpu.memref_slice %arg7[%parallel_loop3A_707, %parallel_loop3A_710, %parallel_loop3A_711, %parallel_loop3A_712] : memref<4x4x2x1024xf32, #tpu.memory_space<vmem>> -> memref<1x4x2x1024xf32, #tpu.memory_space<vmem>>
        %parallel_loop3A_714 = tpu.memref_squeeze %parallel_loop3A_713 : memref<1x4x2x1024xf32, #tpu.memory_space<vmem>> -> memref<4x2x1024xf32, #tpu.memory_space<vmem>>
        %parallel_loop3A_715 = arith.constant 0 : i32
        %parallel_loop3A_716 = arith.constant 0 : i32
        %parallel_loop3A_717 = tpu.memref_slice %parallel_loop3A_714[%parallel_loop3A_708, %parallel_loop3A_715, %parallel_loop3A_716] : memref<4x2x1024xf32, #tpu.memory_space<vmem>> -> memref<1x2x1024xf32, #tpu.memory_space<vmem>>
        %parallel_loop3A_718 = tpu.memref_squeeze %parallel_loop3A_717 : memref<1x2x1024xf32, #tpu.memory_space<vmem>> -> memref<2x1024xf32, #tpu.memory_space<vmem>>
        %parallel_loop3A_719 = arith.constant 0 : i32
        %parallel_loop3A_720 = tpu.memref_slice %parallel_loop3A_718[%parallel_loop3A_709, %parallel_loop3A_719] : memref<2x1024xf32, #tpu.memory_space<vmem>> -> memref<1x1024xf32, #tpu.memory_space<vmem>>
        %parallel_loop3A_721 = tpu.memref_squeeze %parallel_loop3A_720 : memref<1x1024xf32, #tpu.memory_space<vmem>> -> memref<1024xf32, #tpu.memory_space<vmem>>
        %parallel_loop3A_722 = arith.index_cast %parallel_loop3A_561 : i32 to index
        %parallel_loop3A_723 = tpu.vector_load %parallel_loop3A_721[%parallel_loop3A_722] {strides = array<i32>} : memref<1024xf32, #tpu.memory_space<vmem>>, vector<16xf32>,
        %parallel_loop3A_724 = vector.shape_cast %parallel_loop3A_723 : vector<16xf32> to vector<16xf32>
        %parallel_loop3A_725 = vector.shape_cast %parallel_loop3A_706 : vector<16xf32> to vector<16xf32>
        tpu.vector_store %parallel_loop3A_721[%parallel_loop3A_722], %parallel_loop3A_725 {strides = array<i32>} : memref<1024xf32, #tpu.memory_space<vmem>>, vector<16xf32>,
      } {sc.loop_unroll_factor = 4 : i64, sc.parallel_access}
      %parallel_loop3A_375 = arith.constant 0 : i32
      %parallel_loop3A_376 = arith.constant 1024 : i32
      %parallel_loop3A_377 = arith.constant 16 : i32
      scf.for %parallel_loop3A_561 = %parallel_loop3A_375 to %parallel_loop3A_376 step %parallel_loop3A_377  : i32 {
        %parallel_loop3A_562 = arith.constant 1 : i32
        %parallel_loop3A_563 = arith.constant 1 : i32
        %parallel_loop3A_564 = arith.constant 0 : i32
        %parallel_loop3A_565 = arith.constant 0 : i32
        %parallel_loop3A_566 = tpu.memref_slice %arg6[%parallel_loop3A_562, %parallel_loop3A_564, %parallel_loop3A_565] : memref<4x2x1024xf32, #tpu.memory_space<vmem>> -> memref<1x2x1024xf32, #tpu.memory_space<vmem>>
        %parallel_loop3A_567 = tpu.memref_squeeze %parallel_loop3A_566 : memref<1x2x1024xf32, #tpu.memory_space<vmem>> -> memref<2x1024xf32, #tpu.memory_space<vmem>>
        %parallel_loop3A_568 = arith.constant 0 : i32
        %parallel_loop3A_569 = tpu.memref_slice %parallel_loop3A_567[%parallel_loop3A_563, %parallel_loop3A_568] : memref<2x1024xf32, #tpu.memory_space<vmem>> -> memref<1x1024xf32, #tpu.memory_space<vmem>>
        %parallel_loop3A_570 = tpu.memref_squeeze %parallel_loop3A_569 : memref<1x1024xf32, #tpu.memory_space<vmem>> -> memref<1024xf32, #tpu.memory_space<vmem>>
        %parallel_loop3A_571 = arith.index_cast %parallel_loop3A_561 : i32 to index
        %parallel_loop3A_572 = tpu.vector_load %parallel_loop3A_570[%parallel_loop3A_571] {strides = array<i32>} : memref<1024xf32, #tpu.memory_space<vmem>>, vector<16xf32>,
        %parallel_loop3A_573 = vector.shape_cast %parallel_loop3A_572 : vector<16xf32> to vector<16xf32>
        %parallel_loop3A_574 = arith.constant 1 : i32
        %parallel_loop3A_575 = arith.constant 0 : i32
        %parallel_loop3A_576 = arith.constant 1 : i32
        %parallel_loop3A_577 = arith.constant 0 : i32
        %parallel_loop3A_578 = arith.constant 0 : i32
        %parallel_loop3A_579 = arith.constant 0 : i32
        %parallel_loop3A_580 = tpu.memref_slice %arg5[%parallel_loop3A_574, %parallel_loop3A_577, %parallel_loop3A_578, %parallel_loop3A_579] : memref<4x4x2x1024xf32, #tpu.memory_space<vmem>> -> memref<1x4x2x1024xf32, #tpu.memory_space<vmem>>
        %parallel_loop3A_581 = tpu.memref_squeeze %parallel_loop3A_580 : memref<1x4x2x1024xf32, #tpu.memory_space<vmem>> -> memref<4x2x1024xf32, #tpu.memory_space<vmem>>
        %parallel_loop3A_582 = arith.constant 0 : i32
        %parallel_loop3A_583 = arith.constant 0 : i32
        %parallel_loop3A_584 = tpu.memref_slice %parallel_loop3A_581[%parallel_loop3A_575, %parallel_loop3A_582, %parallel_loop3A_583] : memref<4x2x1024xf32, #tpu.memory_space<vmem>> -> memref<1x2x1024xf32, #tpu.memory_space<vmem>>
        %parallel_loop3A_585 = tpu.memref_squeeze %parallel_loop3A_584 : memref<1x2x1024xf32, #tpu.memory_space<vmem>> -> memref<2x1024xf32, #tpu.memory_space<vmem>>
        %parallel_loop3A_586 = arith.constant 0 : i32
        %parallel_loop3A_587 = tpu.memref_slice %parallel_loop3A_585[%parallel_loop3A_576, %parallel_loop3A_586] : memref<2x1024xf32, #tpu.memory_space<vmem>> -> memref<1x1024xf32, #tpu.memory_space<vmem>>
        %parallel_loop3A_588 = tpu.memref_squeeze %parallel_loop3A_587 : memref<1x1024xf32, #tpu.memory_space<vmem>> -> memref<1024xf32, #tpu.memory_space<vmem>>
        %parallel_loop3A_589 = arith.index_cast %parallel_loop3A_561 : i32 to index
        %parallel_loop3A_590 = tpu.vector_load %parallel_loop3A_588[%parallel_loop3A_589] {strides = array<i32>} : memref<1024xf32, #tpu.memory_space<vmem>>, vector<16xf32>,
        %parallel_loop3A_591 = vector.shape_cast %parallel_loop3A_590 : vector<16xf32> to vector<16xf32>
        %parallel_loop3A_592 = arith.addf %parallel_loop3A_591, %parallel_loop3A_573 : vector<16xf32>
        %parallel_loop3A_593 = arith.constant 1 : i32
        %parallel_loop3A_594 = arith.constant 0 : i32
        %parallel_loop3A_595 = arith.constant 1 : i32
        %parallel_loop3A_596 = arith.constant 0 : i32
        %parallel_loop3A_597 = arith.constant 0 : i32
        %parallel_loop3A_598 = arith.constant 0 : i32
        %parallel_loop3A_599 = tpu.memref_slice %arg7[%parallel_loop3A_593, %parallel_loop3A_596, %parallel_loop3A_597, %parallel_loop3A_598] : memref<4x4x2x1024xf32, #tpu.memory_space<vmem>> -> memref<1x4x2x1024xf32, #tpu.memory_space<vmem>>
        %parallel_loop3A_600 = tpu.memref_squeeze %parallel_loop3A_599 : memref<1x4x2x1024xf32, #tpu.memory_space<vmem>> -> memref<4x2x1024xf32, #tpu.memory_space<vmem>>
        %parallel_loop3A_601 = arith.constant 0 : i32
        %parallel_loop3A_602 = arith.constant 0 : i32
        %parallel_loop3A_603 = tpu.memref_slice %parallel_loop3A_600[%parallel_loop3A_594, %parallel_loop3A_601, %parallel_loop3A_602] : memref<4x2x1024xf32, #tpu.memory_space<vmem>> -> memref<1x2x1024xf32, #tpu.memory_space<vmem>>
        %parallel_loop3A_604 = tpu.memref_squeeze %parallel_loop3A_603 : memref<1x2x1024xf32, #tpu.memory_space<vmem>> -> memref<2x1024xf32, #tpu.memory_space<vmem>>
        %parallel_loop3A_605 = arith.constant 0 : i32
        %parallel_loop3A_606 = tpu.memref_slice %parallel_loop3A_604[%parallel_loop3A_595, %parallel_loop3A_605] : memref<2x1024xf32, #tpu.memory_space<vmem>> -> memref<1x1024xf32, #tpu.memory_space<vmem>>
        %parallel_loop3A_607 = tpu.memref_squeeze %parallel_loop3A_606 : memref<1x1024xf32, #tpu.memory_space<vmem>> -> memref<1024xf32, #tpu.memory_space<vmem>>
        %parallel_loop3A_608 = arith.index_cast %parallel_loop3A_561 : i32 to index
        %parallel_loop3A_609 = tpu.vector_load %parallel_loop3A_607[%parallel_loop3A_608] {strides = array<i32>} : memref<1024xf32, #tpu.memory_space<vmem>>, vector<16xf32>,
        %parallel_loop3A_610 = vector.shape_cast %parallel_loop3A_609 : vector<16xf32> to vector<16xf32>
        %parallel_loop3A_611 = vector.shape_cast %parallel_loop3A_592 : vector<16xf32> to vector<16xf32>
        tpu.vector_store %parallel_loop3A_607[%parallel_loop3A_608], %parallel_loop3A_611 {strides = array<i32>} : memref<1024xf32, #tpu.memory_space<vmem>>, vector<16xf32>,
        %parallel_loop3A_612 = arith.constant 1 : i32
        %parallel_loop3A_613 = arith.constant 1 : i32
        %parallel_loop3A_614 = arith.constant 1 : i32
        %parallel_loop3A_615 = arith.constant 0 : i32
        %parallel_loop3A_616 = arith.constant 0 : i32
        %parallel_loop3A_617 = arith.constant 0 : i32
        %parallel_loop3A_618 = tpu.memref_slice %arg5[%parallel_loop3A_612, %parallel_loop3A_615, %parallel_loop3A_616, %parallel_loop3A_617] : memref<4x4x2x1024xf32, #tpu.memory_space<vmem>> -> memref<1x4x2x1024xf32, #tpu.memory_space<vmem>>
        %parallel_loop3A_619 = tpu.memref_squeeze %parallel_loop3A_618 : memref<1x4x2x1024xf32, #tpu.memory_space<vmem>> -> memref<4x2x1024xf32, #tpu.memory_space<vmem>>
        %parallel_loop3A_620 = arith.constant 0 : i32
        %parallel_loop3A_621 = arith.constant 0 : i32
        %parallel_loop3A_622 = tpu.memref_slice %parallel_loop3A_619[%parallel_loop3A_613, %parallel_loop3A_620, %parallel_loop3A_621] : memref<4x2x1024xf32, #tpu.memory_space<vmem>> -> memref<1x2x1024xf32, #tpu.memory_space<vmem>>
        %parallel_loop3A_623 = tpu.memref_squeeze %parallel_loop3A_622 : memref<1x2x1024xf32, #tpu.memory_space<vmem>> -> memref<2x1024xf32, #tpu.memory_space<vmem>>
        %parallel_loop3A_624 = arith.constant 0 : i32
        %parallel_loop3A_625 = tpu.memref_slice %parallel_loop3A_623[%parallel_loop3A_614, %parallel_loop3A_624] : memref<2x1024xf32, #tpu.memory_space<vmem>> -> memref<1x1024xf32, #tpu.memory_space<vmem>>
        %parallel_loop3A_626 = tpu.memref_squeeze %parallel_loop3A_625 : memref<1x1024xf32, #tpu.memory_space<vmem>> -> memref<1024xf32, #tpu.memory_space<vmem>>
        %parallel_loop3A_627 = arith.index_cast %parallel_loop3A_561 : i32 to index
        %parallel_loop3A_628 = tpu.vector_load %parallel_loop3A_626[%parallel_loop3A_627] {strides = array<i32>} : memref<1024xf32, #tpu.memory_space<vmem>>, vector<16xf32>,
        %parallel_loop3A_629 = vector.shape_cast %parallel_loop3A_628 : vector<16xf32> to vector<16xf32>
        %parallel_loop3A_630 = arith.addf %parallel_loop3A_629, %parallel_loop3A_573 : vector<16xf32>
        %parallel_loop3A_631 = arith.constant 1 : i32
        %parallel_loop3A_632 = arith.constant 1 : i32
        %parallel_loop3A_633 = arith.constant 1 : i32
        %parallel_loop3A_634 = arith.constant 0 : i32
        %parallel_loop3A_635 = arith.constant 0 : i32
        %parallel_loop3A_636 = arith.constant 0 : i32
        %parallel_loop3A_637 = tpu.memref_slice %arg7[%parallel_loop3A_631, %parallel_loop3A_634, %parallel_loop3A_635, %parallel_loop3A_636] : memref<4x4x2x1024xf32, #tpu.memory_space<vmem>> -> memref<1x4x2x1024xf32, #tpu.memory_space<vmem>>
        %parallel_loop3A_638 = tpu.memref_squeeze %parallel_loop3A_637 : memref<1x4x2x1024xf32, #tpu.memory_space<vmem>> -> memref<4x2x1024xf32, #tpu.memory_space<vmem>>
        %parallel_loop3A_639 = arith.constant 0 : i32
        %parallel_loop3A_640 = arith.constant 0 : i32
        %parallel_loop3A_641 = tpu.memref_slice %parallel_loop3A_638[%parallel_loop3A_632, %parallel_loop3A_639, %parallel_loop3A_640] : memref<4x2x1024xf32, #tpu.memory_space<vmem>> -> memref<1x2x1024xf32, #tpu.memory_space<vmem>>
        %parallel_loop3A_642 = tpu.memref_squeeze %parallel_loop3A_641 : memref<1x2x1024xf32, #tpu.memory_space<vmem>> -> memref<2x1024xf32, #tpu.memory_space<vmem>>
        %parallel_loop3A_643 = arith.constant 0 : i32
        %parallel_loop3A_644 = tpu.memref_slice %parallel_loop3A_642[%parallel_loop3A_633, %parallel_loop3A_643] : memref<2x1024xf32, #tpu.memory_space<vmem>> -> memref<1x1024xf32, #tpu.memory_space<vmem>>
        %parallel_loop3A_645 = tpu.memref_squeeze %parallel_loop3A_644 : memref<1x1024xf32, #tpu.memory_space<vmem>> -> memref<1024xf32, #tpu.memory_space<vmem>>
        %parallel_loop3A_646 = arith.index_cast %parallel_loop3A_561 : i32 to index
        %parallel_loop3A_647 = tpu.vector_load %parallel_loop3A_645[%parallel_loop3A_646] {strides = array<i32>} : memref<1024xf32, #tpu.memory_space<vmem>>, vector<16xf32>,
        %parallel_loop3A_648 = vector.shape_cast %parallel_loop3A_647 : vector<16xf32> to vector<16xf32>
        %parallel_loop3A_649 = vector.shape_cast %parallel_loop3A_630 : vector<16xf32> to vector<16xf32>
        tpu.vector_store %parallel_loop3A_645[%parallel_loop3A_646], %parallel_loop3A_649 {strides = array<i32>} : memref<1024xf32, #tpu.memory_space<vmem>>, vector<16xf32>,
        %parallel_loop3A_650 = arith.constant 1 : i32
        %parallel_loop3A_651 = arith.constant 2 : i32
        %parallel_loop3A_652 = arith.constant 1 : i32
        %parallel_loop3A_653 = arith.constant 0 : i32
        %parallel_loop3A_654 = arith.constant 0 : i32
        %parallel_loop3A_655 = arith.constant 0 : i32
        %parallel_loop3A_656 = tpu.memref_slice %arg5[%parallel_loop3A_650, %parallel_loop3A_653, %parallel_loop3A_654, %parallel_loop3A_655] : memref<4x4x2x1024xf32, #tpu.memory_space<vmem>> -> memref<1x4x2x1024xf32, #tpu.memory_space<vmem>>
        %parallel_loop3A_657 = tpu.memref_squeeze %parallel_loop3A_656 : memref<1x4x2x1024xf32, #tpu.memory_space<vmem>> -> memref<4x2x1024xf32, #tpu.memory_space<vmem>>
        %parallel_loop3A_658 = arith.constant 0 : i32
        %parallel_loop3A_659 = arith.constant 0 : i32
        %parallel_loop3A_660 = tpu.memref_slice %parallel_loop3A_657[%parallel_loop3A_651, %parallel_loop3A_658, %parallel_loop3A_659] : memref<4x2x1024xf32, #tpu.memory_space<vmem>> -> memref<1x2x1024xf32, #tpu.memory_space<vmem>>
        %parallel_loop3A_661 = tpu.memref_squeeze %parallel_loop3A_660 : memref<1x2x1024xf32, #tpu.memory_space<vmem>> -> memref<2x1024xf32, #tpu.memory_space<vmem>>
        %parallel_loop3A_662 = arith.constant 0 : i32
        %parallel_loop3A_663 = tpu.memref_slice %parallel_loop3A_661[%parallel_loop3A_652, %parallel_loop3A_662] : memref<2x1024xf32, #tpu.memory_space<vmem>> -> memref<1x1024xf32, #tpu.memory_space<vmem>>
        %parallel_loop3A_664 = tpu.memref_squeeze %parallel_loop3A_663 : memref<1x1024xf32, #tpu.memory_space<vmem>> -> memref<1024xf32, #tpu.memory_space<vmem>>
        %parallel_loop3A_665 = arith.index_cast %parallel_loop3A_561 : i32 to index
        %parallel_loop3A_666 = tpu.vector_load %parallel_loop3A_664[%parallel_loop3A_665] {strides = array<i32>} : memref<1024xf32, #tpu.memory_space<vmem>>, vector<16xf32>,
        %parallel_loop3A_667 = vector.shape_cast %parallel_loop3A_666 : vector<16xf32> to vector<16xf32>
        %parallel_loop3A_668 = arith.addf %parallel_loop3A_667, %parallel_loop3A_573 : vector<16xf32>
        %parallel_loop3A_669 = arith.constant 1 : i32
        %parallel_loop3A_670 = arith.constant 2 : i32
        %parallel_loop3A_671 = arith.constant 1 : i32
        %parallel_loop3A_672 = arith.constant 0 : i32
        %parallel_loop3A_673 = arith.constant 0 : i32
        %parallel_loop3A_674 = arith.constant 0 : i32
        %parallel_loop3A_675 = tpu.memref_slice %arg7[%parallel_loop3A_669, %parallel_loop3A_672, %parallel_loop3A_673, %parallel_loop3A_674] : memref<4x4x2x1024xf32, #tpu.memory_space<vmem>> -> memref<1x4x2x1024xf32, #tpu.memory_space<vmem>>
        %parallel_loop3A_676 = tpu.memref_squeeze %parallel_loop3A_675 : memref<1x4x2x1024xf32, #tpu.memory_space<vmem>> -> memref<4x2x1024xf32, #tpu.memory_space<vmem>>
        %parallel_loop3A_677 = arith.constant 0 : i32
        %parallel_loop3A_678 = arith.constant 0 : i32
        %parallel_loop3A_679 = tpu.memref_slice %parallel_loop3A_676[%parallel_loop3A_670, %parallel_loop3A_677, %parallel_loop3A_678] : memref<4x2x1024xf32, #tpu.memory_space<vmem>> -> memref<1x2x1024xf32, #tpu.memory_space<vmem>>
        %parallel_loop3A_680 = tpu.memref_squeeze %parallel_loop3A_679 : memref<1x2x1024xf32, #tpu.memory_space<vmem>> -> memref<2x1024xf32, #tpu.memory_space<vmem>>
        %parallel_loop3A_681 = arith.constant 0 : i32
        %parallel_loop3A_682 = tpu.memref_slice %parallel_loop3A_680[%parallel_loop3A_671, %parallel_loop3A_681] : memref<2x1024xf32, #tpu.memory_space<vmem>> -> memref<1x1024xf32, #tpu.memory_space<vmem>>
        %parallel_loop3A_683 = tpu.memref_squeeze %parallel_loop3A_682 : memref<1x1024xf32, #tpu.memory_space<vmem>> -> memref<1024xf32, #tpu.memory_space<vmem>>
        %parallel_loop3A_684 = arith.index_cast %parallel_loop3A_561 : i32 to index
        %parallel_loop3A_685 = tpu.vector_load %parallel_loop3A_683[%parallel_loop3A_684] {strides = array<i32>} : memref<1024xf32, #tpu.memory_space<vmem>>, vector<16xf32>,
        %parallel_loop3A_686 = vector.shape_cast %parallel_loop3A_685 : vector<16xf32> to vector<16xf32>
        %parallel_loop3A_687 = vector.shape_cast %parallel_loop3A_668 : vector<16xf32> to vector<16xf32>
        tpu.vector_store %parallel_loop3A_683[%parallel_loop3A_684], %parallel_loop3A_687 {strides = array<i32>} : memref<1024xf32, #tpu.memory_space<vmem>>, vector<16xf32>,
        %parallel_loop3A_688 = arith.constant 1 : i32
        %parallel_loop3A_689 = arith.constant 3 : i32
        %parallel_loop3A_690 = arith.constant 1 : i32
        %parallel_loop3A_691 = arith.constant 0 : i32
        %parallel_loop3A_692 = arith.constant 0 : i32
        %parallel_loop3A_693 = arith.constant 0 : i32
        %parallel_loop3A_694 = tpu.memref_slice %arg5[%parallel_loop3A_688, %parallel_loop3A_691, %parallel_loop3A_692, %parallel_loop3A_693] : memref<4x4x2x1024xf32, #tpu.memory_space<vmem>> -> memref<1x4x2x1024xf32, #tpu.memory_space<vmem>>
        %parallel_loop3A_695 = tpu.memref_squeeze %parallel_loop3A_694 : memref<1x4x2x1024xf32, #tpu.memory_space<vmem>> -> memref<4x2x1024xf32, #tpu.memory_space<vmem>>
        %parallel_loop3A_696 = arith.constant 0 : i32
        %parallel_loop3A_697 = arith.constant 0 : i32
        %parallel_loop3A_698 = tpu.memref_slice %parallel_loop3A_695[%parallel_loop3A_689, %parallel_loop3A_696, %parallel_loop3A_697] : memref<4x2x1024xf32, #tpu.memory_space<vmem>> -> memref<1x2x1024xf32, #tpu.memory_space<vmem>>
        %parallel_loop3A_699 = tpu.memref_squeeze %parallel_loop3A_698 : memref<1x2x1024xf32, #tpu.memory_space<vmem>> -> memref<2x1024xf32, #tpu.memory_space<vmem>>
        %parallel_loop3A_700 = arith.constant 0 : i32
        %parallel_loop3A_701 = tpu.memref_slice %parallel_loop3A_699[%parallel_loop3A_690, %parallel_loop3A_700] : memref<2x1024xf32, #tpu.memory_space<vmem>> -> memref<1x1024xf32, #tpu.memory_space<vmem>>
        %parallel_loop3A_702 = tpu.memref_squeeze %parallel_loop3A_701 : memref<1x1024xf32, #tpu.memory_space<vmem>> -> memref<1024xf32, #tpu.memory_space<vmem>>
        %parallel_loop3A_703 = arith.index_cast %parallel_loop3A_561 : i32 to index
        %parallel_loop3A_704 = tpu.vector_load %parallel_loop3A_702[%parallel_loop3A_703] {strides = array<i32>} : memref<1024xf32, #tpu.memory_space<vmem>>, vector<16xf32>,
        %parallel_loop3A_705 = vector.shape_cast %parallel_loop3A_704 : vector<16xf32> to vector<16xf32>
        %parallel_loop3A_706 = arith.addf %parallel_loop3A_705, %parallel_loop3A_573 : vector<16xf32>
        %parallel_loop3A_707 = arith.constant 1 : i32
        %parallel_loop3A_708 = arith.constant 3 : i32
        %parallel_loop3A_709 = arith.constant 1 : i32
        %parallel_loop3A_710 = arith.constant 0 : i32
        %parallel_loop3A_711 = arith.constant 0 : i32
        %parallel_loop3A_712 = arith.constant 0 : i32
        %parallel_loop3A_713 = tpu.memref_slice %arg7[%parallel_loop3A_707, %parallel_loop3A_710, %parallel_loop3A_711, %parallel_loop3A_712] : memref<4x4x2x1024xf32, #tpu.memory_space<vmem>> -> memref<1x4x2x1024xf32, #tpu.memory_space<vmem>>
        %parallel_loop3A_714 = tpu.memref_squeeze %parallel_loop3A_713 : memref<1x4x2x1024xf32, #tpu.memory_space<vmem>> -> memref<4x2x1024xf32, #tpu.memory_space<vmem>>
        %parallel_loop3A_715 = arith.constant 0 : i32
        %parallel_loop3A_716 = arith.constant 0 : i32
        %parallel_loop3A_717 = tpu.memref_slice %parallel_loop3A_714[%parallel_loop3A_708, %parallel_loop3A_715, %parallel_loop3A_716] : memref<4x2x1024xf32, #tpu.memory_space<vmem>> -> memref<1x2x1024xf32, #tpu.memory_space<vmem>>
        %parallel_loop3A_718 = tpu.memref_squeeze %parallel_loop3A_717 : memref<1x2x1024xf32, #tpu.memory_space<vmem>> -> memref<2x1024xf32, #tpu.memory_space<vmem>>
        %parallel_loop3A_719 = arith.constant 0 : i32
        %parallel_loop3A_720 = tpu.memref_slice %parallel_loop3A_718[%parallel_loop3A_709, %parallel_loop3A_719] : memref<2x1024xf32, #tpu.memory_space<vmem>> -> memref<1x1024xf32, #tpu.memory_space<vmem>>
        %parallel_loop3A_721 = tpu.memref_squeeze %parallel_loop3A_720 : memref<1x1024xf32, #tpu.memory_space<vmem>> -> memref<1024xf32, #tpu.memory_space<vmem>>
        %parallel_loop3A_722 = arith.index_cast %parallel_loop3A_561 : i32 to index
        %parallel_loop3A_723 = tpu.vector_load %parallel_loop3A_721[%parallel_loop3A_722] {strides = array<i32>} : memref<1024xf32, #tpu.memory_space<vmem>>, vector<16xf32>,
        %parallel_loop3A_724 = vector.shape_cast %parallel_loop3A_723 : vector<16xf32> to vector<16xf32>
        %parallel_loop3A_725 = vector.shape_cast %parallel_loop3A_706 : vector<16xf32> to vector<16xf32>
        tpu.vector_store %parallel_loop3A_721[%parallel_loop3A_722], %parallel_loop3A_725 {strides = array<i32>} : memref<1024xf32, #tpu.memory_space<vmem>>, vector<16xf32>,
      } {sc.loop_unroll_factor = 4 : i64, sc.parallel_access}
      %dma_start3A_378 = arith.constant 1 : i32
      %dma_start3A_379 = arith.constant 1 : i32
      %dma_start3A_380 = arith.constant 0 : i32
      %dma_start3A_381 = arith.constant 0 : i32
      %dma_start3A_382 = arith.constant 0 : i32
      %dma_start3A_383 = tpu.memref_slice %arg7[%dma_start3A_378, %dma_start3A_380, %dma_start3A_381, %dma_start3A_382] : memref<4x4x2x1024xf32, #tpu.memory_space<vmem>> -> memref<1x4x2x1024xf32, #tpu.memory_space<vmem>>
      %dma_start3A_384 = tpu.memref_squeeze %dma_start3A_383 : memref<1x4x2x1024xf32, #tpu.memory_space<vmem>> -> memref<4x2x1024xf32, #tpu.memory_space<vmem>>
      %dma_start3A_385 = arith.constant 0 : i32
      %dma_start3A_386 = arith.constant 0 : i32
      %dma_start3A_387 = tpu.memref_slice %arg4[%dma_start3A_385, %add3A_330, %dma_start3A_386] : memref<4x4096x1024xf32, #tpu.memory_space<hbm>> -> memref<4x2x1024xf32, #tpu.memory_space<hbm>>
      %dma_start3A_388 = tpu.memref_slice %arg9[%dma_start3A_379] : memref<4x!tpu.dma_semaphore, #tpu.memory_space<semaphore_mem>> -> memref<1x!tpu.dma_semaphore, #tpu.memory_space<semaphore_mem>>
      %dma_start3A_389 = tpu.memref_squeeze %dma_start3A_388 : memref<1x!tpu.dma_semaphore, #tpu.memory_space<semaphore_mem>> -> memref<!tpu.dma_semaphore, #tpu.memory_space<semaphore_mem>>
      %dma_start3A_390 = arith.constant 0 : i32
      %dma_start3A_391 = arith.constant 0 : i32
      %dma_start3A_392 = tpu.memref_slice %arg4[%dma_start3A_390, %add3A_330, %dma_start3A_391] : memref<4x4096x1024xf32, #tpu.memory_space<hbm>> -> memref<4x2x1024xf32, #tpu.memory_space<hbm>>
      %dma_start3A_393 = arith.constant 0 : i32
      %dma_start3A_394 = arith.constant 0 : i32
      %dma_start3A_395 = arith.constant 0 : i32
      %dma_start3A_396 = tpu.memref_slice %arg7[%dma_start3A_378, %dma_start3A_393, %dma_start3A_394, %dma_start3A_395] : memref<4x4x2x1024xf32, #tpu.memory_space<vmem>> -> memref<1x4x2x1024xf32, #tpu.memory_space<vmem>>
      %dma_start3A_397 = tpu.memref_squeeze %dma_start3A_396 : memref<1x4x2x1024xf32, #tpu.memory_space<vmem>> -> memref<4x2x1024xf32, #tpu.memory_space<vmem>>
      tpu.enqueue_dma source(%dma_start3A_397 : memref<4x2x1024xf32, #tpu.memory_space<vmem>>) target(%dma_start3A_392 : memref<4x2x1024xf32, #tpu.memory_space<hbm>>) target_semaphore(%dma_start3A_389 : memref<!tpu.dma_semaphore, #tpu.memory_space<semaphore_mem>>)
      %lt3A_398 = arith.constant 15 : i32
      %lt3A_399 = arith.cmpi slt, %add3A_249, %lt3A_398 : i32
      %convert_element_type3A_400 = arith.extui %lt3A_399 : i1 to i32
      %cond3A_401 = arith.constant 0 : i32
      %cond3A_402 = arith.cmpi ne, %convert_element_type3A_400, %cond3A_401 : i32
      scf.if %cond3A_402 {
        %add3A_561 = arith.constant 1 : i32
        %add3A_562 = arith.addi %add3A_249, %add3A_561 : i32
        %mul3A_563 = arith.constant 4 : i32
        %mul3A_564 = arith.muli %add3A_562, %mul3A_563 : i32
        %add3A_565 = arith.constant 1 : i32
        %add3A_566 = arith.addi %mul3A_564, %add3A_565 : i32
        %mul3A_567 = arith.constant 2 : i32
        %mul3A_568 = arith.muli %add3A_566, %mul3A_567 : i32
        %add3A_569 = arith.addi %mul3A_2, %mul3A_568 : i32
        %dma_start3A_570 = arith.constant 1 : i32
        %dma_start3A_571 = arith.constant 1 : i32
        %dma_start3A_572 = arith.constant 0 : i32
        %dma_start3A_573 = arith.constant 0 : i32
        %dma_start3A_574 = arith.constant 0 : i32
        %dma_start3A_575 = tpu.memref_slice %arg5[%dma_start3A_570, %dma_start3A_572, %dma_start3A_573, %dma_start3A_574] : memref<4x4x2x1024xf32, #tpu.memory_space<vmem>> -> memref<1x4x2x1024xf32, #tpu.memory_space<vmem>>
        %dma_start3A_576 = tpu.memref_squeeze %dma_start3A_575 : memref<1x4x2x1024xf32, #tpu.memory_space<vmem>> -> memref<4x2x1024xf32, #tpu.memory_space<vmem>>
        %dma_start3A_577 = arith.constant 0 : i32
        %dma_start3A_578 = arith.constant 0 : i32
        %dma_start3A_579 = tpu.memref_slice %arg2[%dma_start3A_577, %add3A_569, %dma_start3A_578] : memref<4x4096x1024xf32, #tpu.memory_space<hbm>> -> memref<4x2x1024xf32, #tpu.memory_space<hbm>>
        %dma_start3A_580 = tpu.memref_slice %arg8[%dma_start3A_571] : memref<4x!tpu.dma_semaphore, #tpu.memory_space<semaphore_mem>> -> memref<1x!tpu.dma_semaphore, #tpu.memory_space<semaphore_mem>>
        %dma_start3A_581 = tpu.memref_squeeze %dma_start3A_580 : memref<1x!tpu.dma_semaphore, #tpu.memory_space<semaphore_mem>> -> memref<!tpu.dma_semaphore, #tpu.memory_space<semaphore_mem>>
        %dma_start3A_582 = arith.constant 0 : i32
        %dma_start3A_583 = arith.constant 0 : i32
        %dma_start3A_584 = arith.constant 0 : i32
        %dma_start3A_585 = tpu.memref_slice %arg5[%dma_start3A_570, %dma_start3A_582, %dma_start3A_583, %dma_start3A_584] : memref<4x4x2x1024xf32, #tpu.memory_space<vmem>> -> memref<1x4x2x1024xf32, #tpu.memory_space<vmem>>
        %dma_start3A_586 = tpu.memref_squeeze %dma_start3A_585 : memref<1x4x2x1024xf32, #tpu.memory_space<vmem>> -> memref<4x2x1024xf32, #tpu.memory_space<vmem>>
        %dma_start3A_587 = arith.constant 0 : i32
        %dma_start3A_588 = arith.constant 0 : i32
        %dma_start3A_589 = tpu.memref_slice %arg2[%dma_start3A_587, %add3A_569, %dma_start3A_588] : memref<4x4096x1024xf32, #tpu.memory_space<hbm>> -> memref<4x2x1024xf32, #tpu.memory_space<hbm>>
        tpu.enqueue_dma source(%dma_start3A_589 : memref<4x2x1024xf32, #tpu.memory_space<hbm>>) target(%dma_start3A_586 : memref<4x2x1024xf32, #tpu.memory_space<vmem>>) target_semaphore(%dma_start3A_581 : memref<!tpu.dma_semaphore, #tpu.memory_space<semaphore_mem>>)
        %dma_start3A_590 = arith.constant 1 : i32
        %dma_start3A_591 = arith.constant 1 : i32
        %dma_start3A_592 = arith.constant 0 : i32
        %dma_start3A_593 = arith.constant 0 : i32
        %dma_start3A_594 = tpu.memref_slice %arg6[%dma_start3A_590, %dma_start3A_592, %dma_start3A_593] : memref<4x2x1024xf32, #tpu.memory_space<vmem>> -> memref<1x2x1024xf32, #tpu.memory_space<vmem>>
        %dma_start3A_595 = tpu.memref_squeeze %dma_start3A_594 : memref<1x2x1024xf32, #tpu.memory_space<vmem>> -> memref<2x1024xf32, #tpu.memory_space<vmem>>
        %dma_start3A_596 = arith.constant 0 : i32
        %dma_start3A_597 = tpu.memref_slice %arg3[%add3A_569, %dma_start3A_596] : memref<8192x1024xf32, #tpu.memory_space<hbm>> -> memref<2x1024xf32, #tpu.memory_space<hbm>>
        %dma_start3A_598 = tpu.memref_slice %arg8[%dma_start3A_591] : memref<4x!tpu.dma_semaphore, #tpu.memory_space<semaphore_mem>> -> memref<1x!tpu.dma_semaphore, #tpu.memory_space<semaphore_mem>>
        %dma_start3A_599 = tpu.memref_squeeze %dma_start3A_598 : memref<1x!tpu.dma_semaphore, #tpu.memory_space<semaphore_mem>> -> memref<!tpu.dma_semaphore, #tpu.memory_space<semaphore_mem>>
        %dma_start3A_600 = arith.constant 0 : i32
        %dma_start3A_601 = arith.constant 0 : i32
        %dma_start3A_602 = tpu.memref_slice %arg6[%dma_start3A_590, %dma_start3A_600, %dma_start3A_601] : memref<4x2x1024xf32, #tpu.memory_space<vmem>> -> memref<1x2x1024xf32, #tpu.memory_space<vmem>>
        %dma_start3A_603 = tpu.memref_squeeze %dma_start3A_602 : memref<1x2x1024xf32, #tpu.memory_space<vmem>> -> memref<2x1024xf32, #tpu.memory_space<vmem>>
        %dma_start3A_604 = arith.constant 0 : i32
        %dma_start3A_605 = tpu.memref_slice %arg3[%add3A_569, %dma_start3A_604] : memref<8192x1024xf32, #tpu.memory_space<hbm>> -> memref<2x1024xf32, #tpu.memory_space<hbm>>
        tpu.enqueue_dma source(%dma_start3A_605 : memref<2x1024xf32, #tpu.memory_space<hbm>>) target(%dma_start3A_603 : memref<2x1024xf32, #tpu.memory_space<vmem>>) target_semaphore(%dma_start3A_599 : memref<!tpu.dma_semaphore, #tpu.memory_space<semaphore_mem>>)
      } else {
      }
      %mul3A_403 = arith.constant 4 : i32
      %mul3A_404 = arith.muli %add3A_249, %mul3A_403 : i32
      %add3A_405 = arith.constant 2 : i32
      %add3A_406 = arith.addi %mul3A_404, %add3A_405 : i32
      %mul3A_407 = arith.constant 2 : i32
      %mul3A_408 = arith.muli %add3A_406, %mul3A_407 : i32
      %add3A_409 = arith.addi %mul3A_2, %mul3A_408 : i32
      %dma_wait3A_410 = arith.constant 2 : i32
      %dma_wait3A_411 = arith.constant 2 : i32
      %dma_wait3A_412 = arith.constant 0 : i32
      %dma_wait3A_413 = arith.constant 0 : i32
      %dma_wait3A_414 = arith.constant 0 : i32
      %dma_wait3A_415 = tpu.memref_slice %arg5[%dma_wait3A_410, %dma_wait3A_412, %dma_wait3A_413, %dma_wait3A_414] : memref<4x4x2x1024xf32, #tpu.memory_space<vmem>> -> memref<1x4x2x1024xf32, #tpu.memory_space<vmem>>
      %dma_wait3A_416 = tpu.memref_squeeze %dma_wait3A_415 : memref<1x4x2x1024xf32, #tpu.memory_space<vmem>> -> memref<4x2x1024xf32, #tpu.memory_space<vmem>>
      %dma_wait3A_417 = arith.constant 0 : i32
      %dma_wait3A_418 = arith.constant 0 : i32
      %dma_wait3A_419 = tpu.memref_slice %arg2[%dma_wait3A_417, %add3A_409, %dma_wait3A_418] : memref<4x4096x1024xf32, #tpu.memory_space<hbm>> -> memref<4x2x1024xf32, #tpu.memory_space<hbm>>
      %dma_wait3A_420 = tpu.memref_slice %arg8[%dma_wait3A_411] : memref<4x!tpu.dma_semaphore, #tpu.memory_space<semaphore_mem>> -> memref<1x!tpu.dma_semaphore, #tpu.memory_space<semaphore_mem>>
      %dma_wait3A_421 = tpu.memref_squeeze %dma_wait3A_420 : memref<1x!tpu.dma_semaphore, #tpu.memory_space<semaphore_mem>> -> memref<!tpu.dma_semaphore, #tpu.memory_space<semaphore_mem>>
      %dma_wait3A_422 = arith.constant 0 : i32
      %dma_wait3A_423 = arith.constant 0 : i32
      %dma_wait3A_424 = arith.constant 0 : i32
      %dma_wait3A_425 = tpu.memref_slice %arg5[%dma_wait3A_410, %dma_wait3A_422, %dma_wait3A_423, %dma_wait3A_424] : memref<4x4x2x1024xf32, #tpu.memory_space<vmem>> -> memref<1x4x2x1024xf32, #tpu.memory_space<vmem>>
      %dma_wait3A_426 = tpu.memref_squeeze %dma_wait3A_425 : memref<1x4x2x1024xf32, #tpu.memory_space<vmem>> -> memref<4x2x1024xf32, #tpu.memory_space<vmem>>
      %dma_wait3A_427 = arith.constant 0 : i32
      %dma_wait3A_428 = arith.constant 0 : i32
      %dma_wait3A_429 = tpu.memref_slice %arg2[%dma_wait3A_427, %add3A_409, %dma_wait3A_428] : memref<4x4096x1024xf32, #tpu.memory_space<hbm>> -> memref<4x2x1024xf32, #tpu.memory_space<hbm>>
      tpu.wait_dma2 semaphore(%dma_wait3A_421 : memref<!tpu.dma_semaphore, #tpu.memory_space<semaphore_mem>>) src(%dma_wait3A_429 : memref<4x2x1024xf32, #tpu.memory_space<hbm>>) dst(%dma_wait3A_426 : memref<4x2x1024xf32, #tpu.memory_space<vmem>>)
      %dma_wait3A_430 = arith.constant 2 : i32
      %dma_wait3A_431 = arith.constant 2 : i32
      %dma_wait3A_432 = arith.constant 0 : i32
      %dma_wait3A_433 = arith.constant 0 : i32
      %dma_wait3A_434 = tpu.memref_slice %arg6[%dma_wait3A_430, %dma_wait3A_432, %dma_wait3A_433] : memref<4x2x1024xf32, #tpu.memory_space<vmem>> -> memref<1x2x1024xf32, #tpu.memory_space<vmem>>
      %dma_wait3A_435 = tpu.memref_squeeze %dma_wait3A_434 : memref<1x2x1024xf32, #tpu.memory_space<vmem>> -> memref<2x1024xf32, #tpu.memory_space<vmem>>
      %dma_wait3A_436 = arith.constant 0 : i32
      %dma_wait3A_437 = tpu.memref_slice %arg3[%add3A_409, %dma_wait3A_436] : memref<8192x1024xf32, #tpu.memory_space<hbm>> -> memref<2x1024xf32, #tpu.memory_space<hbm>>
      %dma_wait3A_438 = tpu.memref_slice %arg8[%dma_wait3A_431] : memref<4x!tpu.dma_semaphore, #tpu.memory_space<semaphore_mem>> -> memref<1x!tpu.dma_semaphore, #tpu.memory_space<semaphore_mem>>
      %dma_wait3A_439 = tpu.memref_squeeze %dma_wait3A_438 : memref<1x!tpu.dma_semaphore, #tpu.memory_space<semaphore_mem>> -> memref<!tpu.dma_semaphore, #tpu.memory_space<semaphore_mem>>
      %dma_wait3A_440 = arith.constant 0 : i32
      %dma_wait3A_441 = arith.constant 0 : i32
      %dma_wait3A_442 = tpu.memref_slice %arg6[%dma_wait3A_430, %dma_wait3A_440, %dma_wait3A_441] : memref<4x2x1024xf32, #tpu.memory_space<vmem>> -> memref<1x2x1024xf32, #tpu.memory_space<vmem>>
      %dma_wait3A_443 = tpu.memref_squeeze %dma_wait3A_442 : memref<1x2x1024xf32, #tpu.memory_space<vmem>> -> memref<2x1024xf32, #tpu.memory_space<vmem>>
      %dma_wait3A_444 = arith.constant 0 : i32
      %dma_wait3A_445 = tpu.memref_slice %arg3[%add3A_409, %dma_wait3A_444] : memref<8192x1024xf32, #tpu.memory_space<hbm>> -> memref<2x1024xf32, #tpu.memory_space<hbm>>
      tpu.wait_dma2 semaphore(%dma_wait3A_439 : memref<!tpu.dma_semaphore, #tpu.memory_space<semaphore_mem>>) src(%dma_wait3A_445 : memref<2x1024xf32, #tpu.memory_space<hbm>>) dst(%dma_wait3A_443 : memref<2x1024xf32, #tpu.memory_space<vmem>>)
      %gt3A_446 = arith.constant 0 : i32
      %gt3A_447 = arith.cmpi sgt, %add3A_249, %gt3A_446 : i32
      %convert_element_type3A_448 = arith.extui %gt3A_447 : i1 to i32
      %cond3A_449 = arith.constant 0 : i32
      %cond3A_450 = arith.cmpi ne, %convert_element_type3A_448, %cond3A_449 : i32
      scf.if %cond3A_450 {
        %dma_wait3A_561 = arith.constant 2 : i32
        %dma_wait3A_562 = arith.constant 2 : i32
        %dma_wait3A_563 = arith.constant 0 : i32
        %dma_wait3A_564 = arith.constant 0 : i32
        %dma_wait3A_565 = arith.constant 0 : i32
        %dma_wait3A_566 = tpu.memref_slice %arg7[%dma_wait3A_561, %dma_wait3A_563, %dma_wait3A_564, %dma_wait3A_565] : memref<4x4x2x1024xf32, #tpu.memory_space<vmem>> -> memref<1x4x2x1024xf32, #tpu.memory_space<vmem>>
        %dma_wait3A_567 = tpu.memref_squeeze %dma_wait3A_566 : memref<1x4x2x1024xf32, #tpu.memory_space<vmem>> -> memref<4x2x1024xf32, #tpu.memory_space<vmem>>
        %dma_wait3A_568 = arith.constant 0 : i32
        %dma_wait3A_569 = arith.constant 0 : i32
        %dma_wait3A_570 = tpu.memref_slice %arg4[%dma_wait3A_568, %add3A_409, %dma_wait3A_569] : memref<4x4096x1024xf32, #tpu.memory_space<hbm>> -> memref<4x2x1024xf32, #tpu.memory_space<hbm>>
        %dma_wait3A_571 = tpu.memref_slice %arg9[%dma_wait3A_562] : memref<4x!tpu.dma_semaphore, #tpu.memory_space<semaphore_mem>> -> memref<1x!tpu.dma_semaphore, #tpu.memory_space<semaphore_mem>>
        %dma_wait3A_572 = tpu.memref_squeeze %dma_wait3A_571 : memref<1x!tpu.dma_semaphore, #tpu.memory_space<semaphore_mem>> -> memref<!tpu.dma_semaphore, #tpu.memory_space<semaphore_mem>>
        %dma_wait3A_573 = arith.constant 0 : i32
        %dma_wait3A_574 = arith.constant 0 : i32
        %dma_wait3A_575 = tpu.memref_slice %arg4[%dma_wait3A_573, %add3A_409, %dma_wait3A_574] : memref<4x4096x1024xf32, #tpu.memory_space<hbm>> -> memref<4x2x1024xf32, #tpu.memory_space<hbm>>
        %dma_wait3A_576 = arith.constant 0 : i32
        %dma_wait3A_577 = arith.constant 0 : i32
        %dma_wait3A_578 = arith.constant 0 : i32
        %dma_wait3A_579 = tpu.memref_slice %arg7[%dma_wait3A_561, %dma_wait3A_576, %dma_wait3A_577, %dma_wait3A_578] : memref<4x4x2x1024xf32, #tpu.memory_space<vmem>> -> memref<1x4x2x1024xf32, #tpu.memory_space<vmem>>
        %dma_wait3A_580 = tpu.memref_squeeze %dma_wait3A_579 : memref<1x4x2x1024xf32, #tpu.memory_space<vmem>> -> memref<4x2x1024xf32, #tpu.memory_space<vmem>>
        tpu.wait_dma2 semaphore(%dma_wait3A_572 : memref<!tpu.dma_semaphore, #tpu.memory_space<semaphore_mem>>) src(%dma_wait3A_580 : memref<4x2x1024xf32, #tpu.memory_space<vmem>>) dst(%dma_wait3A_575 : memref<4x2x1024xf32, #tpu.memory_space<hbm>>)
      } else {
      }
      %parallel_loop3A_451 = arith.constant 0 : i32
      %parallel_loop3A_452 = arith.constant 1024 : i32
      %parallel_loop3A_453 = arith.constant 16 : i32
      scf.for %parallel_loop3A_561 = %parallel_loop3A_451 to %parallel_loop3A_452 step %parallel_loop3A_453  : i32 {
        %parallel_loop3A_562 = arith.constant 2 : i32
        %parallel_loop3A_563 = arith.constant 0 : i32
        %parallel_loop3A_564 = arith.constant 0 : i32
        %parallel_loop3A_565 = arith.constant 0 : i32
        %parallel_loop3A_566 = tpu.memref_slice %arg6[%parallel_loop3A_562, %parallel_loop3A_564, %parallel_loop3A_565] : memref<4x2x1024xf32, #tpu.memory_space<vmem>> -> memref<1x2x1024xf32, #tpu.memory_space<vmem>>
        %parallel_loop3A_567 = tpu.memref_squeeze %parallel_loop3A_566 : memref<1x2x1024xf32, #tpu.memory_space<vmem>> -> memref<2x1024xf32, #tpu.memory_space<vmem>>
        %parallel_loop3A_568 = arith.constant 0 : i32
        %parallel_loop3A_569 = tpu.memref_slice %parallel_loop3A_567[%parallel_loop3A_563, %parallel_loop3A_568] : memref<2x1024xf32, #tpu.memory_space<vmem>> -> memref<1x1024xf32, #tpu.memory_space<vmem>>
        %parallel_loop3A_570 = tpu.memref_squeeze %parallel_loop3A_569 : memref<1x1024xf32, #tpu.memory_space<vmem>> -> memref<1024xf32, #tpu.memory_space<vmem>>
        %parallel_loop3A_571 = arith.index_cast %parallel_loop3A_561 : i32 to index
        %parallel_loop3A_572 = tpu.vector_load %parallel_loop3A_570[%parallel_loop3A_571] {strides = array<i32>} : memref<1024xf32, #tpu.memory_space<vmem>>, vector<16xf32>,
        %parallel_loop3A_573 = vector.shape_cast %parallel_loop3A_572 : vector<16xf32> to vector<16xf32>
        %parallel_loop3A_574 = arith.constant 2 : i32
        %parallel_loop3A_575 = arith.constant 0 : i32
        %parallel_loop3A_576 = arith.constant 0 : i32
        %parallel_loop3A_577 = arith.constant 0 : i32
        %parallel_loop3A_578 = arith.constant 0 : i32
        %parallel_loop3A_579 = arith.constant 0 : i32
        %parallel_loop3A_580 = tpu.memref_slice %arg5[%parallel_loop3A_574, %parallel_loop3A_577, %parallel_loop3A_578, %parallel_loop3A_579] : memref<4x4x2x1024xf32, #tpu.memory_space<vmem>> -> memref<1x4x2x1024xf32, #tpu.memory_space<vmem>>
        %parallel_loop3A_581 = tpu.memref_squeeze %parallel_loop3A_580 : memref<1x4x2x1024xf32, #tpu.memory_space<vmem>> -> memref<4x2x1024xf32, #tpu.memory_space<vmem>>
        %parallel_loop3A_582 = arith.constant 0 : i32
        %parallel_loop3A_583 = arith.constant 0 : i32
        %parallel_loop3A_584 = tpu.memref_slice %parallel_loop3A_581[%parallel_loop3A_575, %parallel_loop3A_582, %parallel_loop3A_583] : memref<4x2x1024xf32, #tpu.memory_space<vmem>> -> memref<1x2x1024xf32, #tpu.memory_space<vmem>>
        %parallel_loop3A_585 = tpu.memref_squeeze %parallel_loop3A_584 : memref<1x2x1024xf32, #tpu.memory_space<vmem>> -> memref<2x1024xf32, #tpu.memory_space<vmem>>
        %parallel_loop3A_586 = arith.constant 0 : i32
        %parallel_loop3A_587 = tpu.memref_slice %parallel_loop3A_585[%parallel_loop3A_576, %parallel_loop3A_586] : memref<2x1024xf32, #tpu.memory_space<vmem>> -> memref<1x1024xf32, #tpu.memory_space<vmem>>
        %parallel_loop3A_588 = tpu.memref_squeeze %parallel_loop3A_587 : memref<1x1024xf32, #tpu.memory_space<vmem>> -> memref<1024xf32, #tpu.memory_space<vmem>>
        %parallel_loop3A_589 = arith.index_cast %parallel_loop3A_561 : i32 to index
        %parallel_loop3A_590 = tpu.vector_load %parallel_loop3A_588[%parallel_loop3A_589] {strides = array<i32>} : memref<1024xf32, #tpu.memory_space<vmem>>, vector<16xf32>,
        %parallel_loop3A_591 = vector.shape_cast %parallel_loop3A_590 : vector<16xf32> to vector<16xf32>
        %parallel_loop3A_592 = arith.addf %parallel_loop3A_591, %parallel_loop3A_573 : vector<16xf32>
        %parallel_loop3A_593 = arith.constant 2 : i32
        %parallel_loop3A_594 = arith.constant 0 : i32
        %parallel_loop3A_595 = arith.constant 0 : i32
        %parallel_loop3A_596 = arith.constant 0 : i32
        %parallel_loop3A_597 = arith.constant 0 : i32
        %parallel_loop3A_598 = arith.constant 0 : i32
        %parallel_loop3A_599 = tpu.memref_slice %arg7[%parallel_loop3A_593, %parallel_loop3A_596, %parallel_loop3A_597, %parallel_loop3A_598] : memref<4x4x2x1024xf32, #tpu.memory_space<vmem>> -> memref<1x4x2x1024xf32, #tpu.memory_space<vmem>>
        %parallel_loop3A_600 = tpu.memref_squeeze %parallel_loop3A_599 : memref<1x4x2x1024xf32, #tpu.memory_space<vmem>> -> memref<4x2x1024xf32, #tpu.memory_space<vmem>>
        %parallel_loop3A_601 = arith.constant 0 : i32
        %parallel_loop3A_602 = arith.constant 0 : i32
        %parallel_loop3A_603 = tpu.memref_slice %parallel_loop3A_600[%parallel_loop3A_594, %parallel_loop3A_601, %parallel_loop3A_602] : memref<4x2x1024xf32, #tpu.memory_space<vmem>> -> memref<1x2x1024xf32, #tpu.memory_space<vmem>>
        %parallel_loop3A_604 = tpu.memref_squeeze %parallel_loop3A_603 : memref<1x2x1024xf32, #tpu.memory_space<vmem>> -> memref<2x1024xf32, #tpu.memory_space<vmem>>
        %parallel_loop3A_605 = arith.constant 0 : i32
        %parallel_loop3A_606 = tpu.memref_slice %parallel_loop3A_604[%parallel_loop3A_595, %parallel_loop3A_605] : memref<2x1024xf32, #tpu.memory_space<vmem>> -> memref<1x1024xf32, #tpu.memory_space<vmem>>
        %parallel_loop3A_607 = tpu.memref_squeeze %parallel_loop3A_606 : memref<1x1024xf32, #tpu.memory_space<vmem>> -> memref<1024xf32, #tpu.memory_space<vmem>>
        %parallel_loop3A_608 = arith.index_cast %parallel_loop3A_561 : i32 to index
        %parallel_loop3A_609 = tpu.vector_load %parallel_loop3A_607[%parallel_loop3A_608] {strides = array<i32>} : memref<1024xf32, #tpu.memory_space<vmem>>, vector<16xf32>,
        %parallel_loop3A_610 = vector.shape_cast %parallel_loop3A_609 : vector<16xf32> to vector<16xf32>
        %parallel_loop3A_611 = vector.shape_cast %parallel_loop3A_592 : vector<16xf32> to vector<16xf32>
        tpu.vector_store %parallel_loop3A_607[%parallel_loop3A_608], %parallel_loop3A_611 {strides = array<i32>} : memref<1024xf32, #tpu.memory_space<vmem>>, vector<16xf32>,
        %parallel_loop3A_612 = arith.constant 2 : i32
        %parallel_loop3A_613 = arith.constant 1 : i32
        %parallel_loop3A_614 = arith.constant 0 : i32
        %parallel_loop3A_615 = arith.constant 0 : i32
        %parallel_loop3A_616 = arith.constant 0 : i32
        %parallel_loop3A_617 = arith.constant 0 : i32
        %parallel_loop3A_618 = tpu.memref_slice %arg5[%parallel_loop3A_612, %parallel_loop3A_615, %parallel_loop3A_616, %parallel_loop3A_617] : memref<4x4x2x1024xf32, #tpu.memory_space<vmem>> -> memref<1x4x2x1024xf32, #tpu.memory_space<vmem>>
        %parallel_loop3A_619 = tpu.memref_squeeze %parallel_loop3A_618 : memref<1x4x2x1024xf32, #tpu.memory_space<vmem>> -> memref<4x2x1024xf32, #tpu.memory_space<vmem>>
        %parallel_loop3A_620 = arith.constant 0 : i32
        %parallel_loop3A_621 = arith.constant 0 : i32
        %parallel_loop3A_622 = tpu.memref_slice %parallel_loop3A_619[%parallel_loop3A_613, %parallel_loop3A_620, %parallel_loop3A_621] : memref<4x2x1024xf32, #tpu.memory_space<vmem>> -> memref<1x2x1024xf32, #tpu.memory_space<vmem>>
        %parallel_loop3A_623 = tpu.memref_squeeze %parallel_loop3A_622 : memref<1x2x1024xf32, #tpu.memory_space<vmem>> -> memref<2x1024xf32, #tpu.memory_space<vmem>>
        %parallel_loop3A_624 = arith.constant 0 : i32
        %parallel_loop3A_625 = tpu.memref_slice %parallel_loop3A_623[%parallel_loop3A_614, %parallel_loop3A_624] : memref<2x1024xf32, #tpu.memory_space<vmem>> -> memref<1x1024xf32, #tpu.memory_space<vmem>>
        %parallel_loop3A_626 = tpu.memref_squeeze %parallel_loop3A_625 : memref<1x1024xf32, #tpu.memory_space<vmem>> -> memref<1024xf32, #tpu.memory_space<vmem>>
        %parallel_loop3A_627 = arith.index_cast %parallel_loop3A_561 : i32 to index
        %parallel_loop3A_628 = tpu.vector_load %parallel_loop3A_626[%parallel_loop3A_627] {strides = array<i32>} : memref<1024xf32, #tpu.memory_space<vmem>>, vector<16xf32>,
        %parallel_loop3A_629 = vector.shape_cast %parallel_loop3A_628 : vector<16xf32> to vector<16xf32>
        %parallel_loop3A_630 = arith.addf %parallel_loop3A_629, %parallel_loop3A_573 : vector<16xf32>
        %parallel_loop3A_631 = arith.constant 2 : i32
        %parallel_loop3A_632 = arith.constant 1 : i32
        %parallel_loop3A_633 = arith.constant 0 : i32
        %parallel_loop3A_634 = arith.constant 0 : i32
        %parallel_loop3A_635 = arith.constant 0 : i32
        %parallel_loop3A_636 = arith.constant 0 : i32
        %parallel_loop3A_637 = tpu.memref_slice %arg7[%parallel_loop3A_631, %parallel_loop3A_634, %parallel_loop3A_635, %parallel_loop3A_636] : memref<4x4x2x1024xf32, #tpu.memory_space<vmem>> -> memref<1x4x2x1024xf32, #tpu.memory_space<vmem>>
        %parallel_loop3A_638 = tpu.memref_squeeze %parallel_loop3A_637 : memref<1x4x2x1024xf32, #tpu.memory_space<vmem>> -> memref<4x2x1024xf32, #tpu.memory_space<vmem>>
        %parallel_loop3A_639 = arith.constant 0 : i32
        %parallel_loop3A_640 = arith.constant 0 : i32
        %parallel_loop3A_641 = tpu.memref_slice %parallel_loop3A_638[%parallel_loop3A_632, %parallel_loop3A_639, %parallel_loop3A_640] : memref<4x2x1024xf32, #tpu.memory_space<vmem>> -> memref<1x2x1024xf32, #tpu.memory_space<vmem>>
        %parallel_loop3A_642 = tpu.memref_squeeze %parallel_loop3A_641 : memref<1x2x1024xf32, #tpu.memory_space<vmem>> -> memref<2x1024xf32, #tpu.memory_space<vmem>>
        %parallel_loop3A_643 = arith.constant 0 : i32
        %parallel_loop3A_644 = tpu.memref_slice %parallel_loop3A_642[%parallel_loop3A_633, %parallel_loop3A_643] : memref<2x1024xf32, #tpu.memory_space<vmem>> -> memref<1x1024xf32, #tpu.memory_space<vmem>>
        %parallel_loop3A_645 = tpu.memref_squeeze %parallel_loop3A_644 : memref<1x1024xf32, #tpu.memory_space<vmem>> -> memref<1024xf32, #tpu.memory_space<vmem>>
        %parallel_loop3A_646 = arith.index_cast %parallel_loop3A_561 : i32 to index
        %parallel_loop3A_647 = tpu.vector_load %parallel_loop3A_645[%parallel_loop3A_646] {strides = array<i32>} : memref<1024xf32, #tpu.memory_space<vmem>>, vector<16xf32>,
        %parallel_loop3A_648 = vector.shape_cast %parallel_loop3A_647 : vector<16xf32> to vector<16xf32>
        %parallel_loop3A_649 = vector.shape_cast %parallel_loop3A_630 : vector<16xf32> to vector<16xf32>
        tpu.vector_store %parallel_loop3A_645[%parallel_loop3A_646], %parallel_loop3A_649 {strides = array<i32>} : memref<1024xf32, #tpu.memory_space<vmem>>, vector<16xf32>,
        %parallel_loop3A_650 = arith.constant 2 : i32
        %parallel_loop3A_651 = arith.constant 2 : i32
        %parallel_loop3A_652 = arith.constant 0 : i32
        %parallel_loop3A_653 = arith.constant 0 : i32
        %parallel_loop3A_654 = arith.constant 0 : i32
        %parallel_loop3A_655 = arith.constant 0 : i32
        %parallel_loop3A_656 = tpu.memref_slice %arg5[%parallel_loop3A_650, %parallel_loop3A_653, %parallel_loop3A_654, %parallel_loop3A_655] : memref<4x4x2x1024xf32, #tpu.memory_space<vmem>> -> memref<1x4x2x1024xf32, #tpu.memory_space<vmem>>
        %parallel_loop3A_657 = tpu.memref_squeeze %parallel_loop3A_656 : memref<1x4x2x1024xf32, #tpu.memory_space<vmem>> -> memref<4x2x1024xf32, #tpu.memory_space<vmem>>
        %parallel_loop3A_658 = arith.constant 0 : i32
        %parallel_loop3A_659 = arith.constant 0 : i32
        %parallel_loop3A_660 = tpu.memref_slice %parallel_loop3A_657[%parallel_loop3A_651, %parallel_loop3A_658, %parallel_loop3A_659] : memref<4x2x1024xf32, #tpu.memory_space<vmem>> -> memref<1x2x1024xf32, #tpu.memory_space<vmem>>
        %parallel_loop3A_661 = tpu.memref_squeeze %parallel_loop3A_660 : memref<1x2x1024xf32, #tpu.memory_space<vmem>> -> memref<2x1024xf32, #tpu.memory_space<vmem>>
        %parallel_loop3A_662 = arith.constant 0 : i32
        %parallel_loop3A_663 = tpu.memref_slice %parallel_loop3A_661[%parallel_loop3A_652, %parallel_loop3A_662] : memref<2x1024xf32, #tpu.memory_space<vmem>> -> memref<1x1024xf32, #tpu.memory_space<vmem>>
        %parallel_loop3A_664 = tpu.memref_squeeze %parallel_loop3A_663 : memref<1x1024xf32, #tpu.memory_space<vmem>> -> memref<1024xf32, #tpu.memory_space<vmem>>
        %parallel_loop3A_665 = arith.index_cast %parallel_loop3A_561 : i32 to index
        %parallel_loop3A_666 = tpu.vector_load %parallel_loop3A_664[%parallel_loop3A_665] {strides = array<i32>} : memref<1024xf32, #tpu.memory_space<vmem>>, vector<16xf32>,
        %parallel_loop3A_667 = vector.shape_cast %parallel_loop3A_666 : vector<16xf32> to vector<16xf32>
        %parallel_loop3A_668 = arith.addf %parallel_loop3A_667, %parallel_loop3A_573 : vector<16xf32>
        %parallel_loop3A_669 = arith.constant 2 : i32
        %parallel_loop3A_670 = arith.constant 2 : i32
        %parallel_loop3A_671 = arith.constant 0 : i32
        %parallel_loop3A_672 = arith.constant 0 : i32
        %parallel_loop3A_673 = arith.constant 0 : i32
        %parallel_loop3A_674 = arith.constant 0 : i32
        %parallel_loop3A_675 = tpu.memref_slice %arg7[%parallel_loop3A_669, %parallel_loop3A_672, %parallel_loop3A_673, %parallel_loop3A_674] : memref<4x4x2x1024xf32, #tpu.memory_space<vmem>> -> memref<1x4x2x1024xf32, #tpu.memory_space<vmem>>
        %parallel_loop3A_676 = tpu.memref_squeeze %parallel_loop3A_675 : memref<1x4x2x1024xf32, #tpu.memory_space<vmem>> -> memref<4x2x1024xf32, #tpu.memory_space<vmem>>
        %parallel_loop3A_677 = arith.constant 0 : i32
        %parallel_loop3A_678 = arith.constant 0 : i32
        %parallel_loop3A_679 = tpu.memref_slice %parallel_loop3A_676[%parallel_loop3A_670, %parallel_loop3A_677, %parallel_loop3A_678] : memref<4x2x1024xf32, #tpu.memory_space<vmem>> -> memref<1x2x1024xf32, #tpu.memory_space<vmem>>
        %parallel_loop3A_680 = tpu.memref_squeeze %parallel_loop3A_679 : memref<1x2x1024xf32, #tpu.memory_space<vmem>> -> memref<2x1024xf32, #tpu.memory_space<vmem>>
        %parallel_loop3A_681 = arith.constant 0 : i32
        %parallel_loop3A_682 = tpu.memref_slice %parallel_loop3A_680[%parallel_loop3A_671, %parallel_loop3A_681] : memref<2x1024xf32, #tpu.memory_space<vmem>> -> memref<1x1024xf32, #tpu.memory_space<vmem>>
        %parallel_loop3A_683 = tpu.memref_squeeze %parallel_loop3A_682 : memref<1x1024xf32, #tpu.memory_space<vmem>> -> memref<1024xf32, #tpu.memory_space<vmem>>
        %parallel_loop3A_684 = arith.index_cast %parallel_loop3A_561 : i32 to index
        %parallel_loop3A_685 = tpu.vector_load %parallel_loop3A_683[%parallel_loop3A_684] {strides = array<i32>} : memref<1024xf32, #tpu.memory_space<vmem>>, vector<16xf32>,
        %parallel_loop3A_686 = vector.shape_cast %parallel_loop3A_685 : vector<16xf32> to vector<16xf32>
        %parallel_loop3A_687 = vector.shape_cast %parallel_loop3A_668 : vector<16xf32> to vector<16xf32>
        tpu.vector_store %parallel_loop3A_683[%parallel_loop3A_684], %parallel_loop3A_687 {strides = array<i32>} : memref<1024xf32, #tpu.memory_space<vmem>>, vector<16xf32>,
        %parallel_loop3A_688 = arith.constant 2 : i32
        %parallel_loop3A_689 = arith.constant 3 : i32
        %parallel_loop3A_690 = arith.constant 0 : i32
        %parallel_loop3A_691 = arith.constant 0 : i32
        %parallel_loop3A_692 = arith.constant 0 : i32
        %parallel_loop3A_693 = arith.constant 0 : i32
        %parallel_loop3A_694 = tpu.memref_slice %arg5[%parallel_loop3A_688, %parallel_loop3A_691, %parallel_loop3A_692, %parallel_loop3A_693] : memref<4x4x2x1024xf32, #tpu.memory_space<vmem>> -> memref<1x4x2x1024xf32, #tpu.memory_space<vmem>>
        %parallel_loop3A_695 = tpu.memref_squeeze %parallel_loop3A_694 : memref<1x4x2x1024xf32, #tpu.memory_space<vmem>> -> memref<4x2x1024xf32, #tpu.memory_space<vmem>>
        %parallel_loop3A_696 = arith.constant 0 : i32
        %parallel_loop3A_697 = arith.constant 0 : i32
        %parallel_loop3A_698 = tpu.memref_slice %parallel_loop3A_695[%parallel_loop3A_689, %parallel_loop3A_696, %parallel_loop3A_697] : memref<4x2x1024xf32, #tpu.memory_space<vmem>> -> memref<1x2x1024xf32, #tpu.memory_space<vmem>>
        %parallel_loop3A_699 = tpu.memref_squeeze %parallel_loop3A_698 : memref<1x2x1024xf32, #tpu.memory_space<vmem>> -> memref<2x1024xf32, #tpu.memory_space<vmem>>
        %parallel_loop3A_700 = arith.constant 0 : i32
        %parallel_loop3A_701 = tpu.memref_slice %parallel_loop3A_699[%parallel_loop3A_690, %parallel_loop3A_700] : memref<2x1024xf32, #tpu.memory_space<vmem>> -> memref<1x1024xf32, #tpu.memory_space<vmem>>
        %parallel_loop3A_702 = tpu.memref_squeeze %parallel_loop3A_701 : memref<1x1024xf32, #tpu.memory_space<vmem>> -> memref<1024xf32, #tpu.memory_space<vmem>>
        %parallel_loop3A_703 = arith.index_cast %parallel_loop3A_561 : i32 to index
        %parallel_loop3A_704 = tpu.vector_load %parallel_loop3A_702[%parallel_loop3A_703] {strides = array<i32>} : memref<1024xf32, #tpu.memory_space<vmem>>, vector<16xf32>,
        %parallel_loop3A_705 = vector.shape_cast %parallel_loop3A_704 : vector<16xf32> to vector<16xf32>
        %parallel_loop3A_706 = arith.addf %parallel_loop3A_705, %parallel_loop3A_573 : vector<16xf32>
        %parallel_loop3A_707 = arith.constant 2 : i32
        %parallel_loop3A_708 = arith.constant 3 : i32
        %parallel_loop3A_709 = arith.constant 0 : i32
        %parallel_loop3A_710 = arith.constant 0 : i32
        %parallel_loop3A_711 = arith.constant 0 : i32
        %parallel_loop3A_712 = arith.constant 0 : i32
        %parallel_loop3A_713 = tpu.memref_slice %arg7[%parallel_loop3A_707, %parallel_loop3A_710, %parallel_loop3A_711, %parallel_loop3A_712] : memref<4x4x2x1024xf32, #tpu.memory_space<vmem>> -> memref<1x4x2x1024xf32, #tpu.memory_space<vmem>>
        %parallel_loop3A_714 = tpu.memref_squeeze %parallel_loop3A_713 : memref<1x4x2x1024xf32, #tpu.memory_space<vmem>> -> memref<4x2x1024xf32, #tpu.memory_space<vmem>>
        %parallel_loop3A_715 = arith.constant 0 : i32
        %parallel_loop3A_716 = arith.constant 0 : i32
        %parallel_loop3A_717 = tpu.memref_slice %parallel_loop3A_714[%parallel_loop3A_708, %parallel_loop3A_715, %parallel_loop3A_716] : memref<4x2x1024xf32, #tpu.memory_space<vmem>> -> memref<1x2x1024xf32, #tpu.memory_space<vmem>>
        %parallel_loop3A_718 = tpu.memref_squeeze %parallel_loop3A_717 : memref<1x2x1024xf32, #tpu.memory_space<vmem>> -> memref<2x1024xf32, #tpu.memory_space<vmem>>
        %parallel_loop3A_719 = arith.constant 0 : i32
        %parallel_loop3A_720 = tpu.memref_slice %parallel_loop3A_718[%parallel_loop3A_709, %parallel_loop3A_719] : memref<2x1024xf32, #tpu.memory_space<vmem>> -> memref<1x1024xf32, #tpu.memory_space<vmem>>
        %parallel_loop3A_721 = tpu.memref_squeeze %parallel_loop3A_720 : memref<1x1024xf32, #tpu.memory_space<vmem>> -> memref<1024xf32, #tpu.memory_space<vmem>>
        %parallel_loop3A_722 = arith.index_cast %parallel_loop3A_561 : i32 to index
        %parallel_loop3A_723 = tpu.vector_load %parallel_loop3A_721[%parallel_loop3A_722] {strides = array<i32>} : memref<1024xf32, #tpu.memory_space<vmem>>, vector<16xf32>,
        %parallel_loop3A_724 = vector.shape_cast %parallel_loop3A_723 : vector<16xf32> to vector<16xf32>
        %parallel_loop3A_725 = vector.shape_cast %parallel_loop3A_706 : vector<16xf32> to vector<16xf32>
        tpu.vector_store %parallel_loop3A_721[%parallel_loop3A_722], %parallel_loop3A_725 {strides = array<i32>} : memref<1024xf32, #tpu.memory_space<vmem>>, vector<16xf32>,
      } {sc.loop_unroll_factor = 4 : i64, sc.parallel_access}
      %parallel_loop3A_454 = arith.constant 0 : i32
      %parallel_loop3A_455 = arith.constant 1024 : i32
      %parallel_loop3A_456 = arith.constant 16 : i32
      scf.for %parallel_loop3A_561 = %parallel_loop3A_454 to %parallel_loop3A_455 step %parallel_loop3A_456  : i32 {
        %parallel_loop3A_562 = arith.constant 2 : i32
        %parallel_loop3A_563 = arith.constant 1 : i32
        %parallel_loop3A_564 = arith.constant 0 : i32
        %parallel_loop3A_565 = arith.constant 0 : i32
        %parallel_loop3A_566 = tpu.memref_slice %arg6[%parallel_loop3A_562, %parallel_loop3A_564, %parallel_loop3A_565] : memref<4x2x1024xf32, #tpu.memory_space<vmem>> -> memref<1x2x1024xf32, #tpu.memory_space<vmem>>
        %parallel_loop3A_567 = tpu.memref_squeeze %parallel_loop3A_566 : memref<1x2x1024xf32, #tpu.memory_space<vmem>> -> memref<2x1024xf32, #tpu.memory_space<vmem>>
        %parallel_loop3A_568 = arith.constant 0 : i32
        %parallel_loop3A_569 = tpu.memref_slice %parallel_loop3A_567[%parallel_loop3A_563, %parallel_loop3A_568] : memref<2x1024xf32, #tpu.memory_space<vmem>> -> memref<1x1024xf32, #tpu.memory_space<vmem>>
        %parallel_loop3A_570 = tpu.memref_squeeze %parallel_loop3A_569 : memref<1x1024xf32, #tpu.memory_space<vmem>> -> memref<1024xf32, #tpu.memory_space<vmem>>
        %parallel_loop3A_571 = arith.index_cast %parallel_loop3A_561 : i32 to index
        %parallel_loop3A_572 = tpu.vector_load %parallel_loop3A_570[%parallel_loop3A_571] {strides = array<i32>} : memref<1024xf32, #tpu.memory_space<vmem>>, vector<16xf32>,
        %parallel_loop3A_573 = vector.shape_cast %parallel_loop3A_572 : vector<16xf32> to vector<16xf32>
        %parallel_loop3A_574 = arith.constant 2 : i32
        %parallel_loop3A_575 = arith.constant 0 : i32
        %parallel_loop3A_576 = arith.constant 1 : i32
        %parallel_loop3A_577 = arith.constant 0 : i32
        %parallel_loop3A_578 = arith.constant 0 : i32
        %parallel_loop3A_579 = arith.constant 0 : i32
        %parallel_loop3A_580 = tpu.memref_slice %arg5[%parallel_loop3A_574, %parallel_loop3A_577, %parallel_loop3A_578, %parallel_loop3A_579] : memref<4x4x2x1024xf32, #tpu.memory_space<vmem>> -> memref<1x4x2x1024xf32, #tpu.memory_space<vmem>>
        %parallel_loop3A_581 = tpu.memref_squeeze %parallel_loop3A_580 : memref<1x4x2x1024xf32, #tpu.memory_space<vmem>> -> memref<4x2x1024xf32, #tpu.memory_space<vmem>>
        %parallel_loop3A_582 = arith.constant 0 : i32
        %parallel_loop3A_583 = arith.constant 0 : i32
        %parallel_loop3A_584 = tpu.memref_slice %parallel_loop3A_581[%parallel_loop3A_575, %parallel_loop3A_582, %parallel_loop3A_583] : memref<4x2x1024xf32, #tpu.memory_space<vmem>> -> memref<1x2x1024xf32, #tpu.memory_space<vmem>>
        %parallel_loop3A_585 = tpu.memref_squeeze %parallel_loop3A_584 : memref<1x2x1024xf32, #tpu.memory_space<vmem>> -> memref<2x1024xf32, #tpu.memory_space<vmem>>
        %parallel_loop3A_586 = arith.constant 0 : i32
        %parallel_loop3A_587 = tpu.memref_slice %parallel_loop3A_585[%parallel_loop3A_576, %parallel_loop3A_586] : memref<2x1024xf32, #tpu.memory_space<vmem>> -> memref<1x1024xf32, #tpu.memory_space<vmem>>
        %parallel_loop3A_588 = tpu.memref_squeeze %parallel_loop3A_587 : memref<1x1024xf32, #tpu.memory_space<vmem>> -> memref<1024xf32, #tpu.memory_space<vmem>>
        %parallel_loop3A_589 = arith.index_cast %parallel_loop3A_561 : i32 to index
        %parallel_loop3A_590 = tpu.vector_load %parallel_loop3A_588[%parallel_loop3A_589] {strides = array<i32>} : memref<1024xf32, #tpu.memory_space<vmem>>, vector<16xf32>,
        %parallel_loop3A_591 = vector.shape_cast %parallel_loop3A_590 : vector<16xf32> to vector<16xf32>
        %parallel_loop3A_592 = arith.addf %parallel_loop3A_591, %parallel_loop3A_573 : vector<16xf32>
        %parallel_loop3A_593 = arith.constant 2 : i32
        %parallel_loop3A_594 = arith.constant 0 : i32
        %parallel_loop3A_595 = arith.constant 1 : i32
        %parallel_loop3A_596 = arith.constant 0 : i32
        %parallel_loop3A_597 = arith.constant 0 : i32
        %parallel_loop3A_598 = arith.constant 0 : i32
        %parallel_loop3A_599 = tpu.memref_slice %arg7[%parallel_loop3A_593, %parallel_loop3A_596, %parallel_loop3A_597, %parallel_loop3A_598] : memref<4x4x2x1024xf32, #tpu.memory_space<vmem>> -> memref<1x4x2x1024xf32, #tpu.memory_space<vmem>>
        %parallel_loop3A_600 = tpu.memref_squeeze %parallel_loop3A_599 : memref<1x4x2x1024xf32, #tpu.memory_space<vmem>> -> memref<4x2x1024xf32, #tpu.memory_space<vmem>>
        %parallel_loop3A_601 = arith.constant 0 : i32
        %parallel_loop3A_602 = arith.constant 0 : i32
        %parallel_loop3A_603 = tpu.memref_slice %parallel_loop3A_600[%parallel_loop3A_594, %parallel_loop3A_601, %parallel_loop3A_602] : memref<4x2x1024xf32, #tpu.memory_space<vmem>> -> memref<1x2x1024xf32, #tpu.memory_space<vmem>>
        %parallel_loop3A_604 = tpu.memref_squeeze %parallel_loop3A_603 : memref<1x2x1024xf32, #tpu.memory_space<vmem>> -> memref<2x1024xf32, #tpu.memory_space<vmem>>
        %parallel_loop3A_605 = arith.constant 0 : i32
        %parallel_loop3A_606 = tpu.memref_slice %parallel_loop3A_604[%parallel_loop3A_595, %parallel_loop3A_605] : memref<2x1024xf32, #tpu.memory_space<vmem>> -> memref<1x1024xf32, #tpu.memory_space<vmem>>
        %parallel_loop3A_607 = tpu.memref_squeeze %parallel_loop3A_606 : memref<1x1024xf32, #tpu.memory_space<vmem>> -> memref<1024xf32, #tpu.memory_space<vmem>>
        %parallel_loop3A_608 = arith.index_cast %parallel_loop3A_561 : i32 to index
        %parallel_loop3A_609 = tpu.vector_load %parallel_loop3A_607[%parallel_loop3A_608] {strides = array<i32>} : memref<1024xf32, #tpu.memory_space<vmem>>, vector<16xf32>,
        %parallel_loop3A_610 = vector.shape_cast %parallel_loop3A_609 : vector<16xf32> to vector<16xf32>
        %parallel_loop3A_611 = vector.shape_cast %parallel_loop3A_592 : vector<16xf32> to vector<16xf32>
        tpu.vector_store %parallel_loop3A_607[%parallel_loop3A_608], %parallel_loop3A_611 {strides = array<i32>} : memref<1024xf32, #tpu.memory_space<vmem>>, vector<16xf32>,
        %parallel_loop3A_612 = arith.constant 2 : i32
        %parallel_loop3A_613 = arith.constant 1 : i32
        %parallel_loop3A_614 = arith.constant 1 : i32
        %parallel_loop3A_615 = arith.constant 0 : i32
        %parallel_loop3A_616 = arith.constant 0 : i32
        %parallel_loop3A_617 = arith.constant 0 : i32
        %parallel_loop3A_618 = tpu.memref_slice %arg5[%parallel_loop3A_612, %parallel_loop3A_615, %parallel_loop3A_616, %parallel_loop3A_617] : memref<4x4x2x1024xf32, #tpu.memory_space<vmem>> -> memref<1x4x2x1024xf32, #tpu.memory_space<vmem>>
        %parallel_loop3A_619 = tpu.memref_squeeze %parallel_loop3A_618 : memref<1x4x2x1024xf32, #tpu.memory_space<vmem>> -> memref<4x2x1024xf32, #tpu.memory_space<vmem>>
        %parallel_loop3A_620 = arith.constant 0 : i32
        %parallel_loop3A_621 = arith.constant 0 : i32
        %parallel_loop3A_622 = tpu.memref_slice %parallel_loop3A_619[%parallel_loop3A_613, %parallel_loop3A_620, %parallel_loop3A_621] : memref<4x2x1024xf32, #tpu.memory_space<vmem>> -> memref<1x2x1024xf32, #tpu.memory_space<vmem>>
        %parallel_loop3A_623 = tpu.memref_squeeze %parallel_loop3A_622 : memref<1x2x1024xf32, #tpu.memory_space<vmem>> -> memref<2x1024xf32, #tpu.memory_space<vmem>>
        %parallel_loop3A_624 = arith.constant 0 : i32
        %parallel_loop3A_625 = tpu.memref_slice %parallel_loop3A_623[%parallel_loop3A_614, %parallel_loop3A_624] : memref<2x1024xf32, #tpu.memory_space<vmem>> -> memref<1x1024xf32, #tpu.memory_space<vmem>>
        %parallel_loop3A_626 = tpu.memref_squeeze %parallel_loop3A_625 : memref<1x1024xf32, #tpu.memory_space<vmem>> -> memref<1024xf32, #tpu.memory_space<vmem>>
        %parallel_loop3A_627 = arith.index_cast %parallel_loop3A_561 : i32 to index
        %parallel_loop3A_628 = tpu.vector_load %parallel_loop3A_626[%parallel_loop3A_627] {strides = array<i32>} : memref<1024xf32, #tpu.memory_space<vmem>>, vector<16xf32>,
        %parallel_loop3A_629 = vector.shape_cast %parallel_loop3A_628 : vector<16xf32> to vector<16xf32>
        %parallel_loop3A_630 = arith.addf %parallel_loop3A_629, %parallel_loop3A_573 : vector<16xf32>
        %parallel_loop3A_631 = arith.constant 2 : i32
        %parallel_loop3A_632 = arith.constant 1 : i32
        %parallel_loop3A_633 = arith.constant 1 : i32
        %parallel_loop3A_634 = arith.constant 0 : i32
        %parallel_loop3A_635 = arith.constant 0 : i32
        %parallel_loop3A_636 = arith.constant 0 : i32
        %parallel_loop3A_637 = tpu.memref_slice %arg7[%parallel_loop3A_631, %parallel_loop3A_634, %parallel_loop3A_635, %parallel_loop3A_636] : memref<4x4x2x1024xf32, #tpu.memory_space<vmem>> -> memref<1x4x2x1024xf32, #tpu.memory_space<vmem>>
        %parallel_loop3A_638 = tpu.memref_squeeze %parallel_loop3A_637 : memref<1x4x2x1024xf32, #tpu.memory_space<vmem>> -> memref<4x2x1024xf32, #tpu.memory_space<vmem>>
        %parallel_loop3A_639 = arith.constant 0 : i32
        %parallel_loop3A_640 = arith.constant 0 : i32
        %parallel_loop3A_641 = tpu.memref_slice %parallel_loop3A_638[%parallel_loop3A_632, %parallel_loop3A_639, %parallel_loop3A_640] : memref<4x2x1024xf32, #tpu.memory_space<vmem>> -> memref<1x2x1024xf32, #tpu.memory_space<vmem>>
        %parallel_loop3A_642 = tpu.memref_squeeze %parallel_loop3A_641 : memref<1x2x1024xf32, #tpu.memory_space<vmem>> -> memref<2x1024xf32, #tpu.memory_space<vmem>>
        %parallel_loop3A_643 = arith.constant 0 : i32
        %parallel_loop3A_644 = tpu.memref_slice %parallel_loop3A_642[%parallel_loop3A_633, %parallel_loop3A_643] : memref<2x1024xf32, #tpu.memory_space<vmem>> -> memref<1x1024xf32, #tpu.memory_space<vmem>>
        %parallel_loop3A_645 = tpu.memref_squeeze %parallel_loop3A_644 : memref<1x1024xf32, #tpu.memory_space<vmem>> -> memref<1024xf32, #tpu.memory_space<vmem>>
        %parallel_loop3A_646 = arith.index_cast %parallel_loop3A_561 : i32 to index
        %parallel_loop3A_647 = tpu.vector_load %parallel_loop3A_645[%parallel_loop3A_646] {strides = array<i32>} : memref<1024xf32, #tpu.memory_space<vmem>>, vector<16xf32>,
        %parallel_loop3A_648 = vector.shape_cast %parallel_loop3A_647 : vector<16xf32> to vector<16xf32>
        %parallel_loop3A_649 = vector.shape_cast %parallel_loop3A_630 : vector<16xf32> to vector<16xf32>
        tpu.vector_store %parallel_loop3A_645[%parallel_loop3A_646], %parallel_loop3A_649 {strides = array<i32>} : memref<1024xf32, #tpu.memory_space<vmem>>, vector<16xf32>,
        %parallel_loop3A_650 = arith.constant 2 : i32
        %parallel_loop3A_651 = arith.constant 2 : i32
        %parallel_loop3A_652 = arith.constant 1 : i32
        %parallel_loop3A_653 = arith.constant 0 : i32
        %parallel_loop3A_654 = arith.constant 0 : i32
        %parallel_loop3A_655 = arith.constant 0 : i32
        %parallel_loop3A_656 = tpu.memref_slice %arg5[%parallel_loop3A_650, %parallel_loop3A_653, %parallel_loop3A_654, %parallel_loop3A_655] : memref<4x4x2x1024xf32, #tpu.memory_space<vmem>> -> memref<1x4x2x1024xf32, #tpu.memory_space<vmem>>
        %parallel_loop3A_657 = tpu.memref_squeeze %parallel_loop3A_656 : memref<1x4x2x1024xf32, #tpu.memory_space<vmem>> -> memref<4x2x1024xf32, #tpu.memory_space<vmem>>
        %parallel_loop3A_658 = arith.constant 0 : i32
        %parallel_loop3A_659 = arith.constant 0 : i32
        %parallel_loop3A_660 = tpu.memref_slice %parallel_loop3A_657[%parallel_loop3A_651, %parallel_loop3A_658, %parallel_loop3A_659] : memref<4x2x1024xf32, #tpu.memory_space<vmem>> -> memref<1x2x1024xf32, #tpu.memory_space<vmem>>
        %parallel_loop3A_661 = tpu.memref_squeeze %parallel_loop3A_660 : memref<1x2x1024xf32, #tpu.memory_space<vmem>> -> memref<2x1024xf32, #tpu.memory_space<vmem>>
        %parallel_loop3A_662 = arith.constant 0 : i32
        %parallel_loop3A_663 = tpu.memref_slice %parallel_loop3A_661[%parallel_loop3A_652, %parallel_loop3A_662] : memref<2x1024xf32, #tpu.memory_space<vmem>> -> memref<1x1024xf32, #tpu.memory_space<vmem>>
        %parallel_loop3A_664 = tpu.memref_squeeze %parallel_loop3A_663 : memref<1x1024xf32, #tpu.memory_space<vmem>> -> memref<1024xf32, #tpu.memory_space<vmem>>
        %parallel_loop3A_665 = arith.index_cast %parallel_loop3A_561 : i32 to index
        %parallel_loop3A_666 = tpu.vector_load %parallel_loop3A_664[%parallel_loop3A_665] {strides = array<i32>} : memref<1024xf32, #tpu.memory_space<vmem>>, vector<16xf32>,
        %parallel_loop3A_667 = vector.shape_cast %parallel_loop3A_666 : vector<16xf32> to vector<16xf32>
        %parallel_loop3A_668 = arith.addf %parallel_loop3A_667, %parallel_loop3A_573 : vector<16xf32>
        %parallel_loop3A_669 = arith.constant 2 : i32
        %parallel_loop3A_670 = arith.constant 2 : i32
        %parallel_loop3A_671 = arith.constant 1 : i32
        %parallel_loop3A_672 = arith.constant 0 : i32
        %parallel_loop3A_673 = arith.constant 0 : i32
        %parallel_loop3A_674 = arith.constant 0 : i32
        %parallel_loop3A_675 = tpu.memref_slice %arg7[%parallel_loop3A_669, %parallel_loop3A_672, %parallel_loop3A_673, %parallel_loop3A_674] : memref<4x4x2x1024xf32, #tpu.memory_space<vmem>> -> memref<1x4x2x1024xf32, #tpu.memory_space<vmem>>
        %parallel_loop3A_676 = tpu.memref_squeeze %parallel_loop3A_675 : memref<1x4x2x1024xf32, #tpu.memory_space<vmem>> -> memref<4x2x1024xf32, #tpu.memory_space<vmem>>
        %parallel_loop3A_677 = arith.constant 0 : i32
        %parallel_loop3A_678 = arith.constant 0 : i32
        %parallel_loop3A_679 = tpu.memref_slice %parallel_loop3A_676[%parallel_loop3A_670, %parallel_loop3A_677, %parallel_loop3A_678] : memref<4x2x1024xf32, #tpu.memory_space<vmem>> -> memref<1x2x1024xf32, #tpu.memory_space<vmem>>
        %parallel_loop3A_680 = tpu.memref_squeeze %parallel_loop3A_679 : memref<1x2x1024xf32, #tpu.memory_space<vmem>> -> memref<2x1024xf32, #tpu.memory_space<vmem>>
        %parallel_loop3A_681 = arith.constant 0 : i32
        %parallel_loop3A_682 = tpu.memref_slice %parallel_loop3A_680[%parallel_loop3A_671, %parallel_loop3A_681] : memref<2x1024xf32, #tpu.memory_space<vmem>> -> memref<1x1024xf32, #tpu.memory_space<vmem>>
        %parallel_loop3A_683 = tpu.memref_squeeze %parallel_loop3A_682 : memref<1x1024xf32, #tpu.memory_space<vmem>> -> memref<1024xf32, #tpu.memory_space<vmem>>
        %parallel_loop3A_684 = arith.index_cast %parallel_loop3A_561 : i32 to index
        %parallel_loop3A_685 = tpu.vector_load %parallel_loop3A_683[%parallel_loop3A_684] {strides = array<i32>} : memref<1024xf32, #tpu.memory_space<vmem>>, vector<16xf32>,
        %parallel_loop3A_686 = vector.shape_cast %parallel_loop3A_685 : vector<16xf32> to vector<16xf32>
        %parallel_loop3A_687 = vector.shape_cast %parallel_loop3A_668 : vector<16xf32> to vector<16xf32>
        tpu.vector_store %parallel_loop3A_683[%parallel_loop3A_684], %parallel_loop3A_687 {strides = array<i32>} : memref<1024xf32, #tpu.memory_space<vmem>>, vector<16xf32>,
        %parallel_loop3A_688 = arith.constant 2 : i32
        %parallel_loop3A_689 = arith.constant 3 : i32
        %parallel_loop3A_690 = arith.constant 1 : i32
        %parallel_loop3A_691 = arith.constant 0 : i32
        %parallel_loop3A_692 = arith.constant 0 : i32
        %parallel_loop3A_693 = arith.constant 0 : i32
        %parallel_loop3A_694 = tpu.memref_slice %arg5[%parallel_loop3A_688, %parallel_loop3A_691, %parallel_loop3A_692, %parallel_loop3A_693] : memref<4x4x2x1024xf32, #tpu.memory_space<vmem>> -> memref<1x4x2x1024xf32, #tpu.memory_space<vmem>>
        %parallel_loop3A_695 = tpu.memref_squeeze %parallel_loop3A_694 : memref<1x4x2x1024xf32, #tpu.memory_space<vmem>> -> memref<4x2x1024xf32, #tpu.memory_space<vmem>>
        %parallel_loop3A_696 = arith.constant 0 : i32
        %parallel_loop3A_697 = arith.constant 0 : i32
        %parallel_loop3A_698 = tpu.memref_slice %parallel_loop3A_695[%parallel_loop3A_689, %parallel_loop3A_696, %parallel_loop3A_697] : memref<4x2x1024xf32, #tpu.memory_space<vmem>> -> memref<1x2x1024xf32, #tpu.memory_space<vmem>>
        %parallel_loop3A_699 = tpu.memref_squeeze %parallel_loop3A_698 : memref<1x2x1024xf32, #tpu.memory_space<vmem>> -> memref<2x1024xf32, #tpu.memory_space<vmem>>
        %parallel_loop3A_700 = arith.constant 0 : i32
        %parallel_loop3A_701 = tpu.memref_slice %parallel_loop3A_699[%parallel_loop3A_690, %parallel_loop3A_700] : memref<2x1024xf32, #tpu.memory_space<vmem>> -> memref<1x1024xf32, #tpu.memory_space<vmem>>
        %parallel_loop3A_702 = tpu.memref_squeeze %parallel_loop3A_701 : memref<1x1024xf32, #tpu.memory_space<vmem>> -> memref<1024xf32, #tpu.memory_space<vmem>>
        %parallel_loop3A_703 = arith.index_cast %parallel_loop3A_561 : i32 to index
        %parallel_loop3A_704 = tpu.vector_load %parallel_loop3A_702[%parallel_loop3A_703] {strides = array<i32>} : memref<1024xf32, #tpu.memory_space<vmem>>, vector<16xf32>,
        %parallel_loop3A_705 = vector.shape_cast %parallel_loop3A_704 : vector<16xf32> to vector<16xf32>
        %parallel_loop3A_706 = arith.addf %parallel_loop3A_705, %parallel_loop3A_573 : vector<16xf32>
        %parallel_loop3A_707 = arith.constant 2 : i32
        %parallel_loop3A_708 = arith.constant 3 : i32
        %parallel_loop3A_709 = arith.constant 1 : i32
        %parallel_loop3A_710 = arith.constant 0 : i32
        %parallel_loop3A_711 = arith.constant 0 : i32
        %parallel_loop3A_712 = arith.constant 0 : i32
        %parallel_loop3A_713 = tpu.memref_slice %arg7[%parallel_loop3A_707, %parallel_loop3A_710, %parallel_loop3A_711, %parallel_loop3A_712] : memref<4x4x2x1024xf32, #tpu.memory_space<vmem>> -> memref<1x4x2x1024xf32, #tpu.memory_space<vmem>>
        %parallel_loop3A_714 = tpu.memref_squeeze %parallel_loop3A_713 : memref<1x4x2x1024xf32, #tpu.memory_space<vmem>> -> memref<4x2x1024xf32, #tpu.memory_space<vmem>>
        %parallel_loop3A_715 = arith.constant 0 : i32
        %parallel_loop3A_716 = arith.constant 0 : i32
        %parallel_loop3A_717 = tpu.memref_slice %parallel_loop3A_714[%parallel_loop3A_708, %parallel_loop3A_715, %parallel_loop3A_716] : memref<4x2x1024xf32, #tpu.memory_space<vmem>> -> memref<1x2x1024xf32, #tpu.memory_space<vmem>>
        %parallel_loop3A_718 = tpu.memref_squeeze %parallel_loop3A_717 : memref<1x2x1024xf32, #tpu.memory_space<vmem>> -> memref<2x1024xf32, #tpu.memory_space<vmem>>
        %parallel_loop3A_719 = arith.constant 0 : i32
        %parallel_loop3A_720 = tpu.memref_slice %parallel_loop3A_718[%parallel_loop3A_709, %parallel_loop3A_719] : memref<2x1024xf32, #tpu.memory_space<vmem>> -> memref<1x1024xf32, #tpu.memory_space<vmem>>
        %parallel_loop3A_721 = tpu.memref_squeeze %parallel_loop3A_720 : memref<1x1024xf32, #tpu.memory_space<vmem>> -> memref<1024xf32, #tpu.memory_space<vmem>>
        %parallel_loop3A_722 = arith.index_cast %parallel_loop3A_561 : i32 to index
        %parallel_loop3A_723 = tpu.vector_load %parallel_loop3A_721[%parallel_loop3A_722] {strides = array<i32>} : memref<1024xf32, #tpu.memory_space<vmem>>, vector<16xf32>,
        %parallel_loop3A_724 = vector.shape_cast %parallel_loop3A_723 : vector<16xf32> to vector<16xf32>
        %parallel_loop3A_725 = vector.shape_cast %parallel_loop3A_706 : vector<16xf32> to vector<16xf32>
        tpu.vector_store %parallel_loop3A_721[%parallel_loop3A_722], %parallel_loop3A_725 {strides = array<i32>} : memref<1024xf32, #tpu.memory_space<vmem>>, vector<16xf32>,
      } {sc.loop_unroll_factor = 4 : i64, sc.parallel_access}
      %dma_start3A_457 = arith.constant 2 : i32
      %dma_start3A_458 = arith.constant 2 : i32
      %dma_start3A_459 = arith.constant 0 : i32
      %dma_start3A_460 = arith.constant 0 : i32
      %dma_start3A_461 = arith.constant 0 : i32
      %dma_start3A_462 = tpu.memref_slice %arg7[%dma_start3A_457, %dma_start3A_459, %dma_start3A_460, %dma_start3A_461] : memref<4x4x2x1024xf32, #tpu.memory_space<vmem>> -> memref<1x4x2x1024xf32, #tpu.memory_space<vmem>>
      %dma_start3A_463 = tpu.memref_squeeze %dma_start3A_462 : memref<1x4x2x1024xf32, #tpu.memory_space<vmem>> -> memref<4x2x1024xf32, #tpu.memory_space<vmem>>
      %dma_start3A_464 = arith.constant 0 : i32
      %dma_start3A_465 = arith.constant 0 : i32
      %dma_start3A_466 = tpu.memref_slice %arg4[%dma_start3A_464, %add3A_409, %dma_start3A_465] : memref<4x4096x1024xf32, #tpu.memory_space<hbm>> -> memref<4x2x1024xf32, #tpu.memory_space<hbm>>
      %dma_start3A_467 = tpu.memref_slice %arg9[%dma_start3A_458] : memref<4x!tpu.dma_semaphore, #tpu.memory_space<semaphore_mem>> -> memref<1x!tpu.dma_semaphore, #tpu.memory_space<semaphore_mem>>
      %dma_start3A_468 = tpu.memref_squeeze %dma_start3A_467 : memref<1x!tpu.dma_semaphore, #tpu.memory_space<semaphore_mem>> -> memref<!tpu.dma_semaphore, #tpu.memory_space<semaphore_mem>>
      %dma_start3A_469 = arith.constant 0 : i32
      %dma_start3A_470 = arith.constant 0 : i32
      %dma_start3A_471 = tpu.memref_slice %arg4[%dma_start3A_469, %add3A_409, %dma_start3A_470] : memref<4x4096x1024xf32, #tpu.memory_space<hbm>> -> memref<4x2x1024xf32, #tpu.memory_space<hbm>>
      %dma_start3A_472 = arith.constant 0 : i32
      %dma_start3A_473 = arith.constant 0 : i32
      %dma_start3A_474 = arith.constant 0 : i32
      %dma_start3A_475 = tpu.memref_slice %arg7[%dma_start3A_457, %dma_start3A_472, %dma_start3A_473, %dma_start3A_474] : memref<4x4x2x1024xf32, #tpu.memory_space<vmem>> -> memref<1x4x2x1024xf32, #tpu.memory_space<vmem>>
      %dma_start3A_476 = tpu.memref_squeeze %dma_start3A_475 : memref<1x4x2x1024xf32, #tpu.memory_space<vmem>> -> memref<4x2x1024xf32, #tpu.memory_space<vmem>>
      tpu.enqueue_dma source(%dma_start3A_476 : memref<4x2x1024xf32, #tpu.memory_space<vmem>>) target(%dma_start3A_471 : memref<4x2x1024xf32, #tpu.memory_space<hbm>>) target_semaphore(%dma_start3A_468 : memref<!tpu.dma_semaphore, #tpu.memory_space<semaphore_mem>>)
      %lt3A_477 = arith.constant 15 : i32
      %lt3A_478 = arith.cmpi slt, %add3A_249, %lt3A_477 : i32
      %convert_element_type3A_479 = arith.extui %lt3A_478 : i1 to i32
      %cond3A_480 = arith.constant 0 : i32
      %cond3A_481 = arith.cmpi ne, %convert_element_type3A_479, %cond3A_480 : i32
      scf.if %cond3A_481 {
        %add3A_561 = arith.constant 1 : i32
        %add3A_562 = arith.addi %add3A_249, %add3A_561 : i32
        %mul3A_563 = arith.constant 4 : i32
        %mul3A_564 = arith.muli %add3A_562, %mul3A_563 : i32
        %add3A_565 = arith.constant 2 : i32
        %add3A_566 = arith.addi %mul3A_564, %add3A_565 : i32
        %mul3A_567 = arith.constant 2 : i32
        %mul3A_568 = arith.muli %add3A_566, %mul3A_567 : i32
        %add3A_569 = arith.addi %mul3A_2, %mul3A_568 : i32
        %dma_start3A_570 = arith.constant 2 : i32
        %dma_start3A_571 = arith.constant 2 : i32
        %dma_start3A_572 = arith.constant 0 : i32
        %dma_start3A_573 = arith.constant 0 : i32
        %dma_start3A_574 = arith.constant 0 : i32
        %dma_start3A_575 = tpu.memref_slice %arg5[%dma_start3A_570, %dma_start3A_572, %dma_start3A_573, %dma_start3A_574] : memref<4x4x2x1024xf32, #tpu.memory_space<vmem>> -> memref<1x4x2x1024xf32, #tpu.memory_space<vmem>>
        %dma_start3A_576 = tpu.memref_squeeze %dma_start3A_575 : memref<1x4x2x1024xf32, #tpu.memory_space<vmem>> -> memref<4x2x1024xf32, #tpu.memory_space<vmem>>
        %dma_start3A_577 = arith.constant 0 : i32
        %dma_start3A_578 = arith.constant 0 : i32
        %dma_start3A_579 = tpu.memref_slice %arg2[%dma_start3A_577, %add3A_569, %dma_start3A_578] : memref<4x4096x1024xf32, #tpu.memory_space<hbm>> -> memref<4x2x1024xf32, #tpu.memory_space<hbm>>
        %dma_start3A_580 = tpu.memref_slice %arg8[%dma_start3A_571] : memref<4x!tpu.dma_semaphore, #tpu.memory_space<semaphore_mem>> -> memref<1x!tpu.dma_semaphore, #tpu.memory_space<semaphore_mem>>
        %dma_start3A_581 = tpu.memref_squeeze %dma_start3A_580 : memref<1x!tpu.dma_semaphore, #tpu.memory_space<semaphore_mem>> -> memref<!tpu.dma_semaphore, #tpu.memory_space<semaphore_mem>>
        %dma_start3A_582 = arith.constant 0 : i32
        %dma_start3A_583 = arith.constant 0 : i32
        %dma_start3A_584 = arith.constant 0 : i32
        %dma_start3A_585 = tpu.memref_slice %arg5[%dma_start3A_570, %dma_start3A_582, %dma_start3A_583, %dma_start3A_584] : memref<4x4x2x1024xf32, #tpu.memory_space<vmem>> -> memref<1x4x2x1024xf32, #tpu.memory_space<vmem>>
        %dma_start3A_586 = tpu.memref_squeeze %dma_start3A_585 : memref<1x4x2x1024xf32, #tpu.memory_space<vmem>> -> memref<4x2x1024xf32, #tpu.memory_space<vmem>>
        %dma_start3A_587 = arith.constant 0 : i32
        %dma_start3A_588 = arith.constant 0 : i32
        %dma_start3A_589 = tpu.memref_slice %arg2[%dma_start3A_587, %add3A_569, %dma_start3A_588] : memref<4x4096x1024xf32, #tpu.memory_space<hbm>> -> memref<4x2x1024xf32, #tpu.memory_space<hbm>>
        tpu.enqueue_dma source(%dma_start3A_589 : memref<4x2x1024xf32, #tpu.memory_space<hbm>>) target(%dma_start3A_586 : memref<4x2x1024xf32, #tpu.memory_space<vmem>>) target_semaphore(%dma_start3A_581 : memref<!tpu.dma_semaphore, #tpu.memory_space<semaphore_mem>>)
        %dma_start3A_590 = arith.constant 2 : i32
        %dma_start3A_591 = arith.constant 2 : i32
        %dma_start3A_592 = arith.constant 0 : i32
        %dma_start3A_593 = arith.constant 0 : i32
        %dma_start3A_594 = tpu.memref_slice %arg6[%dma_start3A_590, %dma_start3A_592, %dma_start3A_593] : memref<4x2x1024xf32, #tpu.memory_space<vmem>> -> memref<1x2x1024xf32, #tpu.memory_space<vmem>>
        %dma_start3A_595 = tpu.memref_squeeze %dma_start3A_594 : memref<1x2x1024xf32, #tpu.memory_space<vmem>> -> memref<2x1024xf32, #tpu.memory_space<vmem>>
        %dma_start3A_596 = arith.constant 0 : i32
        %dma_start3A_597 = tpu.memref_slice %arg3[%add3A_569, %dma_start3A_596] : memref<8192x1024xf32, #tpu.memory_space<hbm>> -> memref<2x1024xf32, #tpu.memory_space<hbm>>
        %dma_start3A_598 = tpu.memref_slice %arg8[%dma_start3A_591] : memref<4x!tpu.dma_semaphore, #tpu.memory_space<semaphore_mem>> -> memref<1x!tpu.dma_semaphore, #tpu.memory_space<semaphore_mem>>
        %dma_start3A_599 = tpu.memref_squeeze %dma_start3A_598 : memref<1x!tpu.dma_semaphore, #tpu.memory_space<semaphore_mem>> -> memref<!tpu.dma_semaphore, #tpu.memory_space<semaphore_mem>>
        %dma_start3A_600 = arith.constant 0 : i32
        %dma_start3A_601 = arith.constant 0 : i32
        %dma_start3A_602 = tpu.memref_slice %arg6[%dma_start3A_590, %dma_start3A_600, %dma_start3A_601] : memref<4x2x1024xf32, #tpu.memory_space<vmem>> -> memref<1x2x1024xf32, #tpu.memory_space<vmem>>
        %dma_start3A_603 = tpu.memref_squeeze %dma_start3A_602 : memref<1x2x1024xf32, #tpu.memory_space<vmem>> -> memref<2x1024xf32, #tpu.memory_space<vmem>>
        %dma_start3A_604 = arith.constant 0 : i32
        %dma_start3A_605 = tpu.memref_slice %arg3[%add3A_569, %dma_start3A_604] : memref<8192x1024xf32, #tpu.memory_space<hbm>> -> memref<2x1024xf32, #tpu.memory_space<hbm>>
        tpu.enqueue_dma source(%dma_start3A_605 : memref<2x1024xf32, #tpu.memory_space<hbm>>) target(%dma_start3A_603 : memref<2x1024xf32, #tpu.memory_space<vmem>>) target_semaphore(%dma_start3A_599 : memref<!tpu.dma_semaphore, #tpu.memory_space<semaphore_mem>>)
      } else {
      }
      %mul3A_482 = arith.constant 4 : i32
      %mul3A_483 = arith.muli %add3A_249, %mul3A_482 : i32
      %add3A_484 = arith.constant 3 : i32
      %add3A_485 = arith.addi %mul3A_483, %add3A_484 : i32
      %mul3A_486 = arith.constant 2 : i32
      %mul3A_487 = arith.muli %add3A_485, %mul3A_486 : i32
      %add3A_488 = arith.addi %mul3A_2, %mul3A_487 : i32
      %dma_wait3A_489 = arith.constant 3 : i32
      %dma_wait3A_490 = arith.constant 3 : i32
      %dma_wait3A_491 = arith.constant 0 : i32
      %dma_wait3A_492 = arith.constant 0 : i32
      %dma_wait3A_493 = arith.constant 0 : i32
      %dma_wait3A_494 = tpu.memref_slice %arg5[%dma_wait3A_489, %dma_wait3A_491, %dma_wait3A_492, %dma_wait3A_493] : memref<4x4x2x1024xf32, #tpu.memory_space<vmem>> -> memref<1x4x2x1024xf32, #tpu.memory_space<vmem>>
      %dma_wait3A_495 = tpu.memref_squeeze %dma_wait3A_494 : memref<1x4x2x1024xf32, #tpu.memory_space<vmem>> -> memref<4x2x1024xf32, #tpu.memory_space<vmem>>
      %dma_wait3A_496 = arith.constant 0 : i32
      %dma_wait3A_497 = arith.constant 0 : i32
      %dma_wait3A_498 = tpu.memref_slice %arg2[%dma_wait3A_496, %add3A_488, %dma_wait3A_497] : memref<4x4096x1024xf32, #tpu.memory_space<hbm>> -> memref<4x2x1024xf32, #tpu.memory_space<hbm>>
      %dma_wait3A_499 = tpu.memref_slice %arg8[%dma_wait3A_490] : memref<4x!tpu.dma_semaphore, #tpu.memory_space<semaphore_mem>> -> memref<1x!tpu.dma_semaphore, #tpu.memory_space<semaphore_mem>>
      %dma_wait3A_500 = tpu.memref_squeeze %dma_wait3A_499 : memref<1x!tpu.dma_semaphore, #tpu.memory_space<semaphore_mem>> -> memref<!tpu.dma_semaphore, #tpu.memory_space<semaphore_mem>>
      %dma_wait3A_501 = arith.constant 0 : i32
      %dma_wait3A_502 = arith.constant 0 : i32
      %dma_wait3A_503 = arith.constant 0 : i32
      %dma_wait3A_504 = tpu.memref_slice %arg5[%dma_wait3A_489, %dma_wait3A_501, %dma_wait3A_502, %dma_wait3A_503] : memref<4x4x2x1024xf32, #tpu.memory_space<vmem>> -> memref<1x4x2x1024xf32, #tpu.memory_space<vmem>>
      %dma_wait3A_505 = tpu.memref_squeeze %dma_wait3A_504 : memref<1x4x2x1024xf32, #tpu.memory_space<vmem>> -> memref<4x2x1024xf32, #tpu.memory_space<vmem>>
      %dma_wait3A_506 = arith.constant 0 : i32
      %dma_wait3A_507 = arith.constant 0 : i32
      %dma_wait3A_508 = tpu.memref_slice %arg2[%dma_wait3A_506, %add3A_488, %dma_wait3A_507] : memref<4x4096x1024xf32, #tpu.memory_space<hbm>> -> memref<4x2x1024xf32, #tpu.memory_space<hbm>>
      tpu.wait_dma2 semaphore(%dma_wait3A_500 : memref<!tpu.dma_semaphore, #tpu.memory_space<semaphore_mem>>) src(%dma_wait3A_508 : memref<4x2x1024xf32, #tpu.memory_space<hbm>>) dst(%dma_wait3A_505 : memref<4x2x1024xf32, #tpu.memory_space<vmem>>)
      %dma_wait3A_509 = arith.constant 3 : i32
      %dma_wait3A_510 = arith.constant 3 : i32
      %dma_wait3A_511 = arith.constant 0 : i32
      %dma_wait3A_512 = arith.constant 0 : i32
      %dma_wait3A_513 = tpu.memref_slice %arg6[%dma_wait3A_509, %dma_wait3A_511, %dma_wait3A_512] : memref<4x2x1024xf32, #tpu.memory_space<vmem>> -> memref<1x2x1024xf32, #tpu.memory_space<vmem>>
      %dma_wait3A_514 = tpu.memref_squeeze %dma_wait3A_513 : memref<1x2x1024xf32, #tpu.memory_space<vmem>> -> memref<2x1024xf32, #tpu.memory_space<vmem>>
      %dma_wait3A_515 = arith.constant 0 : i32
      %dma_wait3A_516 = tpu.memref_slice %arg3[%add3A_488, %dma_wait3A_515] : memref<8192x1024xf32, #tpu.memory_space<hbm>> -> memref<2x1024xf32, #tpu.memory_space<hbm>>
      %dma_wait3A_517 = tpu.memref_slice %arg8[%dma_wait3A_510] : memref<4x!tpu.dma_semaphore, #tpu.memory_space<semaphore_mem>> -> memref<1x!tpu.dma_semaphore, #tpu.memory_space<semaphore_mem>>
      %dma_wait3A_518 = tpu.memref_squeeze %dma_wait3A_517 : memref<1x!tpu.dma_semaphore, #tpu.memory_space<semaphore_mem>> -> memref<!tpu.dma_semaphore, #tpu.memory_space<semaphore_mem>>
      %dma_wait3A_519 = arith.constant 0 : i32
      %dma_wait3A_520 = arith.constant 0 : i32
      %dma_wait3A_521 = tpu.memref_slice %arg6[%dma_wait3A_509, %dma_wait3A_519, %dma_wait3A_520] : memref<4x2x1024xf32, #tpu.memory_space<vmem>> -> memref<1x2x1024xf32, #tpu.memory_space<vmem>>
      %dma_wait3A_522 = tpu.memref_squeeze %dma_wait3A_521 : memref<1x2x1024xf32, #tpu.memory_space<vmem>> -> memref<2x1024xf32, #tpu.memory_space<vmem>>
      %dma_wait3A_523 = arith.constant 0 : i32
      %dma_wait3A_524 = tpu.memref_slice %arg3[%add3A_488, %dma_wait3A_523] : memref<8192x1024xf32, #tpu.memory_space<hbm>> -> memref<2x1024xf32, #tpu.memory_space<hbm>>
      tpu.wait_dma2 semaphore(%dma_wait3A_518 : memref<!tpu.dma_semaphore, #tpu.memory_space<semaphore_mem>>) src(%dma_wait3A_524 : memref<2x1024xf32, #tpu.memory_space<hbm>>) dst(%dma_wait3A_522 : memref<2x1024xf32, #tpu.memory_space<vmem>>)
      %gt3A_525 = arith.constant 0 : i32
      %gt3A_526 = arith.cmpi sgt, %add3A_249, %gt3A_525 : i32
      %convert_element_type3A_527 = arith.extui %gt3A_526 : i1 to i32
      %cond3A_528 = arith.constant 0 : i32
      %cond3A_529 = arith.cmpi ne, %convert_element_type3A_527, %cond3A_528 : i32
      scf.if %cond3A_529 {
        %dma_wait3A_561 = arith.constant 3 : i32
        %dma_wait3A_562 = arith.constant 3 : i32
        %dma_wait3A_563 = arith.constant 0 : i32
        %dma_wait3A_564 = arith.constant 0 : i32
        %dma_wait3A_565 = arith.constant 0 : i32
        %dma_wait3A_566 = tpu.memref_slice %arg7[%dma_wait3A_561, %dma_wait3A_563, %dma_wait3A_564, %dma_wait3A_565] : memref<4x4x2x1024xf32, #tpu.memory_space<vmem>> -> memref<1x4x2x1024xf32, #tpu.memory_space<vmem>>
        %dma_wait3A_567 = tpu.memref_squeeze %dma_wait3A_566 : memref<1x4x2x1024xf32, #tpu.memory_space<vmem>> -> memref<4x2x1024xf32, #tpu.memory_space<vmem>>
        %dma_wait3A_568 = arith.constant 0 : i32
        %dma_wait3A_569 = arith.constant 0 : i32
        %dma_wait3A_570 = tpu.memref_slice %arg4[%dma_wait3A_568, %add3A_488, %dma_wait3A_569] : memref<4x4096x1024xf32, #tpu.memory_space<hbm>> -> memref<4x2x1024xf32, #tpu.memory_space<hbm>>
        %dma_wait3A_571 = tpu.memref_slice %arg9[%dma_wait3A_562] : memref<4x!tpu.dma_semaphore, #tpu.memory_space<semaphore_mem>> -> memref<1x!tpu.dma_semaphore, #tpu.memory_space<semaphore_mem>>
        %dma_wait3A_572 = tpu.memref_squeeze %dma_wait3A_571 : memref<1x!tpu.dma_semaphore, #tpu.memory_space<semaphore_mem>> -> memref<!tpu.dma_semaphore, #tpu.memory_space<semaphore_mem>>
        %dma_wait3A_573 = arith.constant 0 : i32
        %dma_wait3A_574 = arith.constant 0 : i32
        %dma_wait3A_575 = tpu.memref_slice %arg4[%dma_wait3A_573, %add3A_488, %dma_wait3A_574] : memref<4x4096x1024xf32, #tpu.memory_space<hbm>> -> memref<4x2x1024xf32, #tpu.memory_space<hbm>>
        %dma_wait3A_576 = arith.constant 0 : i32
        %dma_wait3A_577 = arith.constant 0 : i32
        %dma_wait3A_578 = arith.constant 0 : i32
        %dma_wait3A_579 = tpu.memref_slice %arg7[%dma_wait3A_561, %dma_wait3A_576, %dma_wait3A_577, %dma_wait3A_578] : memref<4x4x2x1024xf32, #tpu.memory_space<vmem>> -> memref<1x4x2x1024xf32, #tpu.memory_space<vmem>>
        %dma_wait3A_580 = tpu.memref_squeeze %dma_wait3A_579 : memref<1x4x2x1024xf32, #tpu.memory_space<vmem>> -> memref<4x2x1024xf32, #tpu.memory_space<vmem>>
        tpu.wait_dma2 semaphore(%dma_wait3A_572 : memref<!tpu.dma_semaphore, #tpu.memory_space<semaphore_mem>>) src(%dma_wait3A_580 : memref<4x2x1024xf32, #tpu.memory_space<vmem>>) dst(%dma_wait3A_575 : memref<4x2x1024xf32, #tpu.memory_space<hbm>>)
      } else {
      }
      %parallel_loop3A_530 = arith.constant 0 : i32
      %parallel_loop3A_531 = arith.constant 1024 : i32
      %parallel_loop3A_532 = arith.constant 16 : i32
      scf.for %parallel_loop3A_561 = %parallel_loop3A_530 to %parallel_loop3A_531 step %parallel_loop3A_532  : i32 {
        %parallel_loop3A_562 = arith.constant 3 : i32
        %parallel_loop3A_563 = arith.constant 0 : i32
        %parallel_loop3A_564 = arith.constant 0 : i32
        %parallel_loop3A_565 = arith.constant 0 : i32
        %parallel_loop3A_566 = tpu.memref_slice %arg6[%parallel_loop3A_562, %parallel_loop3A_564, %parallel_loop3A_565] : memref<4x2x1024xf32, #tpu.memory_space<vmem>> -> memref<1x2x1024xf32, #tpu.memory_space<vmem>>
        %parallel_loop3A_567 = tpu.memref_squeeze %parallel_loop3A_566 : memref<1x2x1024xf32, #tpu.memory_space<vmem>> -> memref<2x1024xf32, #tpu.memory_space<vmem>>
        %parallel_loop3A_568 = arith.constant 0 : i32
        %parallel_loop3A_569 = tpu.memref_slice %parallel_loop3A_567[%parallel_loop3A_563, %parallel_loop3A_568] : memref<2x1024xf32, #tpu.memory_space<vmem>> -> memref<1x1024xf32, #tpu.memory_space<vmem>>
        %parallel_loop3A_570 = tpu.memref_squeeze %parallel_loop3A_569 : memref<1x1024xf32, #tpu.memory_space<vmem>> -> memref<1024xf32, #tpu.memory_space<vmem>>
        %parallel_loop3A_571 = arith.index_cast %parallel_loop3A_561 : i32 to index
        %parallel_loop3A_572 = tpu.vector_load %parallel_loop3A_570[%parallel_loop3A_571] {strides = array<i32>} : memref<1024xf32, #tpu.memory_space<vmem>>, vector<16xf32>,
        %parallel_loop3A_573 = vector.shape_cast %parallel_loop3A_572 : vector<16xf32> to vector<16xf32>
        %parallel_loop3A_574 = arith.constant 3 : i32
        %parallel_loop3A_575 = arith.constant 0 : i32
        %parallel_loop3A_576 = arith.constant 0 : i32
        %parallel_loop3A_577 = arith.constant 0 : i32
        %parallel_loop3A_578 = arith.constant 0 : i32
        %parallel_loop3A_579 = arith.constant 0 : i32
        %parallel_loop3A_580 = tpu.memref_slice %arg5[%parallel_loop3A_574, %parallel_loop3A_577, %parallel_loop3A_578, %parallel_loop3A_579] : memref<4x4x2x1024xf32, #tpu.memory_space<vmem>> -> memref<1x4x2x1024xf32, #tpu.memory_space<vmem>>
        %parallel_loop3A_581 = tpu.memref_squeeze %parallel_loop3A_580 : memref<1x4x2x1024xf32, #tpu.memory_space<vmem>> -> memref<4x2x1024xf32, #tpu.memory_space<vmem>>
        %parallel_loop3A_582 = arith.constant 0 : i32
        %parallel_loop3A_583 = arith.constant 0 : i32
        %parallel_loop3A_584 = tpu.memref_slice %parallel_loop3A_581[%parallel_loop3A_575, %parallel_loop3A_582, %parallel_loop3A_583] : memref<4x2x1024xf32, #tpu.memory_space<vmem>> -> memref<1x2x1024xf32, #tpu.memory_space<vmem>>
        %parallel_loop3A_585 = tpu.memref_squeeze %parallel_loop3A_584 : memref<1x2x1024xf32, #tpu.memory_space<vmem>> -> memref<2x1024xf32, #tpu.memory_space<vmem>>
        %parallel_loop3A_586 = arith.constant 0 : i32
        %parallel_loop3A_587 = tpu.memref_slice %parallel_loop3A_585[%parallel_loop3A_576, %parallel_loop3A_586] : memref<2x1024xf32, #tpu.memory_space<vmem>> -> memref<1x1024xf32, #tpu.memory_space<vmem>>
        %parallel_loop3A_588 = tpu.memref_squeeze %parallel_loop3A_587 : memref<1x1024xf32, #tpu.memory_space<vmem>> -> memref<1024xf32, #tpu.memory_space<vmem>>
        %parallel_loop3A_589 = arith.index_cast %parallel_loop3A_561 : i32 to index
        %parallel_loop3A_590 = tpu.vector_load %parallel_loop3A_588[%parallel_loop3A_589] {strides = array<i32>} : memref<1024xf32, #tpu.memory_space<vmem>>, vector<16xf32>,
        %parallel_loop3A_591 = vector.shape_cast %parallel_loop3A_590 : vector<16xf32> to vector<16xf32>
        %parallel_loop3A_592 = arith.addf %parallel_loop3A_591, %parallel_loop3A_573 : vector<16xf32>
        %parallel_loop3A_593 = arith.constant 3 : i32
        %parallel_loop3A_594 = arith.constant 0 : i32
        %parallel_loop3A_595 = arith.constant 0 : i32
        %parallel_loop3A_596 = arith.constant 0 : i32
        %parallel_loop3A_597 = arith.constant 0 : i32
        %parallel_loop3A_598 = arith.constant 0 : i32
        %parallel_loop3A_599 = tpu.memref_slice %arg7[%parallel_loop3A_593, %parallel_loop3A_596, %parallel_loop3A_597, %parallel_loop3A_598] : memref<4x4x2x1024xf32, #tpu.memory_space<vmem>> -> memref<1x4x2x1024xf32, #tpu.memory_space<vmem>>
        %parallel_loop3A_600 = tpu.memref_squeeze %parallel_loop3A_599 : memref<1x4x2x1024xf32, #tpu.memory_space<vmem>> -> memref<4x2x1024xf32, #tpu.memory_space<vmem>>
        %parallel_loop3A_601 = arith.constant 0 : i32
        %parallel_loop3A_602 = arith.constant 0 : i32
        %parallel_loop3A_603 = tpu.memref_slice %parallel_loop3A_600[%parallel_loop3A_594, %parallel_loop3A_601, %parallel_loop3A_602] : memref<4x2x1024xf32, #tpu.memory_space<vmem>> -> memref<1x2x1024xf32, #tpu.memory_space<vmem>>
        %parallel_loop3A_604 = tpu.memref_squeeze %parallel_loop3A_603 : memref<1x2x1024xf32, #tpu.memory_space<vmem>> -> memref<2x1024xf32, #tpu.memory_space<vmem>>
        %parallel_loop3A_605 = arith.constant 0 : i32
        %parallel_loop3A_606 = tpu.memref_slice %parallel_loop3A_604[%parallel_loop3A_595, %parallel_loop3A_605] : memref<2x1024xf32, #tpu.memory_space<vmem>> -> memref<1x1024xf32, #tpu.memory_space<vmem>>
        %parallel_loop3A_607 = tpu.memref_squeeze %parallel_loop3A_606 : memref<1x1024xf32, #tpu.memory_space<vmem>> -> memref<1024xf32, #tpu.memory_space<vmem>>
        %parallel_loop3A_608 = arith.index_cast %parallel_loop3A_561 : i32 to index
        %parallel_loop3A_609 = tpu.vector_load %parallel_loop3A_607[%parallel_loop3A_608] {strides = array<i32>} : memref<1024xf32, #tpu.memory_space<vmem>>, vector<16xf32>,
        %parallel_loop3A_610 = vector.shape_cast %parallel_loop3A_609 : vector<16xf32> to vector<16xf32>
        %parallel_loop3A_611 = vector.shape_cast %parallel_loop3A_592 : vector<16xf32> to vector<16xf32>
        tpu.vector_store %parallel_loop3A_607[%parallel_loop3A_608], %parallel_loop3A_611 {strides = array<i32>} : memref<1024xf32, #tpu.memory_space<vmem>>, vector<16xf32>,
        %parallel_loop3A_612 = arith.constant 3 : i32
        %parallel_loop3A_613 = arith.constant 1 : i32
        %parallel_loop3A_614 = arith.constant 0 : i32
        %parallel_loop3A_615 = arith.constant 0 : i32
        %parallel_loop3A_616 = arith.constant 0 : i32
        %parallel_loop3A_617 = arith.constant 0 : i32
        %parallel_loop3A_618 = tpu.memref_slice %arg5[%parallel_loop3A_612, %parallel_loop3A_615, %parallel_loop3A_616, %parallel_loop3A_617] : memref<4x4x2x1024xf32, #tpu.memory_space<vmem>> -> memref<1x4x2x1024xf32, #tpu.memory_space<vmem>>
        %parallel_loop3A_619 = tpu.memref_squeeze %parallel_loop3A_618 : memref<1x4x2x1024xf32, #tpu.memory_space<vmem>> -> memref<4x2x1024xf32, #tpu.memory_space<vmem>>
        %parallel_loop3A_620 = arith.constant 0 : i32
        %parallel_loop3A_621 = arith.constant 0 : i32
        %parallel_loop3A_622 = tpu.memref_slice %parallel_loop3A_619[%parallel_loop3A_613, %parallel_loop3A_620, %parallel_loop3A_621] : memref<4x2x1024xf32, #tpu.memory_space<vmem>> -> memref<1x2x1024xf32, #tpu.memory_space<vmem>>
        %parallel_loop3A_623 = tpu.memref_squeeze %parallel_loop3A_622 : memref<1x2x1024xf32, #tpu.memory_space<vmem>> -> memref<2x1024xf32, #tpu.memory_space<vmem>>
        %parallel_loop3A_624 = arith.constant 0 : i32
        %parallel_loop3A_625 = tpu.memref_slice %parallel_loop3A_623[%parallel_loop3A_614, %parallel_loop3A_624] : memref<2x1024xf32, #tpu.memory_space<vmem>> -> memref<1x1024xf32, #tpu.memory_space<vmem>>
        %parallel_loop3A_626 = tpu.memref_squeeze %parallel_loop3A_625 : memref<1x1024xf32, #tpu.memory_space<vmem>> -> memref<1024xf32, #tpu.memory_space<vmem>>
        %parallel_loop3A_627 = arith.index_cast %parallel_loop3A_561 : i32 to index
        %parallel_loop3A_628 = tpu.vector_load %parallel_loop3A_626[%parallel_loop3A_627] {strides = array<i32>} : memref<1024xf32, #tpu.memory_space<vmem>>, vector<16xf32>,
        %parallel_loop3A_629 = vector.shape_cast %parallel_loop3A_628 : vector<16xf32> to vector<16xf32>
        %parallel_loop3A_630 = arith.addf %parallel_loop3A_629, %parallel_loop3A_573 : vector<16xf32>
        %parallel_loop3A_631 = arith.constant 3 : i32
        %parallel_loop3A_632 = arith.constant 1 : i32
        %parallel_loop3A_633 = arith.constant 0 : i32
        %parallel_loop3A_634 = arith.constant 0 : i32
        %parallel_loop3A_635 = arith.constant 0 : i32
        %parallel_loop3A_636 = arith.constant 0 : i32
        %parallel_loop3A_637 = tpu.memref_slice %arg7[%parallel_loop3A_631, %parallel_loop3A_634, %parallel_loop3A_635, %parallel_loop3A_636] : memref<4x4x2x1024xf32, #tpu.memory_space<vmem>> -> memref<1x4x2x1024xf32, #tpu.memory_space<vmem>>
        %parallel_loop3A_638 = tpu.memref_squeeze %parallel_loop3A_637 : memref<1x4x2x1024xf32, #tpu.memory_space<vmem>> -> memref<4x2x1024xf32, #tpu.memory_space<vmem>>
        %parallel_loop3A_639 = arith.constant 0 : i32
        %parallel_loop3A_640 = arith.constant 0 : i32
        %parallel_loop3A_641 = tpu.memref_slice %parallel_loop3A_638[%parallel_loop3A_632, %parallel_loop3A_639, %parallel_loop3A_640] : memref<4x2x1024xf32, #tpu.memory_space<vmem>> -> memref<1x2x1024xf32, #tpu.memory_space<vmem>>
        %parallel_loop3A_642 = tpu.memref_squeeze %parallel_loop3A_641 : memref<1x2x1024xf32, #tpu.memory_space<vmem>> -> memref<2x1024xf32, #tpu.memory_space<vmem>>
        %parallel_loop3A_643 = arith.constant 0 : i32
        %parallel_loop3A_644 = tpu.memref_slice %parallel_loop3A_642[%parallel_loop3A_633, %parallel_loop3A_643] : memref<2x1024xf32, #tpu.memory_space<vmem>> -> memref<1x1024xf32, #tpu.memory_space<vmem>>
        %parallel_loop3A_645 = tpu.memref_squeeze %parallel_loop3A_644 : memref<1x1024xf32, #tpu.memory_space<vmem>> -> memref<1024xf32, #tpu.memory_space<vmem>>
        %parallel_loop3A_646 = arith.index_cast %parallel_loop3A_561 : i32 to index
        %parallel_loop3A_647 = tpu.vector_load %parallel_loop3A_645[%parallel_loop3A_646] {strides = array<i32>} : memref<1024xf32, #tpu.memory_space<vmem>>, vector<16xf32>,
        %parallel_loop3A_648 = vector.shape_cast %parallel_loop3A_647 : vector<16xf32> to vector<16xf32>
        %parallel_loop3A_649 = vector.shape_cast %parallel_loop3A_630 : vector<16xf32> to vector<16xf32>
        tpu.vector_store %parallel_loop3A_645[%parallel_loop3A_646], %parallel_loop3A_649 {strides = array<i32>} : memref<1024xf32, #tpu.memory_space<vmem>>, vector<16xf32>,
        %parallel_loop3A_650 = arith.constant 3 : i32
        %parallel_loop3A_651 = arith.constant 2 : i32
        %parallel_loop3A_652 = arith.constant 0 : i32
        %parallel_loop3A_653 = arith.constant 0 : i32
        %parallel_loop3A_654 = arith.constant 0 : i32
        %parallel_loop3A_655 = arith.constant 0 : i32
        %parallel_loop3A_656 = tpu.memref_slice %arg5[%parallel_loop3A_650, %parallel_loop3A_653, %parallel_loop3A_654, %parallel_loop3A_655] : memref<4x4x2x1024xf32, #tpu.memory_space<vmem>> -> memref<1x4x2x1024xf32, #tpu.memory_space<vmem>>
        %parallel_loop3A_657 = tpu.memref_squeeze %parallel_loop3A_656 : memref<1x4x2x1024xf32, #tpu.memory_space<vmem>> -> memref<4x2x1024xf32, #tpu.memory_space<vmem>>
        %parallel_loop3A_658 = arith.constant 0 : i32
        %parallel_loop3A_659 = arith.constant 0 : i32
        %parallel_loop3A_660 = tpu.memref_slice %parallel_loop3A_657[%parallel_loop3A_651, %parallel_loop3A_658, %parallel_loop3A_659] : memref<4x2x1024xf32, #tpu.memory_space<vmem>> -> memref<1x2x1024xf32, #tpu.memory_space<vmem>>
        %parallel_loop3A_661 = tpu.memref_squeeze %parallel_loop3A_660 : memref<1x2x1024xf32, #tpu.memory_space<vmem>> -> memref<2x1024xf32, #tpu.memory_space<vmem>>
        %parallel_loop3A_662 = arith.constant 0 : i32
        %parallel_loop3A_663 = tpu.memref_slice %parallel_loop3A_661[%parallel_loop3A_652, %parallel_loop3A_662] : memref<2x1024xf32, #tpu.memory_space<vmem>> -> memref<1x1024xf32, #tpu.memory_space<vmem>>
        %parallel_loop3A_664 = tpu.memref_squeeze %parallel_loop3A_663 : memref<1x1024xf32, #tpu.memory_space<vmem>> -> memref<1024xf32, #tpu.memory_space<vmem>>
        %parallel_loop3A_665 = arith.index_cast %parallel_loop3A_561 : i32 to index
        %parallel_loop3A_666 = tpu.vector_load %parallel_loop3A_664[%parallel_loop3A_665] {strides = array<i32>} : memref<1024xf32, #tpu.memory_space<vmem>>, vector<16xf32>,
        %parallel_loop3A_667 = vector.shape_cast %parallel_loop3A_666 : vector<16xf32> to vector<16xf32>
        %parallel_loop3A_668 = arith.addf %parallel_loop3A_667, %parallel_loop3A_573 : vector<16xf32>
        %parallel_loop3A_669 = arith.constant 3 : i32
        %parallel_loop3A_670 = arith.constant 2 : i32
        %parallel_loop3A_671 = arith.constant 0 : i32
        %parallel_loop3A_672 = arith.constant 0 : i32
        %parallel_loop3A_673 = arith.constant 0 : i32
        %parallel_loop3A_674 = arith.constant 0 : i32
        %parallel_loop3A_675 = tpu.memref_slice %arg7[%parallel_loop3A_669, %parallel_loop3A_672, %parallel_loop3A_673, %parallel_loop3A_674] : memref<4x4x2x1024xf32, #tpu.memory_space<vmem>> -> memref<1x4x2x1024xf32, #tpu.memory_space<vmem>>
        %parallel_loop3A_676 = tpu.memref_squeeze %parallel_loop3A_675 : memref<1x4x2x1024xf32, #tpu.memory_space<vmem>> -> memref<4x2x1024xf32, #tpu.memory_space<vmem>>
        %parallel_loop3A_677 = arith.constant 0 : i32
        %parallel_loop3A_678 = arith.constant 0 : i32
        %parallel_loop3A_679 = tpu.memref_slice %parallel_loop3A_676[%parallel_loop3A_670, %parallel_loop3A_677, %parallel_loop3A_678] : memref<4x2x1024xf32, #tpu.memory_space<vmem>> -> memref<1x2x1024xf32, #tpu.memory_space<vmem>>
        %parallel_loop3A_680 = tpu.memref_squeeze %parallel_loop3A_679 : memref<1x2x1024xf32, #tpu.memory_space<vmem>> -> memref<2x1024xf32, #tpu.memory_space<vmem>>
        %parallel_loop3A_681 = arith.constant 0 : i32
        %parallel_loop3A_682 = tpu.memref_slice %parallel_loop3A_680[%parallel_loop3A_671, %parallel_loop3A_681] : memref<2x1024xf32, #tpu.memory_space<vmem>> -> memref<1x1024xf32, #tpu.memory_space<vmem>>
        %parallel_loop3A_683 = tpu.memref_squeeze %parallel_loop3A_682 : memref<1x1024xf32, #tpu.memory_space<vmem>> -> memref<1024xf32, #tpu.memory_space<vmem>>
        %parallel_loop3A_684 = arith.index_cast %parallel_loop3A_561 : i32 to index
        %parallel_loop3A_685 = tpu.vector_load %parallel_loop3A_683[%parallel_loop3A_684] {strides = array<i32>} : memref<1024xf32, #tpu.memory_space<vmem>>, vector<16xf32>,
        %parallel_loop3A_686 = vector.shape_cast %parallel_loop3A_685 : vector<16xf32> to vector<16xf32>
        %parallel_loop3A_687 = vector.shape_cast %parallel_loop3A_668 : vector<16xf32> to vector<16xf32>
        tpu.vector_store %parallel_loop3A_683[%parallel_loop3A_684], %parallel_loop3A_687 {strides = array<i32>} : memref<1024xf32, #tpu.memory_space<vmem>>, vector<16xf32>,
        %parallel_loop3A_688 = arith.constant 3 : i32
        %parallel_loop3A_689 = arith.constant 3 : i32
        %parallel_loop3A_690 = arith.constant 0 : i32
        %parallel_loop3A_691 = arith.constant 0 : i32
        %parallel_loop3A_692 = arith.constant 0 : i32
        %parallel_loop3A_693 = arith.constant 0 : i32
        %parallel_loop3A_694 = tpu.memref_slice %arg5[%parallel_loop3A_688, %parallel_loop3A_691, %parallel_loop3A_692, %parallel_loop3A_693] : memref<4x4x2x1024xf32, #tpu.memory_space<vmem>> -> memref<1x4x2x1024xf32, #tpu.memory_space<vmem>>
        %parallel_loop3A_695 = tpu.memref_squeeze %parallel_loop3A_694 : memref<1x4x2x1024xf32, #tpu.memory_space<vmem>> -> memref<4x2x1024xf32, #tpu.memory_space<vmem>>
        %parallel_loop3A_696 = arith.constant 0 : i32
        %parallel_loop3A_697 = arith.constant 0 : i32
        %parallel_loop3A_698 = tpu.memref_slice %parallel_loop3A_695[%parallel_loop3A_689, %parallel_loop3A_696, %parallel_loop3A_697] : memref<4x2x1024xf32, #tpu.memory_space<vmem>> -> memref<1x2x1024xf32, #tpu.memory_space<vmem>>
        %parallel_loop3A_699 = tpu.memref_squeeze %parallel_loop3A_698 : memref<1x2x1024xf32, #tpu.memory_space<vmem>> -> memref<2x1024xf32, #tpu.memory_space<vmem>>
        %parallel_loop3A_700 = arith.constant 0 : i32
        %parallel_loop3A_701 = tpu.memref_slice %parallel_loop3A_699[%parallel_loop3A_690, %parallel_loop3A_700] : memref<2x1024xf32, #tpu.memory_space<vmem>> -> memref<1x1024xf32, #tpu.memory_space<vmem>>
        %parallel_loop3A_702 = tpu.memref_squeeze %parallel_loop3A_701 : memref<1x1024xf32, #tpu.memory_space<vmem>> -> memref<1024xf32, #tpu.memory_space<vmem>>
        %parallel_loop3A_703 = arith.index_cast %parallel_loop3A_561 : i32 to index
        %parallel_loop3A_704 = tpu.vector_load %parallel_loop3A_702[%parallel_loop3A_703] {strides = array<i32>} : memref<1024xf32, #tpu.memory_space<vmem>>, vector<16xf32>,
        %parallel_loop3A_705 = vector.shape_cast %parallel_loop3A_704 : vector<16xf32> to vector<16xf32>
        %parallel_loop3A_706 = arith.addf %parallel_loop3A_705, %parallel_loop3A_573 : vector<16xf32>
        %parallel_loop3A_707 = arith.constant 3 : i32
        %parallel_loop3A_708 = arith.constant 3 : i32
        %parallel_loop3A_709 = arith.constant 0 : i32
        %parallel_loop3A_710 = arith.constant 0 : i32
        %parallel_loop3A_711 = arith.constant 0 : i32
        %parallel_loop3A_712 = arith.constant 0 : i32
        %parallel_loop3A_713 = tpu.memref_slice %arg7[%parallel_loop3A_707, %parallel_loop3A_710, %parallel_loop3A_711, %parallel_loop3A_712] : memref<4x4x2x1024xf32, #tpu.memory_space<vmem>> -> memref<1x4x2x1024xf32, #tpu.memory_space<vmem>>
        %parallel_loop3A_714 = tpu.memref_squeeze %parallel_loop3A_713 : memref<1x4x2x1024xf32, #tpu.memory_space<vmem>> -> memref<4x2x1024xf32, #tpu.memory_space<vmem>>
        %parallel_loop3A_715 = arith.constant 0 : i32
        %parallel_loop3A_716 = arith.constant 0 : i32
        %parallel_loop3A_717 = tpu.memref_slice %parallel_loop3A_714[%parallel_loop3A_708, %parallel_loop3A_715, %parallel_loop3A_716] : memref<4x2x1024xf32, #tpu.memory_space<vmem>> -> memref<1x2x1024xf32, #tpu.memory_space<vmem>>
        %parallel_loop3A_718 = tpu.memref_squeeze %parallel_loop3A_717 : memref<1x2x1024xf32, #tpu.memory_space<vmem>> -> memref<2x1024xf32, #tpu.memory_space<vmem>>
        %parallel_loop3A_719 = arith.constant 0 : i32
        %parallel_loop3A_720 = tpu.memref_slice %parallel_loop3A_718[%parallel_loop3A_709, %parallel_loop3A_719] : memref<2x1024xf32, #tpu.memory_space<vmem>> -> memref<1x1024xf32, #tpu.memory_space<vmem>>
        %parallel_loop3A_721 = tpu.memref_squeeze %parallel_loop3A_720 : memref<1x1024xf32, #tpu.memory_space<vmem>> -> memref<1024xf32, #tpu.memory_space<vmem>>
        %parallel_loop3A_722 = arith.index_cast %parallel_loop3A_561 : i32 to index
        %parallel_loop3A_723 = tpu.vector_load %parallel_loop3A_721[%parallel_loop3A_722] {strides = array<i32>} : memref<1024xf32, #tpu.memory_space<vmem>>, vector<16xf32>,
        %parallel_loop3A_724 = vector.shape_cast %parallel_loop3A_723 : vector<16xf32> to vector<16xf32>
        %parallel_loop3A_725 = vector.shape_cast %parallel_loop3A_706 : vector<16xf32> to vector<16xf32>
        tpu.vector_store %parallel_loop3A_721[%parallel_loop3A_722], %parallel_loop3A_725 {strides = array<i32>} : memref<1024xf32, #tpu.memory_space<vmem>>, vector<16xf32>,
      } {sc.loop_unroll_factor = 4 : i64, sc.parallel_access}
      %parallel_loop3A_533 = arith.constant 0 : i32
      %parallel_loop3A_534 = arith.constant 1024 : i32
      %parallel_loop3A_535 = arith.constant 16 : i32
      scf.for %parallel_loop3A_561 = %parallel_loop3A_533 to %parallel_loop3A_534 step %parallel_loop3A_535  : i32 {
        %parallel_loop3A_562 = arith.constant 3 : i32
        %parallel_loop3A_563 = arith.constant 1 : i32
        %parallel_loop3A_564 = arith.constant 0 : i32
        %parallel_loop3A_565 = arith.constant 0 : i32
        %parallel_loop3A_566 = tpu.memref_slice %arg6[%parallel_loop3A_562, %parallel_loop3A_564, %parallel_loop3A_565] : memref<4x2x1024xf32, #tpu.memory_space<vmem>> -> memref<1x2x1024xf32, #tpu.memory_space<vmem>>
        %parallel_loop3A_567 = tpu.memref_squeeze %parallel_loop3A_566 : memref<1x2x1024xf32, #tpu.memory_space<vmem>> -> memref<2x1024xf32, #tpu.memory_space<vmem>>
        %parallel_loop3A_568 = arith.constant 0 : i32
        %parallel_loop3A_569 = tpu.memref_slice %parallel_loop3A_567[%parallel_loop3A_563, %parallel_loop3A_568] : memref<2x1024xf32, #tpu.memory_space<vmem>> -> memref<1x1024xf32, #tpu.memory_space<vmem>>
        %parallel_loop3A_570 = tpu.memref_squeeze %parallel_loop3A_569 : memref<1x1024xf32, #tpu.memory_space<vmem>> -> memref<1024xf32, #tpu.memory_space<vmem>>
        %parallel_loop3A_571 = arith.index_cast %parallel_loop3A_561 : i32 to index
        %parallel_loop3A_572 = tpu.vector_load %parallel_loop3A_570[%parallel_loop3A_571] {strides = array<i32>} : memref<1024xf32, #tpu.memory_space<vmem>>, vector<16xf32>,
        %parallel_loop3A_573 = vector.shape_cast %parallel_loop3A_572 : vector<16xf32> to vector<16xf32>
        %parallel_loop3A_574 = arith.constant 3 : i32
        %parallel_loop3A_575 = arith.constant 0 : i32
        %parallel_loop3A_576 = arith.constant 1 : i32
        %parallel_loop3A_577 = arith.constant 0 : i32
        %parallel_loop3A_578 = arith.constant 0 : i32
        %parallel_loop3A_579 = arith.constant 0 : i32
        %parallel_loop3A_580 = tpu.memref_slice %arg5[%parallel_loop3A_574, %parallel_loop3A_577, %parallel_loop3A_578, %parallel_loop3A_579] : memref<4x4x2x1024xf32, #tpu.memory_space<vmem>> -> memref<1x4x2x1024xf32, #tpu.memory_space<vmem>>
        %parallel_loop3A_581 = tpu.memref_squeeze %parallel_loop3A_580 : memref<1x4x2x1024xf32, #tpu.memory_space<vmem>> -> memref<4x2x1024xf32, #tpu.memory_space<vmem>>
        %parallel_loop3A_582 = arith.constant 0 : i32
        %parallel_loop3A_583 = arith.constant 0 : i32
        %parallel_loop3A_584 = tpu.memref_slice %parallel_loop3A_581[%parallel_loop3A_575, %parallel_loop3A_582, %parallel_loop3A_583] : memref<4x2x1024xf32, #tpu.memory_space<vmem>> -> memref<1x2x1024xf32, #tpu.memory_space<vmem>>
        %parallel_loop3A_585 = tpu.memref_squeeze %parallel_loop3A_584 : memref<1x2x1024xf32, #tpu.memory_space<vmem>> -> memref<2x1024xf32, #tpu.memory_space<vmem>>
        %parallel_loop3A_586 = arith.constant 0 : i32
        %parallel_loop3A_587 = tpu.memref_slice %parallel_loop3A_585[%parallel_loop3A_576, %parallel_loop3A_586] : memref<2x1024xf32, #tpu.memory_space<vmem>> -> memref<1x1024xf32, #tpu.memory_space<vmem>>
        %parallel_loop3A_588 = tpu.memref_squeeze %parallel_loop3A_587 : memref<1x1024xf32, #tpu.memory_space<vmem>> -> memref<1024xf32, #tpu.memory_space<vmem>>
        %parallel_loop3A_589 = arith.index_cast %parallel_loop3A_561 : i32 to index
        %parallel_loop3A_590 = tpu.vector_load %parallel_loop3A_588[%parallel_loop3A_589] {strides = array<i32>} : memref<1024xf32, #tpu.memory_space<vmem>>, vector<16xf32>,
        %parallel_loop3A_591 = vector.shape_cast %parallel_loop3A_590 : vector<16xf32> to vector<16xf32>
        %parallel_loop3A_592 = arith.addf %parallel_loop3A_591, %parallel_loop3A_573 : vector<16xf32>
        %parallel_loop3A_593 = arith.constant 3 : i32
        %parallel_loop3A_594 = arith.constant 0 : i32
        %parallel_loop3A_595 = arith.constant 1 : i32
        %parallel_loop3A_596 = arith.constant 0 : i32
        %parallel_loop3A_597 = arith.constant 0 : i32
        %parallel_loop3A_598 = arith.constant 0 : i32
        %parallel_loop3A_599 = tpu.memref_slice %arg7[%parallel_loop3A_593, %parallel_loop3A_596, %parallel_loop3A_597, %parallel_loop3A_598] : memref<4x4x2x1024xf32, #tpu.memory_space<vmem>> -> memref<1x4x2x1024xf32, #tpu.memory_space<vmem>>
        %parallel_loop3A_600 = tpu.memref_squeeze %parallel_loop3A_599 : memref<1x4x2x1024xf32, #tpu.memory_space<vmem>> -> memref<4x2x1024xf32, #tpu.memory_space<vmem>>
        %parallel_loop3A_601 = arith.constant 0 : i32
        %parallel_loop3A_602 = arith.constant 0 : i32
        %parallel_loop3A_603 = tpu.memref_slice %parallel_loop3A_600[%parallel_loop3A_594, %parallel_loop3A_601, %parallel_loop3A_602] : memref<4x2x1024xf32, #tpu.memory_space<vmem>> -> memref<1x2x1024xf32, #tpu.memory_space<vmem>>
        %parallel_loop3A_604 = tpu.memref_squeeze %parallel_loop3A_603 : memref<1x2x1024xf32, #tpu.memory_space<vmem>> -> memref<2x1024xf32, #tpu.memory_space<vmem>>
        %parallel_loop3A_605 = arith.constant 0 : i32
        %parallel_loop3A_606 = tpu.memref_slice %parallel_loop3A_604[%parallel_loop3A_595, %parallel_loop3A_605] : memref<2x1024xf32, #tpu.memory_space<vmem>> -> memref<1x1024xf32, #tpu.memory_space<vmem>>
        %parallel_loop3A_607 = tpu.memref_squeeze %parallel_loop3A_606 : memref<1x1024xf32, #tpu.memory_space<vmem>> -> memref<1024xf32, #tpu.memory_space<vmem>>
        %parallel_loop3A_608 = arith.index_cast %parallel_loop3A_561 : i32 to index
        %parallel_loop3A_609 = tpu.vector_load %parallel_loop3A_607[%parallel_loop3A_608] {strides = array<i32>} : memref<1024xf32, #tpu.memory_space<vmem>>, vector<16xf32>,
        %parallel_loop3A_610 = vector.shape_cast %parallel_loop3A_609 : vector<16xf32> to vector<16xf32>
        %parallel_loop3A_611 = vector.shape_cast %parallel_loop3A_592 : vector<16xf32> to vector<16xf32>
        tpu.vector_store %parallel_loop3A_607[%parallel_loop3A_608], %parallel_loop3A_611 {strides = array<i32>} : memref<1024xf32, #tpu.memory_space<vmem>>, vector<16xf32>,
        %parallel_loop3A_612 = arith.constant 3 : i32
        %parallel_loop3A_613 = arith.constant 1 : i32
        %parallel_loop3A_614 = arith.constant 1 : i32
        %parallel_loop3A_615 = arith.constant 0 : i32
        %parallel_loop3A_616 = arith.constant 0 : i32
        %parallel_loop3A_617 = arith.constant 0 : i32
        %parallel_loop3A_618 = tpu.memref_slice %arg5[%parallel_loop3A_612, %parallel_loop3A_615, %parallel_loop3A_616, %parallel_loop3A_617] : memref<4x4x2x1024xf32, #tpu.memory_space<vmem>> -> memref<1x4x2x1024xf32, #tpu.memory_space<vmem>>
        %parallel_loop3A_619 = tpu.memref_squeeze %parallel_loop3A_618 : memref<1x4x2x1024xf32, #tpu.memory_space<vmem>> -> memref<4x2x1024xf32, #tpu.memory_space<vmem>>
        %parallel_loop3A_620 = arith.constant 0 : i32
        %parallel_loop3A_621 = arith.constant 0 : i32
        %parallel_loop3A_622 = tpu.memref_slice %parallel_loop3A_619[%parallel_loop3A_613, %parallel_loop3A_620, %parallel_loop3A_621] : memref<4x2x1024xf32, #tpu.memory_space<vmem>> -> memref<1x2x1024xf32, #tpu.memory_space<vmem>>
        %parallel_loop3A_623 = tpu.memref_squeeze %parallel_loop3A_622 : memref<1x2x1024xf32, #tpu.memory_space<vmem>> -> memref<2x1024xf32, #tpu.memory_space<vmem>>
        %parallel_loop3A_624 = arith.constant 0 : i32
        %parallel_loop3A_625 = tpu.memref_slice %parallel_loop3A_623[%parallel_loop3A_614, %parallel_loop3A_624] : memref<2x1024xf32, #tpu.memory_space<vmem>> -> memref<1x1024xf32, #tpu.memory_space<vmem>>
        %parallel_loop3A_626 = tpu.memref_squeeze %parallel_loop3A_625 : memref<1x1024xf32, #tpu.memory_space<vmem>> -> memref<1024xf32, #tpu.memory_space<vmem>>
        %parallel_loop3A_627 = arith.index_cast %parallel_loop3A_561 : i32 to index
        %parallel_loop3A_628 = tpu.vector_load %parallel_loop3A_626[%parallel_loop3A_627] {strides = array<i32>} : memref<1024xf32, #tpu.memory_space<vmem>>, vector<16xf32>,
        %parallel_loop3A_629 = vector.shape_cast %parallel_loop3A_628 : vector<16xf32> to vector<16xf32>
        %parallel_loop3A_630 = arith.addf %parallel_loop3A_629, %parallel_loop3A_573 : vector<16xf32>
        %parallel_loop3A_631 = arith.constant 3 : i32
        %parallel_loop3A_632 = arith.constant 1 : i32
        %parallel_loop3A_633 = arith.constant 1 : i32
        %parallel_loop3A_634 = arith.constant 0 : i32
        %parallel_loop3A_635 = arith.constant 0 : i32
        %parallel_loop3A_636 = arith.constant 0 : i32
        %parallel_loop3A_637 = tpu.memref_slice %arg7[%parallel_loop3A_631, %parallel_loop3A_634, %parallel_loop3A_635, %parallel_loop3A_636] : memref<4x4x2x1024xf32, #tpu.memory_space<vmem>> -> memref<1x4x2x1024xf32, #tpu.memory_space<vmem>>
        %parallel_loop3A_638 = tpu.memref_squeeze %parallel_loop3A_637 : memref<1x4x2x1024xf32, #tpu.memory_space<vmem>> -> memref<4x2x1024xf32, #tpu.memory_space<vmem>>
        %parallel_loop3A_639 = arith.constant 0 : i32
        %parallel_loop3A_640 = arith.constant 0 : i32
        %parallel_loop3A_641 = tpu.memref_slice %parallel_loop3A_638[%parallel_loop3A_632, %parallel_loop3A_639, %parallel_loop3A_640] : memref<4x2x1024xf32, #tpu.memory_space<vmem>> -> memref<1x2x1024xf32, #tpu.memory_space<vmem>>
        %parallel_loop3A_642 = tpu.memref_squeeze %parallel_loop3A_641 : memref<1x2x1024xf32, #tpu.memory_space<vmem>> -> memref<2x1024xf32, #tpu.memory_space<vmem>>
        %parallel_loop3A_643 = arith.constant 0 : i32
        %parallel_loop3A_644 = tpu.memref_slice %parallel_loop3A_642[%parallel_loop3A_633, %parallel_loop3A_643] : memref<2x1024xf32, #tpu.memory_space<vmem>> -> memref<1x1024xf32, #tpu.memory_space<vmem>>
        %parallel_loop3A_645 = tpu.memref_squeeze %parallel_loop3A_644 : memref<1x1024xf32, #tpu.memory_space<vmem>> -> memref<1024xf32, #tpu.memory_space<vmem>>
        %parallel_loop3A_646 = arith.index_cast %parallel_loop3A_561 : i32 to index
        %parallel_loop3A_647 = tpu.vector_load %parallel_loop3A_645[%parallel_loop3A_646] {strides = array<i32>} : memref<1024xf32, #tpu.memory_space<vmem>>, vector<16xf32>,
        %parallel_loop3A_648 = vector.shape_cast %parallel_loop3A_647 : vector<16xf32> to vector<16xf32>
        %parallel_loop3A_649 = vector.shape_cast %parallel_loop3A_630 : vector<16xf32> to vector<16xf32>
        tpu.vector_store %parallel_loop3A_645[%parallel_loop3A_646], %parallel_loop3A_649 {strides = array<i32>} : memref<1024xf32, #tpu.memory_space<vmem>>, vector<16xf32>,
        %parallel_loop3A_650 = arith.constant 3 : i32
        %parallel_loop3A_651 = arith.constant 2 : i32
        %parallel_loop3A_652 = arith.constant 1 : i32
        %parallel_loop3A_653 = arith.constant 0 : i32
        %parallel_loop3A_654 = arith.constant 0 : i32
        %parallel_loop3A_655 = arith.constant 0 : i32
        %parallel_loop3A_656 = tpu.memref_slice %arg5[%parallel_loop3A_650, %parallel_loop3A_653, %parallel_loop3A_654, %parallel_loop3A_655] : memref<4x4x2x1024xf32, #tpu.memory_space<vmem>> -> memref<1x4x2x1024xf32, #tpu.memory_space<vmem>>
        %parallel_loop3A_657 = tpu.memref_squeeze %parallel_loop3A_656 : memref<1x4x2x1024xf32, #tpu.memory_space<vmem>> -> memref<4x2x1024xf32, #tpu.memory_space<vmem>>
        %parallel_loop3A_658 = arith.constant 0 : i32
        %parallel_loop3A_659 = arith.constant 0 : i32
        %parallel_loop3A_660 = tpu.memref_slice %parallel_loop3A_657[%parallel_loop3A_651, %parallel_loop3A_658, %parallel_loop3A_659] : memref<4x2x1024xf32, #tpu.memory_space<vmem>> -> memref<1x2x1024xf32, #tpu.memory_space<vmem>>
        %parallel_loop3A_661 = tpu.memref_squeeze %parallel_loop3A_660 : memref<1x2x1024xf32, #tpu.memory_space<vmem>> -> memref<2x1024xf32, #tpu.memory_space<vmem>>
        %parallel_loop3A_662 = arith.constant 0 : i32
        %parallel_loop3A_663 = tpu.memref_slice %parallel_loop3A_661[%parallel_loop3A_652, %parallel_loop3A_662] : memref<2x1024xf32, #tpu.memory_space<vmem>> -> memref<1x1024xf32, #tpu.memory_space<vmem>>
        %parallel_loop3A_664 = tpu.memref_squeeze %parallel_loop3A_663 : memref<1x1024xf32, #tpu.memory_space<vmem>> -> memref<1024xf32, #tpu.memory_space<vmem>>
        %parallel_loop3A_665 = arith.index_cast %parallel_loop3A_561 : i32 to index
        %parallel_loop3A_666 = tpu.vector_load %parallel_loop3A_664[%parallel_loop3A_665] {strides = array<i32>} : memref<1024xf32, #tpu.memory_space<vmem>>, vector<16xf32>,
        %parallel_loop3A_667 = vector.shape_cast %parallel_loop3A_666 : vector<16xf32> to vector<16xf32>
        %parallel_loop3A_668 = arith.addf %parallel_loop3A_667, %parallel_loop3A_573 : vector<16xf32>
        %parallel_loop3A_669 = arith.constant 3 : i32
        %parallel_loop3A_670 = arith.constant 2 : i32
        %parallel_loop3A_671 = arith.constant 1 : i32
        %parallel_loop3A_672 = arith.constant 0 : i32
        %parallel_loop3A_673 = arith.constant 0 : i32
        %parallel_loop3A_674 = arith.constant 0 : i32
        %parallel_loop3A_675 = tpu.memref_slice %arg7[%parallel_loop3A_669, %parallel_loop3A_672, %parallel_loop3A_673, %parallel_loop3A_674] : memref<4x4x2x1024xf32, #tpu.memory_space<vmem>> -> memref<1x4x2x1024xf32, #tpu.memory_space<vmem>>
        %parallel_loop3A_676 = tpu.memref_squeeze %parallel_loop3A_675 : memref<1x4x2x1024xf32, #tpu.memory_space<vmem>> -> memref<4x2x1024xf32, #tpu.memory_space<vmem>>
        %parallel_loop3A_677 = arith.constant 0 : i32
        %parallel_loop3A_678 = arith.constant 0 : i32
        %parallel_loop3A_679 = tpu.memref_slice %parallel_loop3A_676[%parallel_loop3A_670, %parallel_loop3A_677, %parallel_loop3A_678] : memref<4x2x1024xf32, #tpu.memory_space<vmem>> -> memref<1x2x1024xf32, #tpu.memory_space<vmem>>
        %parallel_loop3A_680 = tpu.memref_squeeze %parallel_loop3A_679 : memref<1x2x1024xf32, #tpu.memory_space<vmem>> -> memref<2x1024xf32, #tpu.memory_space<vmem>>
        %parallel_loop3A_681 = arith.constant 0 : i32
        %parallel_loop3A_682 = tpu.memref_slice %parallel_loop3A_680[%parallel_loop3A_671, %parallel_loop3A_681] : memref<2x1024xf32, #tpu.memory_space<vmem>> -> memref<1x1024xf32, #tpu.memory_space<vmem>>
        %parallel_loop3A_683 = tpu.memref_squeeze %parallel_loop3A_682 : memref<1x1024xf32, #tpu.memory_space<vmem>> -> memref<1024xf32, #tpu.memory_space<vmem>>
        %parallel_loop3A_684 = arith.index_cast %parallel_loop3A_561 : i32 to index
        %parallel_loop3A_685 = tpu.vector_load %parallel_loop3A_683[%parallel_loop3A_684] {strides = array<i32>} : memref<1024xf32, #tpu.memory_space<vmem>>, vector<16xf32>,
        %parallel_loop3A_686 = vector.shape_cast %parallel_loop3A_685 : vector<16xf32> to vector<16xf32>
        %parallel_loop3A_687 = vector.shape_cast %parallel_loop3A_668 : vector<16xf32> to vector<16xf32>
        tpu.vector_store %parallel_loop3A_683[%parallel_loop3A_684], %parallel_loop3A_687 {strides = array<i32>} : memref<1024xf32, #tpu.memory_space<vmem>>, vector<16xf32>,
        %parallel_loop3A_688 = arith.constant 3 : i32
        %parallel_loop3A_689 = arith.constant 3 : i32
        %parallel_loop3A_690 = arith.constant 1 : i32
        %parallel_loop3A_691 = arith.constant 0 : i32
        %parallel_loop3A_692 = arith.constant 0 : i32
        %parallel_loop3A_693 = arith.constant 0 : i32
        %parallel_loop3A_694 = tpu.memref_slice %arg5[%parallel_loop3A_688, %parallel_loop3A_691, %parallel_loop3A_692, %parallel_loop3A_693] : memref<4x4x2x1024xf32, #tpu.memory_space<vmem>> -> memref<1x4x2x1024xf32, #tpu.memory_space<vmem>>
        %parallel_loop3A_695 = tpu.memref_squeeze %parallel_loop3A_694 : memref<1x4x2x1024xf32, #tpu.memory_space<vmem>> -> memref<4x2x1024xf32, #tpu.memory_space<vmem>>
        %parallel_loop3A_696 = arith.constant 0 : i32
        %parallel_loop3A_697 = arith.constant 0 : i32
        %parallel_loop3A_698 = tpu.memref_slice %parallel_loop3A_695[%parallel_loop3A_689, %parallel_loop3A_696, %parallel_loop3A_697] : memref<4x2x1024xf32, #tpu.memory_space<vmem>> -> memref<1x2x1024xf32, #tpu.memory_space<vmem>>
        %parallel_loop3A_699 = tpu.memref_squeeze %parallel_loop3A_698 : memref<1x2x1024xf32, #tpu.memory_space<vmem>> -> memref<2x1024xf32, #tpu.memory_space<vmem>>
        %parallel_loop3A_700 = arith.constant 0 : i32
        %parallel_loop3A_701 = tpu.memref_slice %parallel_loop3A_699[%parallel_loop3A_690, %parallel_loop3A_700] : memref<2x1024xf32, #tpu.memory_space<vmem>> -> memref<1x1024xf32, #tpu.memory_space<vmem>>
        %parallel_loop3A_702 = tpu.memref_squeeze %parallel_loop3A_701 : memref<1x1024xf32, #tpu.memory_space<vmem>> -> memref<1024xf32, #tpu.memory_space<vmem>>
        %parallel_loop3A_703 = arith.index_cast %parallel_loop3A_561 : i32 to index
        %parallel_loop3A_704 = tpu.vector_load %parallel_loop3A_702[%parallel_loop3A_703] {strides = array<i32>} : memref<1024xf32, #tpu.memory_space<vmem>>, vector<16xf32>,
        %parallel_loop3A_705 = vector.shape_cast %parallel_loop3A_704 : vector<16xf32> to vector<16xf32>
        %parallel_loop3A_706 = arith.addf %parallel_loop3A_705, %parallel_loop3A_573 : vector<16xf32>
        %parallel_loop3A_707 = arith.constant 3 : i32
        %parallel_loop3A_708 = arith.constant 3 : i32
        %parallel_loop3A_709 = arith.constant 1 : i32
        %parallel_loop3A_710 = arith.constant 0 : i32
        %parallel_loop3A_711 = arith.constant 0 : i32
        %parallel_loop3A_712 = arith.constant 0 : i32
        %parallel_loop3A_713 = tpu.memref_slice %arg7[%parallel_loop3A_707, %parallel_loop3A_710, %parallel_loop3A_711, %parallel_loop3A_712] : memref<4x4x2x1024xf32, #tpu.memory_space<vmem>> -> memref<1x4x2x1024xf32, #tpu.memory_space<vmem>>
        %parallel_loop3A_714 = tpu.memref_squeeze %parallel_loop3A_713 : memref<1x4x2x1024xf32, #tpu.memory_space<vmem>> -> memref<4x2x1024xf32, #tpu.memory_space<vmem>>
        %parallel_loop3A_715 = arith.constant 0 : i32
        %parallel_loop3A_716 = arith.constant 0 : i32
        %parallel_loop3A_717 = tpu.memref_slice %parallel_loop3A_714[%parallel_loop3A_708, %parallel_loop3A_715, %parallel_loop3A_716] : memref<4x2x1024xf32, #tpu.memory_space<vmem>> -> memref<1x2x1024xf32, #tpu.memory_space<vmem>>
        %parallel_loop3A_718 = tpu.memref_squeeze %parallel_loop3A_717 : memref<1x2x1024xf32, #tpu.memory_space<vmem>> -> memref<2x1024xf32, #tpu.memory_space<vmem>>
        %parallel_loop3A_719 = arith.constant 0 : i32
        %parallel_loop3A_720 = tpu.memref_slice %parallel_loop3A_718[%parallel_loop3A_709, %parallel_loop3A_719] : memref<2x1024xf32, #tpu.memory_space<vmem>> -> memref<1x1024xf32, #tpu.memory_space<vmem>>
        %parallel_loop3A_721 = tpu.memref_squeeze %parallel_loop3A_720 : memref<1x1024xf32, #tpu.memory_space<vmem>> -> memref<1024xf32, #tpu.memory_space<vmem>>
        %parallel_loop3A_722 = arith.index_cast %parallel_loop3A_561 : i32 to index
        %parallel_loop3A_723 = tpu.vector_load %parallel_loop3A_721[%parallel_loop3A_722] {strides = array<i32>} : memref<1024xf32, #tpu.memory_space<vmem>>, vector<16xf32>,
        %parallel_loop3A_724 = vector.shape_cast %parallel_loop3A_723 : vector<16xf32> to vector<16xf32>
        %parallel_loop3A_725 = vector.shape_cast %parallel_loop3A_706 : vector<16xf32> to vector<16xf32>
        tpu.vector_store %parallel_loop3A_721[%parallel_loop3A_722], %parallel_loop3A_725 {strides = array<i32>} : memref<1024xf32, #tpu.memory_space<vmem>>, vector<16xf32>,
      } {sc.loop_unroll_factor = 4 : i64, sc.parallel_access}
      %dma_start3A_536 = arith.constant 3 : i32
      %dma_start3A_537 = arith.constant 3 : i32
      %dma_start3A_538 = arith.constant 0 : i32
      %dma_start3A_539 = arith.constant 0 : i32
      %dma_start3A_540 = arith.constant 0 : i32
      %dma_start3A_541 = tpu.memref_slice %arg7[%dma_start3A_536, %dma_start3A_538, %dma_start3A_539, %dma_start3A_540] : memref<4x4x2x1024xf32, #tpu.memory_space<vmem>> -> memref<1x4x2x1024xf32, #tpu.memory_space<vmem>>
      %dma_start3A_542 = tpu.memref_squeeze %dma_start3A_541 : memref<1x4x2x1024xf32, #tpu.memory_space<vmem>> -> memref<4x2x1024xf32, #tpu.memory_space<vmem>>
      %dma_start3A_543 = arith.constant 0 : i32
      %dma_start3A_544 = arith.constant 0 : i32
      %dma_start3A_545 = tpu.memref_slice %arg4[%dma_start3A_543, %add3A_488, %dma_start3A_544] : memref<4x4096x1024xf32, #tpu.memory_space<hbm>> -> memref<4x2x1024xf32, #tpu.memory_space<hbm>>
      %dma_start3A_546 = tpu.memref_slice %arg9[%dma_start3A_537] : memref<4x!tpu.dma_semaphore, #tpu.memory_space<semaphore_mem>> -> memref<1x!tpu.dma_semaphore, #tpu.memory_space<semaphore_mem>>
      %dma_start3A_547 = tpu.memref_squeeze %dma_start3A_546 : memref<1x!tpu.dma_semaphore, #tpu.memory_space<semaphore_mem>> -> memref<!tpu.dma_semaphore, #tpu.memory_space<semaphore_mem>>
      %dma_start3A_548 = arith.constant 0 : i32
      %dma_start3A_549 = arith.constant 0 : i32
      %dma_start3A_550 = tpu.memref_slice %arg4[%dma_start3A_548, %add3A_488, %dma_start3A_549] : memref<4x4096x1024xf32, #tpu.memory_space<hbm>> -> memref<4x2x1024xf32, #tpu.memory_space<hbm>>
      %dma_start3A_551 = arith.constant 0 : i32
      %dma_start3A_552 = arith.constant 0 : i32
      %dma_start3A_553 = arith.constant 0 : i32
      %dma_start3A_554 = tpu.memref_slice %arg7[%dma_start3A_536, %dma_start3A_551, %dma_start3A_552, %dma_start3A_553] : memref<4x4x2x1024xf32, #tpu.memory_space<vmem>> -> memref<1x4x2x1024xf32, #tpu.memory_space<vmem>>
      %dma_start3A_555 = tpu.memref_squeeze %dma_start3A_554 : memref<1x4x2x1024xf32, #tpu.memory_space<vmem>> -> memref<4x2x1024xf32, #tpu.memory_space<vmem>>
      tpu.enqueue_dma source(%dma_start3A_555 : memref<4x2x1024xf32, #tpu.memory_space<vmem>>) target(%dma_start3A_550 : memref<4x2x1024xf32, #tpu.memory_space<hbm>>) target_semaphore(%dma_start3A_547 : memref<!tpu.dma_semaphore, #tpu.memory_space<semaphore_mem>>)
      %lt3A_556 = arith.constant 15 : i32
      %lt3A_557 = arith.cmpi slt, %add3A_249, %lt3A_556 : i32
      %convert_element_type3A_558 = arith.extui %lt3A_557 : i1 to i32
      %cond3A_559 = arith.constant 0 : i32
      %cond3A_560 = arith.cmpi ne, %convert_element_type3A_558, %cond3A_559 : i32
      scf.if %cond3A_560 {
        %add3A_561 = arith.constant 1 : i32
        %add3A_562 = arith.addi %add3A_249, %add3A_561 : i32
        %mul3A_563 = arith.constant 4 : i32
        %mul3A_564 = arith.muli %add3A_562, %mul3A_563 : i32
        %add3A_565 = arith.constant 3 : i32
        %add3A_566 = arith.addi %mul3A_564, %add3A_565 : i32
        %mul3A_567 = arith.constant 2 : i32
        %mul3A_568 = arith.muli %add3A_566, %mul3A_567 : i32
        %add3A_569 = arith.addi %mul3A_2, %mul3A_568 : i32
        %dma_start3A_570 = arith.constant 3 : i32
        %dma_start3A_571 = arith.constant 3 : i32
        %dma_start3A_572 = arith.constant 0 : i32
        %dma_start3A_573 = arith.constant 0 : i32
        %dma_start3A_574 = arith.constant 0 : i32
        %dma_start3A_575 = tpu.memref_slice %arg5[%dma_start3A_570, %dma_start3A_572, %dma_start3A_573, %dma_start3A_574] : memref<4x4x2x1024xf32, #tpu.memory_space<vmem>> -> memref<1x4x2x1024xf32, #tpu.memory_space<vmem>>
        %dma_start3A_576 = tpu.memref_squeeze %dma_start3A_575 : memref<1x4x2x1024xf32, #tpu.memory_space<vmem>> -> memref<4x2x1024xf32, #tpu.memory_space<vmem>>
        %dma_start3A_577 = arith.constant 0 : i32
        %dma_start3A_578 = arith.constant 0 : i32
        %dma_start3A_579 = tpu.memref_slice %arg2[%dma_start3A_577, %add3A_569, %dma_start3A_578] : memref<4x4096x1024xf32, #tpu.memory_space<hbm>> -> memref<4x2x1024xf32, #tpu.memory_space<hbm>>
        %dma_start3A_580 = tpu.memref_slice %arg8[%dma_start3A_571] : memref<4x!tpu.dma_semaphore, #tpu.memory_space<semaphore_mem>> -> memref<1x!tpu.dma_semaphore, #tpu.memory_space<semaphore_mem>>
        %dma_start3A_581 = tpu.memref_squeeze %dma_start3A_580 : memref<1x!tpu.dma_semaphore, #tpu.memory_space<semaphore_mem>> -> memref<!tpu.dma_semaphore, #tpu.memory_space<semaphore_mem>>
        %dma_start3A_582 = arith.constant 0 : i32
        %dma_start3A_583 = arith.constant 0 : i32
        %dma_start3A_584 = arith.constant 0 : i32
        %dma_start3A_585 = tpu.memref_slice %arg5[%dma_start3A_570, %dma_start3A_582, %dma_start3A_583, %dma_start3A_584] : memref<4x4x2x1024xf32, #tpu.memory_space<vmem>> -> memref<1x4x2x1024xf32, #tpu.memory_space<vmem>>
        %dma_start3A_586 = tpu.memref_squeeze %dma_start3A_585 : memref<1x4x2x1024xf32, #tpu.memory_space<vmem>> -> memref<4x2x1024xf32, #tpu.memory_space<vmem>>
        %dma_start3A_587 = arith.constant 0 : i32
        %dma_start3A_588 = arith.constant 0 : i32
        %dma_start3A_589 = tpu.memref_slice %arg2[%dma_start3A_587, %add3A_569, %dma_start3A_588] : memref<4x4096x1024xf32, #tpu.memory_space<hbm>> -> memref<4x2x1024xf32, #tpu.memory_space<hbm>>
        tpu.enqueue_dma source(%dma_start3A_589 : memref<4x2x1024xf32, #tpu.memory_space<hbm>>) target(%dma_start3A_586 : memref<4x2x1024xf32, #tpu.memory_space<vmem>>) target_semaphore(%dma_start3A_581 : memref<!tpu.dma_semaphore, #tpu.memory_space<semaphore_mem>>)
        %dma_start3A_590 = arith.constant 3 : i32
        %dma_start3A_591 = arith.constant 3 : i32
        %dma_start3A_592 = arith.constant 0 : i32
        %dma_start3A_593 = arith.constant 0 : i32
        %dma_start3A_594 = tpu.memref_slice %arg6[%dma_start3A_590, %dma_start3A_592, %dma_start3A_593] : memref<4x2x1024xf32, #tpu.memory_space<vmem>> -> memref<1x2x1024xf32, #tpu.memory_space<vmem>>
        %dma_start3A_595 = tpu.memref_squeeze %dma_start3A_594 : memref<1x2x1024xf32, #tpu.memory_space<vmem>> -> memref<2x1024xf32, #tpu.memory_space<vmem>>
        %dma_start3A_596 = arith.constant 0 : i32
        %dma_start3A_597 = tpu.memref_slice %arg3[%add3A_569, %dma_start3A_596] : memref<8192x1024xf32, #tpu.memory_space<hbm>> -> memref<2x1024xf32, #tpu.memory_space<hbm>>
        %dma_start3A_598 = tpu.memref_slice %arg8[%dma_start3A_591] : memref<4x!tpu.dma_semaphore, #tpu.memory_space<semaphore_mem>> -> memref<1x!tpu.dma_semaphore, #tpu.memory_space<semaphore_mem>>
        %dma_start3A_599 = tpu.memref_squeeze %dma_start3A_598 : memref<1x!tpu.dma_semaphore, #tpu.memory_space<semaphore_mem>> -> memref<!tpu.dma_semaphore, #tpu.memory_space<semaphore_mem>>
        %dma_start3A_600 = arith.constant 0 : i32
        %dma_start3A_601 = arith.constant 0 : i32
        %dma_start3A_602 = tpu.memref_slice %arg6[%dma_start3A_590, %dma_start3A_600, %dma_start3A_601] : memref<4x2x1024xf32, #tpu.memory_space<vmem>> -> memref<1x2x1024xf32, #tpu.memory_space<vmem>>
        %dma_start3A_603 = tpu.memref_squeeze %dma_start3A_602 : memref<1x2x1024xf32, #tpu.memory_space<vmem>> -> memref<2x1024xf32, #tpu.memory_space<vmem>>
        %dma_start3A_604 = arith.constant 0 : i32
        %dma_start3A_605 = tpu.memref_slice %arg3[%add3A_569, %dma_start3A_604] : memref<8192x1024xf32, #tpu.memory_space<hbm>> -> memref<2x1024xf32, #tpu.memory_space<hbm>>
        tpu.enqueue_dma source(%dma_start3A_605 : memref<2x1024xf32, #tpu.memory_space<hbm>>) target(%dma_start3A_603 : memref<2x1024xf32, #tpu.memory_space<vmem>>) target_semaphore(%dma_start3A_599 : memref<!tpu.dma_semaphore, #tpu.memory_space<semaphore_mem>>)
      } else {
      }
    }
    %scan3A_157 = arith.constant 16 : i32
    %add3A_158 = arith.constant 120 : i32
    %add3A_159 = arith.addi %mul3A_2, %add3A_158 : i32
    %dma_wait3A = arith.constant 0 : i32
    %dma_wait3A_160 = arith.constant 0 : i32
    %dma_wait3A_161 = arith.constant 0 : i32
    %dma_wait3A_162 = arith.constant 0 : i32
    %dma_wait3A_163 = arith.constant 0 : i32
    %dma_wait3A_164 = tpu.memref_slice %arg7[%dma_wait3A, %dma_wait3A_161, %dma_wait3A_162, %dma_wait3A_163] : memref<4x4x2x1024xf32, #tpu.memory_space<vmem>> -> memref<1x4x2x1024xf32, #tpu.memory_space<vmem>>
    %dma_wait3A_165 = tpu.memref_squeeze %dma_wait3A_164 : memref<1x4x2x1024xf32, #tpu.memory_space<vmem>> -> memref<4x2x1024xf32, #tpu.memory_space<vmem>>
    %dma_wait3A_166 = arith.constant 0 : i32
    %dma_wait3A_167 = arith.constant 0 : i32
    %dma_wait3A_168 = tpu.memref_slice %arg4[%dma_wait3A_166, %add3A_159, %dma_wait3A_167] : memref<4x4096x1024xf32, #tpu.memory_space<hbm>> -> memref<4x2x1024xf32, #tpu.memory_space<hbm>>
    %dma_wait3A_169 = tpu.memref_slice %arg9[%dma_wait3A_160] : memref<4x!tpu.dma_semaphore, #tpu.memory_space<semaphore_mem>> -> memref<1x!tpu.dma_semaphore, #tpu.memory_space<semaphore_mem>>
    %dma_wait3A_170 = tpu.memref_squeeze %dma_wait3A_169 : memref<1x!tpu.dma_semaphore, #tpu.memory_space<semaphore_mem>> -> memref<!tpu.dma_semaphore, #tpu.memory_space<semaphore_mem>>
    %dma_wait3A_171 = arith.constant 0 : i32
    %dma_wait3A_172 = arith.constant 0 : i32
    %dma_wait3A_173 = tpu.memref_slice %arg4[%dma_wait3A_171, %add3A_159, %dma_wait3A_172] : memref<4x4096x1024xf32, #tpu.memory_space<hbm>> -> memref<4x2x1024xf32, #tpu.memory_space<hbm>>
    %dma_wait3A_174 = arith.constant 0 : i32
    %dma_wait3A_175 = arith.constant 0 : i32
    %dma_wait3A_176 = arith.constant 0 : i32
    %dma_wait3A_177 = tpu.memref_slice %arg7[%dma_wait3A, %dma_wait3A_174, %dma_wait3A_175, %dma_wait3A_176] : memref<4x4x2x1024xf32, #tpu.memory_space<vmem>> -> memref<1x4x2x1024xf32, #tpu.memory_space<vmem>>
    %dma_wait3A_178 = tpu.memref_squeeze %dma_wait3A_177 : memref<1x4x2x1024xf32, #tpu.memory_space<vmem>> -> memref<4x2x1024xf32, #tpu.memory_space<vmem>>
    tpu.wait_dma2 semaphore(%dma_wait3A_170 : memref<!tpu.dma_semaphore, #tpu.memory_space<semaphore_mem>>) src(%dma_wait3A_178 : memref<4x2x1024xf32, #tpu.memory_space<vmem>>) dst(%dma_wait3A_173 : memref<4x2x1024xf32, #tpu.memory_space<hbm>>)
    %add3A_179 = arith.constant 122 : i32
    %add3A_180 = arith.addi %mul3A_2, %add3A_179 : i32
    %dma_wait3A_181 = arith.constant 1 : i32
    %dma_wait3A_182 = arith.constant 1 : i32
    %dma_wait3A_183 = arith.constant 0 : i32
    %dma_wait3A_184 = arith.constant 0 : i32
    %dma_wait3A_185 = arith.constant 0 : i32
    %dma_wait3A_186 = tpu.memref_slice %arg7[%dma_wait3A_181, %dma_wait3A_183, %dma_wait3A_184, %dma_wait3A_185] : memref<4x4x2x1024xf32, #tpu.memory_space<vmem>> -> memref<1x4x2x1024xf32, #tpu.memory_space<vmem>>
    %dma_wait3A_187 = tpu.memref_squeeze %dma_wait3A_186 : memref<1x4x2x1024xf32, #tpu.memory_space<vmem>> -> memref<4x2x1024xf32, #tpu.memory_space<vmem>>
    %dma_wait3A_188 = arith.constant 0 : i32
    %dma_wait3A_189 = arith.constant 0 : i32
    %dma_wait3A_190 = tpu.memref_slice %arg4[%dma_wait3A_188, %add3A_180, %dma_wait3A_189] : memref<4x4096x1024xf32, #tpu.memory_space<hbm>> -> memref<4x2x1024xf32, #tpu.memory_space<hbm>>
    %dma_wait3A_191 = tpu.memref_slice %arg9[%dma_wait3A_182] : memref<4x!tpu.dma_semaphore, #tpu.memory_space<semaphore_mem>> -> memref<1x!tpu.dma_semaphore, #tpu.memory_space<semaphore_mem>>
    %dma_wait3A_192 = tpu.memref_squeeze %dma_wait3A_191 : memref<1x!tpu.dma_semaphore, #tpu.memory_space<semaphore_mem>> -> memref<!tpu.dma_semaphore, #tpu.memory_space<semaphore_mem>>
    %dma_wait3A_193 = arith.constant 0 : i32
    %dma_wait3A_194 = arith.constant 0 : i32
    %dma_wait3A_195 = tpu.memref_slice %arg4[%dma_wait3A_193, %add3A_180, %dma_wait3A_194] : memref<4x4096x1024xf32, #tpu.memory_space<hbm>> -> memref<4x2x1024xf32, #tpu.memory_space<hbm>>
    %dma_wait3A_196 = arith.constant 0 : i32
    %dma_wait3A_197 = arith.constant 0 : i32
    %dma_wait3A_198 = arith.constant 0 : i32
    %dma_wait3A_199 = tpu.memref_slice %arg7[%dma_wait3A_181, %dma_wait3A_196, %dma_wait3A_197, %dma_wait3A_198] : memref<4x4x2x1024xf32, #tpu.memory_space<vmem>> -> memref<1x4x2x1024xf32, #tpu.memory_space<vmem>>
    %dma_wait3A_200 = tpu.memref_squeeze %dma_wait3A_199 : memref<1x4x2x1024xf32, #tpu.memory_space<vmem>> -> memref<4x2x1024xf32, #tpu.memory_space<vmem>>
    tpu.wait_dma2 semaphore(%dma_wait3A_192 : memref<!tpu.dma_semaphore, #tpu.memory_space<semaphore_mem>>) src(%dma_wait3A_200 : memref<4x2x1024xf32, #tpu.memory_space<vmem>>) dst(%dma_wait3A_195 : memref<4x2x1024xf32, #tpu.memory_space<hbm>>)
    %add3A_201 = arith.constant 124 : i32
    %add3A_202 = arith.addi %mul3A_2, %add3A_201 : i32
    %dma_wait3A_203 = arith.constant 2 : i32
    %dma_wait3A_204 = arith.constant 2 : i32
    %dma_wait3A_205 = arith.constant 0 : i32
    %dma_wait3A_206 = arith.constant 0 : i32
    %dma_wait3A_207 = arith.constant 0 : i32
    %dma_wait3A_208 = tpu.memref_slice %arg7[%dma_wait3A_203, %dma_wait3A_205, %dma_wait3A_206, %dma_wait3A_207] : memref<4x4x2x1024xf32, #tpu.memory_space<vmem>> -> memref<1x4x2x1024xf32, #tpu.memory_space<vmem>>
    %dma_wait3A_209 = tpu.memref_squeeze %dma_wait3A_208 : memref<1x4x2x1024xf32, #tpu.memory_space<vmem>> -> memref<4x2x1024xf32, #tpu.memory_space<vmem>>
    %dma_wait3A_210 = arith.constant 0 : i32
    %dma_wait3A_211 = arith.constant 0 : i32
    %dma_wait3A_212 = tpu.memref_slice %arg4[%dma_wait3A_210, %add3A_202, %dma_wait3A_211] : memref<4x4096x1024xf32, #tpu.memory_space<hbm>> -> memref<4x2x1024xf32, #tpu.memory_space<hbm>>
    %dma_wait3A_213 = tpu.memref_slice %arg9[%dma_wait3A_204] : memref<4x!tpu.dma_semaphore, #tpu.memory_space<semaphore_mem>> -> memref<1x!tpu.dma_semaphore, #tpu.memory_space<semaphore_mem>>
    %dma_wait3A_214 = tpu.memref_squeeze %dma_wait3A_213 : memref<1x!tpu.dma_semaphore, #tpu.memory_space<semaphore_mem>> -> memref<!tpu.dma_semaphore, #tpu.memory_space<semaphore_mem>>
    %dma_wait3A_215 = arith.constant 0 : i32
    %dma_wait3A_216 = arith.constant 0 : i32
    %dma_wait3A_217 = tpu.memref_slice %arg4[%dma_wait3A_215, %add3A_202, %dma_wait3A_216] : memref<4x4096x1024xf32, #tpu.memory_space<hbm>> -> memref<4x2x1024xf32, #tpu.memory_space<hbm>>
    %dma_wait3A_218 = arith.constant 0 : i32
    %dma_wait3A_219 = arith.constant 0 : i32
    %dma_wait3A_220 = arith.constant 0 : i32
    %dma_wait3A_221 = tpu.memref_slice %arg7[%dma_wait3A_203, %dma_wait3A_218, %dma_wait3A_219, %dma_wait3A_220] : memref<4x4x2x1024xf32, #tpu.memory_space<vmem>> -> memref<1x4x2x1024xf32, #tpu.memory_space<vmem>>
    %dma_wait3A_222 = tpu.memref_squeeze %dma_wait3A_221 : memref<1x4x2x1024xf32, #tpu.memory_space<vmem>> -> memref<4x2x1024xf32, #tpu.memory_space<vmem>>
    tpu.wait_dma2 semaphore(%dma_wait3A_214 : memref<!tpu.dma_semaphore, #tpu.memory_space<semaphore_mem>>) src(%dma_wait3A_222 : memref<4x2x1024xf32, #tpu.memory_space<vmem>>) dst(%dma_wait3A_217 : memref<4x2x1024xf32, #tpu.memory_space<hbm>>)
    %add3A_223 = arith.constant 126 : i32
    %add3A_224 = arith.addi %mul3A_2, %add3A_223 : i32
    %dma_wait3A_225 = arith.constant 3 : i32
    %dma_wait3A_226 = arith.constant 3 : i32
    %dma_wait3A_227 = arith.constant 0 : i32
    %dma_wait3A_228 = arith.constant 0 : i32
    %dma_wait3A_229 = arith.constant 0 : i32
    %dma_wait3A_230 = tpu.memref_slice %arg7[%dma_wait3A_225, %dma_wait3A_227, %dma_wait3A_228, %dma_wait3A_229] : memref<4x4x2x1024xf32, #tpu.memory_space<vmem>> -> memref<1x4x2x1024xf32, #tpu.memory_space<vmem>>
    %dma_wait3A_231 = tpu.memref_squeeze %dma_wait3A_230 : memref<1x4x2x1024xf32, #tpu.memory_space<vmem>> -> memref<4x2x1024xf32, #tpu.memory_space<vmem>>
    %dma_wait3A_232 = arith.constant 0 : i32
    %dma_wait3A_233 = arith.constant 0 : i32
    %dma_wait3A_234 = tpu.memref_slice %arg4[%dma_wait3A_232, %add3A_224, %dma_wait3A_233] : memref<4x4096x1024xf32, #tpu.memory_space<hbm>> -> memref<4x2x1024xf32, #tpu.memory_space<hbm>>
    %dma_wait3A_235 = tpu.memref_slice %arg9[%dma_wait3A_226] : memref<4x!tpu.dma_semaphore, #tpu.memory_space<semaphore_mem>> -> memref<1x!tpu.dma_semaphore, #tpu.memory_space<semaphore_mem>>
    %dma_wait3A_236 = tpu.memref_squeeze %dma_wait3A_235 : memref<1x!tpu.dma_semaphore, #tpu.memory_space<semaphore_mem>> -> memref<!tpu.dma_semaphore, #tpu.memory_space<semaphore_mem>>
    %dma_wait3A_237 = arith.constant 0 : i32
    %dma_wait3A_238 = arith.constant 0 : i32
    %dma_wait3A_239 = tpu.memref_slice %arg4[%dma_wait3A_237, %add3A_224, %dma_wait3A_238] : memref<4x4096x1024xf32, #tpu.memory_space<hbm>> -> memref<4x2x1024xf32, #tpu.memory_space<hbm>>
    %dma_wait3A_240 = arith.constant 0 : i32
    %dma_wait3A_241 = arith.constant 0 : i32
    %dma_wait3A_242 = arith.constant 0 : i32
    %dma_wait3A_243 = tpu.memref_slice %arg7[%dma_wait3A_225, %dma_wait3A_240, %dma_wait3A_241, %dma_wait3A_242] : memref<4x4x2x1024xf32, #tpu.memory_space<vmem>> -> memref<1x4x2x1024xf32, #tpu.memory_space<vmem>>
    %dma_wait3A_244 = tpu.memref_squeeze %dma_wait3A_243 : memref<1x4x2x1024xf32, #tpu.memory_space<vmem>> -> memref<4x2x1024xf32, #tpu.memory_space<vmem>>
    tpu.wait_dma2 semaphore(%dma_wait3A_236 : memref<!tpu.dma_semaphore, #tpu.memory_space<semaphore_mem>>) src(%dma_wait3A_244 : memref<4x2x1024xf32, #tpu.memory_space<vmem>>) dst(%dma_wait3A_239 : memref<4x2x1024xf32, #tpu.memory_space<hbm>>)
    return
  }
}

</mosaic_0001>

<sc_bundles>
// kernel: kernel.3.cloned.1.call-start
scs
__scs_entry_jumppad:
0x0: {  	(pc) =	sbr.rel $0x88, $3  }
0x1: {  	(tag) =	ssettag $0x0;
	lr =	simm.s32 $0x1  }
0x2: {  	[smem:$0x3F9F] =	sst lr;
	_ =	strace $0xD0000000  }
0x3: {  	_ = 	snop  }
0x4: {  	_ = 	snop  }
0x5: {  	_ = 	snop  }
0x6: {  	_ = 	snop  }
0x7: {  	_ = 	snop  }
__scs_overlays_trampoline_lowered:
0x8: {  	[smem:$0x3FAE] =	sst s0  }
0x9: {  	[smem:$0x3FAF] =	sst s1  }
0xa: {  	[smem:$0x3FB0] =	sst s2  }
0xb: {  	[smem:$0x3FB1] =	sst s3  }
0xc: {  	[smem:$0x3FB2] =	sst s4  }
0xd: {  	[smem:$0x3FB3] =	sst s5  }
0xe: {  	[smem:$0x3FB4] =	sst s6  }
0xf: {  	[smem:$0x3FB5] =	sst s7  }
0x10: {  	[smem:$0x3FB6] =	sst s8  }
0x11: {  	[smem:$0x3FB7] =	sst s9;
	s0 =	simm.s32 @!p0 $0x0  }
0x12: {  	s1 =	sld [smem:$0x3F9D];
	s0 =	simm.s32 @p0 $0x1  }
0x13: {  	[smem:$0x3FB8] =	sst s0;
	s0 =	simm.s32 @!p1 $0x0  }
0x14: {  	s2 =	sld [smem:$0x3F9C];
	s0 =	simm.s32 @p1 $0x1  }
0x15: {  	[smem:$0x3FB9] =	sst s0;
	s0 =	simm.s32 @!p2 $0x0  }
0x16: {  	s3 =	sld [smem:$0x3FDB];
	s0 =	simm.s32 @p2 $0x1  }
0x17: {  	s4 =	simm.s32 $0x1BF5;
	[smem:$0x3FBB] =	sst s0  }
0x18: {  	s0 =	sld [smem:$0x3F9E];
	_ =	swait.ge [sflag:s4], $0x0  }
0x19: {  	s7 =	sld [smem:$0x3F9F]  }
0x1a: {  	s8 =	sadd.s32 $0xFFFFE003, lr  }
0x1b: {  	s9 =	sadd.s32 $0xFFFFFEF7, lr;
	s5 =	simm.s32 $0xFFFFFFFF;
	p2 =	slt.u32 s8, $0xFFFFF086  }
0x1c: {  	p1 =	slt.u32 s9, $0xF7A;
	s5 =	simm.s32 @!p2 $0x0  }
0x1d: {  	s5 =	simm.s32 @p1 $0x1;
	p0 =	seq.s32 s7, s2  }
0x1e: {  	s7 =	smul.u32 @!p0 $0xF7A, s2;
	p2 =	seq.s32 @!p0 s5, $0x0  }
0x1f: {  	s9 =	smul.u32 $0xF7A, s1;
	s8 =	simm.s32 @!p0 $0x1BF5;
	p2 =	por !p2, p0  }
0x20: {  	[sflag:s8] =	ssyncset.s32 @!p0 $0xFFFFF086;
	s6 =	sadd.s32 @!p0 s3, s7;
	s7 =	simm.s32 @!p0 $0x108  }
0x21: {  	s3 =	sadd.s32 s3, s9;
	s6 =	sadd.s32 @!p0 $0x88, s6;
	s7 =	simm.s32 @p2 $0x1082  }
0x22: {  	[simem:s7], [sflag:s8] =	dma.local @!p0 [hbm:s6], $0xF7A  }
0x23: {  	s9 =	sor.u32 $0xD0000000, s2;
	s6 =	simm.s32 $0x108;
	_ =	swait.ge @!p0 [sflag:s8], $0x0  }
0x24: {  	s3 =	sadd.s32 $0x88, s3;
	s6 =	simm.s32 @!p1 $0x1082;
	[sflag:s4] =	ssyncset.s32 $0xFFFFF086  }
0x25: {  	[simem:s6], [sflag:s4] =	dma.local [hbm:s3], $0xF7A  }
0x26: {  	[smem:$0x3F9F] =	sst s1;
	(tag) =	ssettag s2;
	_ =	strace s9  }
0x27: {  	s1 =	sld [smem:$0x3FAF]  }
0x28: {  	s2 =	sld [smem:$0x3FB0]  }
0x29: {  	s4 =	sld [smem:$0x3FB2]  }
0x2a: {  	p0 =	seq.s32 s5, $0x0;
	s5 =	sld [smem:$0x3FB3]  }
0x2b: {  	s6 =	sld [smem:$0x3FB4]  }
0x2c: {  	s7 =	sld [smem:$0x3FB5]  }
0x2d: {  	s3 =	simm.s32 $0x108;
	s8 =	sld [smem:$0x3FB6]  }
0x2e: {  	s3 =	simm.s32 @!p0 $0x1082;
	s9 =	sld [smem:$0x3FB7]  }
0x2f: {  	lr =	sadd.s32 s0, s3;
	s0 =	sld [smem:$0x3FAE]  }
0x30: {  	s3 =	sld [smem:$0x3FB1]  }
0x31: {  	[smem:$0x3FBA] =	sst s10  }
0x32: {  	s10 =	sld [smem:$0x3FB8];
	_ =	sdelay $0x3  }
0x33: {  	p0 =	seq.s32 s10, $0x1;
	s10 =	sld [smem:$0x3FBA];
	_ =	sdelay $0x3  }
0x34: {  	[smem:$0x3FBA] =	sst s10  }
0x35: {  	s10 =	sld [smem:$0x3FB9];
	_ =	sdelay $0x3  }
0x36: {  	p1 =	seq.s32 s10, $0x1;
	s10 =	sld [smem:$0x3FBA];
	_ =	sdelay $0x3  }
0x37: {  	[smem:$0x3FBA] =	sst s10  }
0x38: {  	s10 =	sld [smem:$0x3FBB]  }
0x39: {  	_ = 	snop;
	(pc) =	sbr.ind lr, $3  }
0x3a: {  	_ = 	snop  }
0x3b: {  	_ = 	snop  }
0x3c: {  	p2 =	seq.s32 s10, $0x1;
	s10 =	sld [smem:$0x3FBA]  }
0x3d: {  	_ =	shalt  }
0x3e: {  	_ =	shalt  }
0x3f: {  	_ =	shalt  }
0x40: {  	_ =	shalt  }
0x41: {  	_ =	shalt  }
0x42: {  	_ =	shalt  }
0x43: {  	_ =	shalt  }
0x44: {  	_ =	shalt  }
0x45: {  	_ =	shalt  }
0x46: {  	_ =	shalt  }
0x47: {  	_ =	shalt  }
0x48: {  	_ =	shalt  }
0x49: {  	_ =	shalt  }
0x4a: {  	_ =	shalt  }
0x4b: {  	_ =	shalt  }
0x4c: {  	_ =	shalt  }
0x4d: {  	_ =	shalt  }
0x4e: {  	_ =	shalt  }
0x4f: {  	_ =	shalt  }
0x50: {  	_ =	shalt  }
0x51: {  	_ =	shalt  }
0x52: {  	_ =	shalt  }
0x53: {  	_ =	shalt  }
0x54: {  	_ =	shalt  }
0x55: {  	_ =	shalt  }
0x56: {  	_ =	shalt  }
0x57: {  	_ =	shalt  }
0x58: {  	_ =	shalt  }
0x59: {  	_ =	shalt  }
0x5a: {  	_ =	shalt  }
0x5b: {  	_ =	shalt  }
0x5c: {  	_ =	shalt  }
0x5d: {  	_ =	shalt  }
0x5e: {  	_ =	shalt  }
0x5f: {  	_ =	shalt  }
0x60: {  	_ =	shalt  }
0x61: {  	_ =	shalt  }
0x62: {  	_ =	shalt  }
0x63: {  	_ =	shalt  }
0x64: {  	_ =	shalt  }
0x65: {  	_ =	shalt  }
0x66: {  	_ =	shalt  }
0x67: {  	_ =	shalt  }
0x68: {  	_ =	shalt  }
0x69: {  	_ =	shalt  }
0x6a: {  	_ =	shalt  }
0x6b: {  	_ =	shalt  }
0x6c: {  	_ =	shalt  }
0x6d: {  	_ =	shalt  }
0x6e: {  	_ =	shalt  }
0x6f: {  	_ =	shalt  }
0x70: {  	_ =	shalt  }
0x71: {  	_ =	shalt  }
0x72: {  	_ =	shalt  }
0x73: {  	_ =	shalt  }
0x74: {  	_ =	shalt  }
0x75: {  	_ =	shalt  }
0x76: {  	_ =	shalt  }
0x77: {  	_ =	shalt  }
0x78: {  	_ =	shalt  }
0x79: {  	_ =	shalt  }
0x7a: {  	_ =	shalt  }
0x7b: {  	_ =	shalt  }
0x7c: {  	_ =	shalt  }
0x7d: {  	_ =	shalt  }
0x7e: {  	_ =	shalt  }
0x7f: {  	_ =	shalt  }
0x80: {  	_ =	shalt  }
0x81: {  	_ =	shalt  }
0x82: {  	_ =	shalt  }
0x83: {  	_ =	shalt  }
0x84: {  	_ =	shalt  }
0x85: {  	_ =	shalt  }
0x86: {  	_ =	shalt  }
0x87: {  	_ =	shalt  }
.Lfunc_end0:
.L_simem_size_0:
called_computation_lowered:
.L_overlay_start_0:
0x88: {  	s2 =	sld [smem:$0x3FD9]  }
0x89: {  	s3 =	sld [smem:$0x3FFE];
	_ =	sdelay $0x1  }
0x8a: {  	s1 =	srdreg.scid  }
0x8b: {  	s0 =	sand.u32 $0x1, s1  }
0x8c: {  	s18 =	sshll.u32 s0, $0xA;
	s2 =	sadd.s32 s3, s2  }
0x8d: {  	s2 =	sadd.s32 s2, s18  }
0x8e: {  	[smem:$0x3FC6] =	sst s2  }
0x8f: {  	_ = 	snop  }
0x90: {  	s2 =	sld [smem:$0x3FC9]  }
0x91: {  	s19 =	sld [smem:$0x3FC8]  }
0x92: {  	s4 =	sld [smem:$0x3FD0];
	(tm) =	ssettm $0x1  }
0x93: {  	s5 =	sld [smem:$0x3FFB];
	_ =	sdelay $0x3  }
0x94: {  	_ =	strace s5  }
0x95: {  	s5 =	sld [smem:$0x3FFC];
	_ =	sdelay $0x3  }
0x96: {  	_ =	strace s5  }
0x97: {  	s5 =	sld [smem:$0x3FFD];
	_ =	sdelay $0x3  }
0x98: {  	_ =	strace s5  }
0x99: {  	_ =	strace $0x8FFFFFFF  }
0x9a: {  	s20 =	sld [smem:$0x3FDB];
	_ =	sdelay $0x1  }
0x9b: {  	s6 =	simm.s32 $_scs_section_size  }
0x9c: {  	s7 =	simm.s32 $_size__tile_overlayer_lowered;
	s8 =	simm.s32 $_tile_overlayer_lowered  }
0x9d: {  	s23 =	simm.s32 $0x1BFF;
	s22 =	sshll.u32 s8, $0x1;
	s5 =	sadd.s32 s6, s20  }
0x9e: {  	s9 =	simm.s32 $0x0;
	s21 =	sshll.u32 s7, $0x1;
	s7 =	sadd.s32 s22, s5  }
0x9f: {  	[timem:s9], [sflag:s23] =	dma.local [hbm:s7], s21  }
0xa0: {  	_ =	swait.ge [sflag:s23], s21  }
0xa1: {  	s6 =	ssub.s32 $0x0, s21;
	[sflag:s23] =	ssyncset.done $0x0  }
0xa2: {  	[sflag:s23] =	ssyncadd.s32 s6;
	_ =	sdelay $0x1  }
0xa3: {  	s24 =	simm.s32 $0x1B8B  }
0xa4: {  	_ =	swait.ge [sflag:s24], $0x1  }
0xa5: {  	[sflag:s24] =	ssyncset.done $0x0  }
0xa6: {  	s25 =	simm.s32 $0x1B8E;
	[sflag:s24] =	ssyncadd.s32 $0xFFFFFFFF  }
0xa7: {  	s26 =	simm.s32 $execute0_lowered;
	[smem:$0x3FD2] =	sst s25  }
0xa8: {  	s6 =	sshll.u32 s26, $0x1;
	_ =	strace $0x80000046;
	[dreg:$0x1] =	wrdreg $0xFFFFFFFF  }
0xa9: {  	s28 =	simm.s32 $_size_execute0_lowered;
	s5 =	sadd.s32 s5, s6;
	[dreg:$0x0] =	wrdreg $0x0  }
0xaa: {  	s6 =	sshll.u32 s28, $0x1;
	[dreg:$0x2] =	wrdreg s5  }
0xab: {  	[dreg:$0x3] =	wrdreg s6  }
0xac: {  	[dreg:$0x4] =	wrdreg $0xC0  }
0xad: {  	_ =	task [dreg:s9], $0x5FFFF  }
0xae: {  	[dreg:$0x1] =	wrdreg $0xFFFFFFFF  }
0xaf: {  	[dreg:$0x0] =	wrdreg $0x60  }
0xb0: {  	[dreg:$0x2] =	wrdreg s2  }
0xb1: {  	[dreg:$0x3] =	wrdreg s19  }
0xb2: {  	[dreg:$0x4] =	wrdreg s4  }
0xb3: {  	[dreg:$0x5] =	wrdreg $0x9  }
0xb4: {  	_ =	task.clear_ibuf [dreg:s9], $0x6FFFF;
	_ =	strace $0x90000046  }
0xb5: {  	s29 =	simm.s32 $0x9;
	_ =	strace $0x80000048  }
0xb6: {  	_ =	swait.ge [sflag:s29], $0x1  }
0xb7: {  	[sflag:s29] =	ssyncadd.s32 $0xFFFFFFFF  }
0xb8: {  	_ =	strace $0x90000048  }
0xb9: {  	_ =	sfence  }
0xba: {  	s30 =	sld [smem:$0x0];
	_ =	sdelay $0x2  }
0xbb: {  	s31 =	sshll.u32 s1, $0xD;
	s1 =	sshrl.u32 s1, $0x2  }
0xbc: {  	s3 =	sand.u32 $0x4000, s31;
	s1 =	sadd.s32 s1, s30  }
0xbd: {  	s0 =	sor.u32 s3, s0;
	s1 =	sshll.u32 s1, $0x11  }
0xbe: {  	s0 =	sor.u32 s1, s0  }
0xbf: {  	s0 =	sadd.s32 $0x8F2B, s0  }
0xc0: {  	[sflag:s0] =	ssyncadd.remote.s32 $0x1  }
0xc1: {  	_ =	sfence.sel $0xFFFF  }
0xc2: {  	[dreg:$0x0] =	wrdreg $0xFFFFFFFF;
	(pc) =	sbr.abs _section_cstart, $3  }
0xc3: {  	[dreg:$0x1] =	wrdreg $0xFFFFFFFF  }
0xc4: {  	_ =	task.clear_ibuf [dreg:s9], $0x2FFFF;
	_ =	strace $0x9FFFFFFF  }
0xc5: {  	(tm) =	ssettm $0x7FFFFFFF  }
tec
execute0_lowered:
.L_overlay_start_1:
0x0: {  	(tag) =	ssettag $0x1  }
0x1: {  	s1 =	rddreg [dreg:$0x0];
	s0 =	srdreg.scid  }
0x2: {  	s2 =	rddreg [dreg:$0x1];
	s4 =	stileid.u32;
	s0 =	sand.u32 $0x1, s0  }
0x3: {  	s4 =	sshll.u32 s4, $0x7;
	s3 =	ssub.s32 $0x2, s0;
	s0 =	sshll.u32 s0, $0xB  }
0x4: {  	s7 =	rddreg [dreg:$0x2];
	s0 =	sor.u32 s4, s0  }
0x5: {  	s5 =	simm.s32 $0x0;
	s29 =	sshrl.u32 s3, $0x1;
	s6 =	sshll.u32 s0, $0x7  }
0x6: {  	[smem:$0x7FF] =	sst s5;
	s3 =	ssub.s32 s3, s29;
	s9 =	sadd.s32 s2, s6  }
0x7: {  	_ =	strace $0x80000047;
	s13 =	smax.u32 s3, $0x1;
	[dreg:$0x5] =	wrdreg s9  }
0x8: {  	s31 =	sadd.s32 s1, s6;
	s10 =	sor.u32 $0x20, s6;
	[dreg:$0xc] =	wrdreg s13  }
0x9: {  	s4 =	sadd.s32 s2, s10;
	[dreg:$0x4] =	wrdreg s31  }
0xa: {  	s30 =	simm.s32 $0x2;
	s14 =	sadd.s32 $0x80000, s31;
	[dreg:$0x7] =	wrdreg s4  }
0xb: {  	s16 =	sadd.s32 $0x20, s7;
	s19 =	sadd.s32 $0x100000, s31;
	[dreg:$0xd] =	wrdreg s14  }
0xc: {  	s17 =	sadd.s32 $0x40, s7;
	s20 =	sadd.s32 $0x180000, s31;
	[dreg:$0xe] =	wrdreg s19  }
0xd: {  	s11 =	sor.u32 $0x40, s6;
	s8 =	sadd.s32 s1, s10;
	[dreg:$0xf] =	wrdreg s20  }
0xe: {  	s12 =	sor.u32 $0x60, s6;
	s9 =	sadd.s32 s1, s11;
	[dreg:$0x6] =	wrdreg s8  }
0xf: {  	s18 =	sadd.s32 $0x60, s7;
	s10 =	sadd.s32 s1, s12;
	[dreg:$0x8] =	wrdreg s9  }
0x10: {  	s7 =	simm.s32 $0x0;
	s4 =	sadd.s32 s2, s11;
	[dreg:$0xa] =	wrdreg s10  }
0x11: {  	s15 =	sshrl.u32 s0, $0x3;
	s21 =	sadd.s32 $0x80000, s8;
	[dreg:$0x9] =	wrdreg s4  }
0x12: {  	s3 =	sor.u32 $0x400, s6;
	s22 =	sadd.s32 $0x100000, s8;
	[dreg:$0x10] =	wrdreg s21  }
0x13: {  	s5 =	sor.u32 $0x500, s6;
	s23 =	sadd.s32 $0x180000, s8;
	[dreg:$0x11] =	wrdreg s22  }
0x14: {  	s24 =	sadd.s32 $0x80000, s9;
	s25 =	sadd.s32 $0x100000, s9;
	[dreg:$0x12] =	wrdreg s23  }
0x15: {  	s26 =	sadd.s32 $0x180000, s9;
	s28 =	sadd.s32 $0x80000, s10;
	[dreg:$0x13] =	wrdreg s24  }
0x16: {  	s29 =	sadd.s32 $0x100000, s10;
	s31 =	sadd.s32 $0x180000, s10;
	[dreg:$0x14] =	wrdreg s25  }
0x17: {  	s8 =	sor.u32 $0x600, s6;
	s10 =	sor.u32 $0x700, s6;
	[dreg:$0x15] =	wrdreg s26  }
.Ltmp0:
0x18: {  	s14 =	simm.s32 $0x400;
	[dreg:$0x16] =	wrdreg s28;
	(pc) =	sbr.rel .LBB2_1-.Ltmp0, $4  }
0x19: {  	s11 =	simm.s32 $0x3;
	s4 =	sadd.s32 s2, s12;
	[dreg:$0x17] =	wrdreg s29  }
0x1a: {  	[dreg:$0x18] =	wrdreg s31;
	s12 =	simm.s32 $0x100;
	s24 =	simm.s32 $0x1  }
0x1b: {  	s21 =	simm.s32 $0x4;
	s22 =	simm.s32 $0x10000;
	s23 =	simm.s32 $0x10800  }
0x1c: {  	s25 =	simm.s32 $0x11000;
	s26 =	simm.s32 $0x11800;
	[dreg:$0xb] =	wrdreg s4  }
.LBB2_20:
0x1d: {  	s0 =	simm.s32 $0x5  }
0x1e: {  	_ =	swait.ge [sflag:s0], $0x2000  }
0x1f: {  	[sflag:s0] =	ssyncset.done $0x0  }
0x20: {  	s28 =	simm.s32 $0x6;
	[sflag:s0] =	ssyncadd.s32 $0xFFFFE000  }
0x21: {  	_ =	swait.ge [sflag:s28], $0x2000  }
0x22: {  	[sflag:s28] =	ssyncset.done $0x0  }
0x23: {  	s29 =	simm.s32 $0x7;
	[sflag:s28] =	ssyncadd.s32 $0xFFFFE000  }
0x24: {  	_ =	swait.ge [sflag:s29], $0x2000  }
0x25: {  	[sflag:s29] =	ssyncset.done $0x0  }
0x26: {  	s4 =	simm.s32 $0x8;
	[sflag:s29] =	ssyncadd.s32 $0xFFFFE000  }
0x27: {  	_ =	swait.ge [sflag:s4], $0x2000  }
0x28: {  	s7 =	rddreg [dreg:$0x19]  }
0x29: {  	s31 =	rddreg [dreg:$0xc];
	s7 =	sadd.s32 $0x1, s7  }
0x2a: {  	p0 =	sne.s32 s7, s31  }
.Ltmp1:
0x2b: {  	_ = 	snop;
	(pc) =	sbr.rel @!p0 .LBB2_21-.Ltmp1, $3  }
0x2c: {  	_ =	sdelay $0x1  }
0x2d: {  	[sflag:s4] =	ssyncset.done $0x0  }
0x2e: {  	[sflag:s4] =	ssyncadd.s32 $0xFFFFE000  }
.LBB2_1:
0x2f: {  	[dreg:$0x19] =	wrdreg s7  }
0x30: {  	s0 =	simm.s32 $0x0;
	s4 =	rddreg [dreg:$0x4]  }
0x31: {  	[tilespmem:s0], [sflag:$0x1] =	stream.strided.gather [hbm4b:s4+s12], $0x800, s14, s12, $0x38;
	[tilespmem:$0x12000] =	vst v63  }
0x32: {  	s9 =	rddreg [dreg:$0xd];
	s13 =	simm.s32 $0x800  }
0x33: {  	[tilespmem:s13], [sflag:$0x1] =	stream.strided.gather [hbm4b:s9+s12], $0x800, s14, s12, $0x38;
	[tilespmem:$0x12000] =	vst v63  }
0x34: {  	s19 =	rddreg [dreg:$0xe];
	s20 =	simm.s32 $0x1000  }
0x35: {  	[tilespmem:s20], [sflag:$0x1] =	stream.strided.gather [hbm4b:s19+s12], $0x800, s14, s12, $0x38;
	[tilespmem:$0x12000] =	vst v63  }
0x36: {  	s29 =	rddreg [dreg:$0xf];
	s31 =	simm.s32 $0x1800  }
0x37: {  	[tilespmem:s31], [sflag:$0x1] =	stream.strided.gather [hbm4b:s29+s12], $0x800, s14, s12, $0x38;
	[tilespmem:$0x12000] =	vst v63  }
0x38: {  	s7 =	simm.s32 $0x8000;
	s4 =	rddreg [dreg:$0x5]  }
0x39: {  	[tilespmem:s7], [sflag:$0x1] =	stream.strided.gather [hbm4b:s4+s12], $0x800, s14, s12, $0x38;
	[tilespmem:$0x12000] =	vst v63  }
0x3a: {  	s9 =	rddreg [dreg:$0x6];
	s13 =	simm.s32 $0x2000  }
0x3b: {  	[tilespmem:s13], [sflag:$0x2] =	stream.strided.gather [hbm4b:s9+s12], $0x800, s14, s12, $0x38;
	[tilespmem:$0x12000] =	vst v63  }
0x3c: {  	s19 =	rddreg [dreg:$0x10];
	s20 =	simm.s32 $0x2800  }
0x3d: {  	[tilespmem:s20], [sflag:$0x2] =	stream.strided.gather [hbm4b:s19+s12], $0x800, s14, s12, $0x38;
	[tilespmem:$0x12000] =	vst v63  }
0x3e: {  	s29 =	rddreg [dreg:$0x11];
	s31 =	simm.s32 $0x3000  }
0x3f: {  	[tilespmem:s31], [sflag:$0x2] =	stream.strided.gather [hbm4b:s29+s12], $0x800, s14, s12, $0x38;
	[tilespmem:$0x12000] =	vst v63  }
0x40: {  	s4 =	rddreg [dreg:$0x12];
	s7 =	simm.s32 $0x3800  }
0x41: {  	[tilespmem:s7], [sflag:$0x2] =	stream.strided.gather [hbm4b:s4+s12], $0x800, s14, s12, $0x38;
	[tilespmem:$0x12000] =	vst v63  }
0x42: {  	s9 =	rddreg [dreg:$0x7];
	s13 =	simm.s32 $0x8800  }
0x43: {  	[tilespmem:s13], [sflag:$0x2] =	stream.strided.gather [hbm4b:s9+s12], $0x800, s14, s12, $0x38;
	[tilespmem:$0x12000] =	vst v63  }
0x44: {  	s19 =	rddreg [dreg:$0x8];
	s20 =	simm.s32 $0x4000  }
0x45: {  	[tilespmem:s20], [sflag:$0x3] =	stream.strided.gather [hbm4b:s19+s12], $0x800, s14, s12, $0x38;
	[tilespmem:$0x12000] =	vst v63  }
0x46: {  	s29 =	rddreg [dreg:$0x13];
	s31 =	simm.s32 $0x4800  }
0x47: {  	[tilespmem:s31], [sflag:$0x3] =	stream.strided.gather [hbm4b:s29+s12], $0x800, s14, s12, $0x38;
	[tilespmem:$0x12000] =	vst v63  }
0x48: {  	s4 =	rddreg [dreg:$0x14];
	s7 =	simm.s32 $0x5000  }
0x49: {  	[tilespmem:s7], [sflag:$0x3] =	stream.strided.gather [hbm4b:s4+s12], $0x800, s14, s12, $0x38;
	[tilespmem:$0x12000] =	vst v63  }
0x4a: {  	s9 =	rddreg [dreg:$0x15];
	s13 =	simm.s32 $0x5800  }
0x4b: {  	[tilespmem:s13], [sflag:$0x3] =	stream.strided.gather [hbm4b:s9+s12], $0x800, s14, s12, $0x38;
	[tilespmem:$0x12000] =	vst v63  }
0x4c: {  	s19 =	rddreg [dreg:$0x9];
	s20 =	simm.s32 $0x9000  }
0x4d: {  	[tilespmem:s20], [sflag:$0x3] =	stream.strided.gather [hbm4b:s19+s12], $0x800, s14, s12, $0x38;
	[tilespmem:$0x12000] =	vst v63  }
0x4e: {  	s29 =	rddreg [dreg:$0xa];
	s31 =	simm.s32 $0x6000  }
0x4f: {  	[tilespmem:s31], [sflag:$0x4] =	stream.strided.gather [hbm4b:s29+s12], $0x800, s14, s12, $0x38;
	[tilespmem:$0x12000] =	vst v63  }
0x50: {  	s4 =	rddreg [dreg:$0x16];
	s7 =	simm.s32 $0x6800  }
0x51: {  	[tilespmem:s7], [sflag:$0x4] =	stream.strided.gather [hbm4b:s4+s12], $0x800, s14, s12, $0x38;
	[tilespmem:$0x12000] =	vst v63  }
0x52: {  	s9 =	rddreg [dreg:$0x17];
	s13 =	simm.s32 $0x7000  }
0x53: {  	[tilespmem:s13], [sflag:$0x4] =	stream.strided.gather [hbm4b:s9+s12], $0x800, s14, s12, $0x38;
	[tilespmem:$0x12000] =	vst v63  }
0x54: {  	s19 =	rddreg [dreg:$0x18];
	s20 =	simm.s32 $0x7800  }
0x55: {  	[tilespmem:s20], [sflag:$0x4] =	stream.strided.gather [hbm4b:s19+s12], $0x800, s14, s12, $0x38;
	[tilespmem:$0x12000] =	vst v63  }
0x56: {  	s28 =	simm.s32 $0x0;
	s29 =	rddreg [dreg:$0xb];
	s31 =	simm.s32 $0x9800  }
0x57: {  	[tilespmem:s31], [sflag:$0x4] =	stream.strided.gather [hbm4b:s29+s12], $0x800, s14, s12, $0x38;
	[tilespmem:$0x12000] =	vst v63  }
.LBB2_2:
0x58: {  	_ =	swait.ge [sflag:s24], $0x2000  }
0x59: {  	[sflag:s24] =	ssyncset.done $0x0  }
0x5a: {  	[sflag:s24] =	ssyncadd.s32 $0xFFFFE000  }
0x5b: {  	_ =	swait.ge [sflag:s24], $0x800  }
0x5c: {  	p0 =	seq.s32 s28, $0x0;
	[sflag:s24] =	ssyncset.done $0x0  }
0x5d: {  	s0 =	simm.s32 @!p0 $0x5;
	[sflag:s24] =	ssyncadd.s32 $0xFFFFF800  }
0x5e: {  	s29 =	simm.s32 $0x0;
	s9 =	simm.s32 $0x0;
	_ =	swait.ge @!p0 [sflag:s0], $0x2000  }
0x5f: {  	s4 =	sand.u32 $0x40, s9;
	s31 =	sand.u32 $0x700, s29;
	[sflag:s0] =	ssyncset.done @!p0 $0x0  }
0x60: {  	s7 =	sor.u32 s4, s31;
	[sflag:s0] =	ssyncadd.s32 @!p0 $0xFFFFE000  }
0x61: {  	v0 =	vld [tilespmem:s7+$0x8030]  }
0x62: {  	v1 =	vld [tilespmem:s7+$0x1830]  }
0x63: {  	v2 =	vld [tilespmem:s7+$0x8000]  }
0x64: {  	v3 =	vld [tilespmem:s7+$0x0]  }
0x65: {  	v4 =	vld [tilespmem:s7+$0x800]  }
0x66: {  	v8 =	vld [tilespmem:s7+$0x8010]  }
0x67: {  	v9 =	vld [tilespmem:s7+$0x810]  }
0x68: {  	v5 =	vld [tilespmem:s7+$0x1000];
	_ =	sdelay $0x1  }
0x69: {  	v6 =	vld [tilespmem:s7+$0x1800];
	v1 =	vadd.f32 v1, v0  }
0x6a: {  	v7 =	vld [tilespmem:s7+$0x10];
	v3 =	vadd.f32 v3, v2  }
0x6b: {  	v10 =	vld [tilespmem:s7+$0x1010];
	v9 =	vadd.f32 v9, v8;
	[tilespmem:s7+$0xB830] =	vst v1  }
0x6c: {  	v1 =	vadd.f32 v4, v2;
	[tilespmem:s7+$0xA000] =	vst v3;
	v3 =	vadd.f32 v5, v2;
	v5 =	vld [tilespmem:s7+$0x1810]  }
0x6d: {  	v4 =	vld [tilespmem:s7+$0x20];
	[tilespmem:s7+$0xA810] =	vst v9  }
0x6e: {  	v2 =	vadd.f32 v6, v2;
	[tilespmem:s7+$0xA800] =	vst v1;
	v1 =	vld [tilespmem:s7+$0x8020]  }
0x6f: {  	v6 =	vadd.f32 v7, v8;
	[tilespmem:s7+$0xB000] =	vst v3;
	v3 =	vld [tilespmem:s7+$0x820]  }
0x70: {  	v7 =	vadd.f32 v10, v8;
	[tilespmem:s7+$0xB800] =	vst v2;
	v2 =	vld [tilespmem:s7+$0x1020]  }
0x71: {  	s13 =	simm.s32 $0x0;
	s0 =	sadd.s32 s15, s28;
	[tilespmem:s7+$0xA010] =	vst v6;
	v6 =	vadd.f32 v5, v8;
	v5 =	vld [tilespmem:s7+$0x1820]  }
.LBB2_3:
0x72: {  	s9 =	sadd.s32 $0x40, s9;
	[tilespmem:s7+$0xB010] =	vst v7;
	v7 =	vld [tilespmem:s7+$0x30];
	s13 =	sadd.s32 $0x80, s13  }
0x73: {  	s4 =	sand.u32 $0x40, s9;
	s19 =	sand.u32 $0x700, s13;
	p1 =	slt.u32 s9, $0x3C0;
	[tilespmem:s7+$0xB810] =	vst v6;
	v4 =	vadd.f32 v4, v1;
	v6 =	vld [tilespmem:s7+$0x830]  }
0x74: {  	s4 =	sor.u32 s4, s19;
	v3 =	vadd.f32 v3, v1;
	v8 =	vld [tilespmem:s7+$0x1030]  }
0x75: {  	v9 =	vld [tilespmem:s4+$0x8030];
	[tilespmem:s7+$0xA020] =	vst v4;
	v2 =	vadd.f32 v2, v1  }
0x76: {  	v4 =	vld [tilespmem:s4+$0x1830];
	[tilespmem:s7+$0xA820] =	vst v3;
	v1 =	vadd.f32 v5, v1  }
0x77: {  	v3 =	vld [tilespmem:s4+$0x8000];
	[tilespmem:s7+$0xB020] =	vst v2;
	v2 =	vadd.f32 v7, v0  }
0x78: {  	v5 =	vld [tilespmem:s4+$0x0];
	[tilespmem:s7+$0xB820] =	vst v1;
	v1 =	vadd.f32 v6, v0  }
0x79: {  	v6 =	vld [tilespmem:s4+$0x800];
	[tilespmem:s7+$0xA030] =	vst v2;
	v2 =	vadd.f32 v8, v0  }
0x7a: {  	v7 =	vld [tilespmem:s4+$0x1000];
	[tilespmem:s7+$0xA830] =	vst v1;
	v0 =	vmov v9  }
0x7b: {  	v1 =	vld [tilespmem:s4+$0x1800];
	v4 =	vadd.f32 v4, v0;
	[tilespmem:s7+$0xB030] =	vst v2;
	s7 =	smov.u32 s4  }
0x7c: {  	v8 =	vld [tilespmem:s7+$0x8010]  }
0x7d: {  	v2 =	vadd.f32 v5, v3;
	v5 =	vld [tilespmem:s7+$0x10];
	[tilespmem:s7+$0xB830] =	vst v4  }
0x7e: {  	v4 =	vadd.f32 v6, v3;
	v6 =	vld [tilespmem:s7+$0x810]  }
0x7f: {  	[tilespmem:s7+$0xA000] =	vst v2;
	v2 =	vadd.f32 v7, v3;
	v7 =	vld [tilespmem:s7+$0x1010]  }
0x80: {  	[tilespmem:s7+$0xA800] =	vst v4;
	v3 =	vadd.f32 v1, v3;
	v9 =	vld [tilespmem:s7+$0x1810]  }
.Ltmp2:
0x81: {  	[tilespmem:s7+$0xB000] =	vst v2;
	v1 =	vld [tilespmem:s7+$0x8020];
	(pc) =	sbr.rel @p1 .LBB2_3-.Ltmp2, $4  }
0x82: {  	[tilespmem:s7+$0xB800] =	vst v3;
	v2 =	vadd.f32 v5, v8;
	v4 =	vld [tilespmem:s7+$0x20]  }
0x83: {  	v5 =	vadd.f32 v6, v8;
	v3 =	vld [tilespmem:s7+$0x820]  }
0x84: {  	[tilespmem:s7+$0xA010] =	vst v2;
	v7 =	vadd.f32 v7, v8;
	v2 =	vld [tilespmem:s7+$0x1020]  }
0x85: {  	[tilespmem:s7+$0xA810] =	vst v5;
	v6 =	vadd.f32 v9, v8;
	v5 =	vld [tilespmem:s7+$0x1820]  }
0x86: {  	v8 =	vld [tilespmem:s7+$0x30]  }
0x87: {  	[tilespmem:s7+$0xB010] =	vst v7;
	v7 =	vld [tilespmem:s7+$0x830];
	v4 =	vadd.f32 v4, v1  }
0x88: {  	[tilespmem:s7+$0xB810] =	vst v6;
	v6 =	vld [tilespmem:s7+$0x1030];
	v3 =	vadd.f32 v3, v1  }
0x89: {  	[tilespmem:s7+$0xA020] =	vst v4;
	v2 =	vadd.f32 v2, v1  }
0x8a: {  	[tilespmem:s7+$0xA820] =	vst v3;
	v1 =	vadd.f32 v5, v1  }
0x8b: {  	[tilespmem:s7+$0xB020] =	vst v2;
	v2 =	vadd.f32 v8, v0  }
0x8c: {  	[tilespmem:s7+$0xB820] =	vst v1;
	v1 =	vadd.f32 v7, v0  }
0x8d: {  	s9 =	simm.s32 $0x0;
	v0 =	vadd.f32 v6, v0;
	[tilespmem:s7+$0xA030] =	vst v2  }
0x8e: {  	s4 =	sand.u32 $0x40, s9;
	[tilespmem:s7+$0xA830] =	vst v1  }
0x8f: {  	[tilespmem:s7+$0xB030] =	vst v0;
	s7 =	sor.u32 s4, s31  }
0x90: {  	v0 =	vld [tilespmem:s7+$0x80B0]  }
0x91: {  	v1 =	vld [tilespmem:s7+$0x18B0]  }
0x92: {  	v2 =	vld [tilespmem:s7+$0x8080]  }
0x93: {  	v3 =	vld [tilespmem:s7+$0x80]  }
0x94: {  	v4 =	vld [tilespmem:s7+$0x880]  }
0x95: {  	v8 =	vld [tilespmem:s7+$0x8090]  }
0x96: {  	v9 =	vld [tilespmem:s7+$0x890];
	_ =	sdelay $0x1  }
0x97: {  	v5 =	vld [tilespmem:s7+$0x1080]  }
0x98: {  	v6 =	vld [tilespmem:s7+$0x1880];
	v1 =	vadd.f32 v1, v0  }
0x99: {  	v7 =	vld [tilespmem:s7+$0x90];
	v3 =	vadd.f32 v3, v2  }
0x9a: {  	v9 =	vadd.f32 v9, v8;
	[tilespmem:s7+$0xB8B0] =	vst v1;
	v1 =	vadd.f32 v4, v2;
	v4 =	vld [tilespmem:s7+$0x1090]  }
0x9b: {  	v10 =	vld [tilespmem:s7+$0x1890];
	[tilespmem:s7+$0xA080] =	vst v3  }
0x9c: {  	v3 =	vadd.f32 v5, v2;
	v5 =	vld [tilespmem:s7+$0xA0];
	[tilespmem:s7+$0xA890] =	vst v9  }
0x9d: {  	v2 =	vadd.f32 v6, v2;
	[tilespmem:s7+$0xA880] =	vst v1;
	v1 =	vld [tilespmem:s7+$0x80A0]  }
0x9e: {  	v6 =	vadd.f32 v7, v8;
	[tilespmem:s7+$0xB080] =	vst v3;
	v3 =	vld [tilespmem:s7+$0x8A0]  }
0x9f: {  	[tilespmem:s7+$0xB880] =	vst v2;
	v2 =	vld [tilespmem:s7+$0x10A0];
	v7 =	vadd.f32 v4, v8  }
0xa0: {  	[tilespmem:s7+$0xA090] =	vst v6;
	v6 =	vadd.f32 v10, v8;
	v4 =	vld [tilespmem:s7+$0x18A0]  }
.LBB2_5:
0xa1: {  	s9 =	sadd.s32 $0x40, s9;
	[tilespmem:s7+$0xB090] =	vst v7;
	v7 =	vld [tilespmem:s7+$0xB0];
	s29 =	sadd.s32 $0x80, s29  }
0xa2: {  	s4 =	sand.u32 $0x40, s9;
	s13 =	sand.u32 $0x700, s29;
	p1 =	slt.u32 s9, $0x3C0;
	[tilespmem:s7+$0xB890] =	vst v6;
	v5 =	vadd.f32 v5, v1;
	v6 =	vld [tilespmem:s7+$0x8B0]  }
0xa3: {  	s4 =	sor.u32 s4, s13;
	v3 =	vadd.f32 v3, v1;
	v8 =	vld [tilespmem:s7+$0x10B0]  }
0xa4: {  	v9 =	vld [tilespmem:s4+$0x80B0];
	[tilespmem:s7+$0xA0A0] =	vst v5;
	v2 =	vadd.f32 v2, v1  }
0xa5: {  	v5 =	vld [tilespmem:s4+$0x18B0];
	[tilespmem:s7+$0xA8A0] =	vst v3;
	v1 =	vadd.f32 v4, v1  }
0xa6: {  	v3 =	vld [tilespmem:s4+$0x8080];
	[tilespmem:s7+$0xB0A0] =	vst v2;
	v2 =	vadd.f32 v7, v0  }
0xa7: {  	v4 =	vld [tilespmem:s4+$0x80];
	[tilespmem:s7+$0xB8A0] =	vst v1;
	v1 =	vadd.f32 v6, v0  }
0xa8: {  	v6 =	vld [tilespmem:s4+$0x880];
	[tilespmem:s7+$0xA0B0] =	vst v2;
	v2 =	vadd.f32 v8, v0  }
0xa9: {  	v7 =	vld [tilespmem:s4+$0x1080];
	[tilespmem:s7+$0xA8B0] =	vst v1;
	v0 =	vmov v9  }
0xaa: {  	v1 =	vld [tilespmem:s4+$0x1880];
	v5 =	vadd.f32 v5, v0;
	[tilespmem:s7+$0xB0B0] =	vst v2;
	s7 =	smov.u32 s4  }
0xab: {  	v8 =	vld [tilespmem:s7+$0x8090]  }
0xac: {  	v2 =	vadd.f32 v4, v3;
	v4 =	vld [tilespmem:s7+$0x90];
	[tilespmem:s7+$0xB8B0] =	vst v5  }
0xad: {  	v5 =	vadd.f32 v6, v3;
	v6 =	vld [tilespmem:s7+$0x890]  }
0xae: {  	[tilespmem:s7+$0xA080] =	vst v2;
	v2 =	vadd.f32 v7, v3;
	v7 =	vld [tilespmem:s7+$0x1090]  }
0xaf: {  	[tilespmem:s7+$0xA880] =	vst v5;
	v3 =	vadd.f32 v1, v3;
	v9 =	vld [tilespmem:s7+$0x1890]  }
.Ltmp3:
0xb0: {  	[tilespmem:s7+$0xB080] =	vst v2;
	v1 =	vld [tilespmem:s7+$0x80A0];
	(pc) =	sbr.rel @p1 .LBB2_5-.Ltmp3, $4  }
0xb1: {  	[tilespmem:s7+$0xB880] =	vst v3;
	v2 =	vadd.f32 v4, v8;
	v5 =	vld [tilespmem:s7+$0xA0]  }
0xb2: {  	v4 =	vadd.f32 v6, v8;
	v3 =	vld [tilespmem:s7+$0x8A0]  }
0xb3: {  	[tilespmem:s7+$0xA090] =	vst v2;
	v7 =	vadd.f32 v7, v8;
	v2 =	vld [tilespmem:s7+$0x10A0]  }
0xb4: {  	[tilespmem:s7+$0xA890] =	vst v4;
	v6 =	vadd.f32 v9, v8;
	v4 =	vld [tilespmem:s7+$0x18A0]  }
0xb5: {  	v8 =	vld [tilespmem:s7+$0xB0]  }
0xb6: {  	[tilespmem:s7+$0xB090] =	vst v7;
	v7 =	vld [tilespmem:s7+$0x8B0];
	v5 =	vadd.f32 v5, v1  }
0xb7: {  	[tilespmem:s7+$0xB890] =	vst v6;
	v6 =	vld [tilespmem:s7+$0x10B0];
	v3 =	vadd.f32 v3, v1  }
0xb8: {  	[tilespmem:s7+$0xA0A0] =	vst v5;
	v2 =	vadd.f32 v2, v1  }
0xb9: {  	[tilespmem:s7+$0xA8A0] =	vst v3;
	v1 =	vadd.f32 v4, v1  }
0xba: {  	[tilespmem:s7+$0xB0A0] =	vst v2;
	v2 =	vadd.f32 v8, v0  }
0xbb: {  	[tilespmem:s7+$0xB8A0] =	vst v1;
	v1 =	vadd.f32 v7, v0  }
0xbc: {  	v0 =	vadd.f32 v6, v0;
	[tilespmem:s7+$0xA0B0] =	vst v2  }
0xbd: {  	s0 =	sshll.u32 s0, $0xA;
	s4 =	rddreg [dreg:$0x2];
	[tilespmem:s7+$0xA8B0] =	vst v1  }
0xbe: {  	s31 =	simm.s32 $0xA000;
	s0 =	sadd.s32 s4, s0;
	[tilespmem:s7+$0xB0B0] =	vst v0  }
0xbf: {  	[hbm4b:s0+s12] =	stream.strided.scatter [tilespmem:s31], [sflag:$0x5], $0x800, s14, s12, $0x38;
	[tilespmem:$0x12000] =	vst v63  }
0xc0: {  	s9 =	simm.s32 $0xA800;
	s7 =	sadd.s32 $0x80000, s0  }
0xc1: {  	[hbm4b:s7+s12] =	stream.strided.scatter [tilespmem:s9], [sflag:$0x5], $0x800, s14, s12, $0x38;
	[tilespmem:$0x12000] =	vst v63  }
0xc2: {  	s19 =	simm.s32 $0xB000;
	s13 =	sadd.s32 $0x100000, s0  }
0xc3: {  	[hbm4b:s13+s12] =	stream.strided.scatter [tilespmem:s19], [sflag:$0x5], $0x800, s14, s12, $0x38;
	[tilespmem:$0x12000] =	vst v63  }
0xc4: {  	s20 =	simm.s32 $0xB800;
	p1 =	seq.s32 s28, $0xF;
	s0 =	sadd.s32 $0x180000, s0  }
0xc5: {  	[hbm4b:s0+s12] =	stream.strided.scatter [tilespmem:s20], [sflag:$0x5], $0x800, s14, s12, $0x38;
	[tilespmem:$0x12000] =	vst v63  }
0xc6: {  	s0 =	sshll.u32 @!p1 s28, $0xA  }
0xc7: {  	s7 =	simm.s32 @!p1 $0x100;
	s0 =	sadd.s32 @!p1 s3, s0  }
0xc8: {  	s9 =	simm.s32 @!p1 $0x400;
	s13 =	simm.s32 @!p1 $0x0;
	s4 =	sadd.s32 @!p1 s1, s0  }
0xc9: {  	[tilespmem:s13], [sflag:$0x1] =	stream.strided.gather @!p1 [hbm4b:s4+s7], $0x800, s9, s7, $0x38;
	[tilespmem:$0x12000] =	vst v63  }
0xca: {  	s19 =	simm.s32 @!p1 $0x800;
	s13 =	sadd.s32 @!p1 $0x80000, s4  }
0xcb: {  	[tilespmem:s19], [sflag:$0x1] =	stream.strided.gather @!p1 [hbm4b:s13+s7], $0x800, s9, s7, $0x38;
	[tilespmem:$0x12000] =	vst v63  }
0xcc: {  	s13 =	sadd.s32 @!p1 $0x100000, s4;
	s19 =	simm.s32 @!p1 $0x1000  }
0xcd: {  	[tilespmem:s19], [sflag:$0x1] =	stream.strided.gather @!p1 [hbm4b:s13+s7], $0x800, s9, s7, $0x38;
	[tilespmem:$0x12000] =	vst v63  }
0xce: {  	s4 =	sadd.s32 @!p1 $0x180000, s4;
	s13 =	simm.s32 @!p1 $0x1800  }
0xcf: {  	[tilespmem:s13], [sflag:$0x1] =	stream.strided.gather @!p1 [hbm4b:s4+s7], $0x800, s9, s7, $0x38;
	[tilespmem:$0x12000] =	vst v63  }
0xd0: {  	s0 =	sadd.s32 @!p1 s2, s0;
	s4 =	simm.s32 @!p1 $0x8000  }
0xd1: {  	[tilespmem:s4], [sflag:$0x1] =	stream.strided.gather @!p1 [hbm4b:s0+s7], $0x800, s9, s7, $0x38;
	[tilespmem:$0x12000] =	vst v63  }
0xd2: {  	_ =	swait.ge [sflag:s30], $0x2000  }
0xd3: {  	[sflag:s30] =	ssyncset.done $0x0  }
0xd4: {  	[sflag:s30] =	ssyncadd.s32 $0xFFFFE000  }
0xd5: {  	_ =	swait.ge [sflag:s30], $0x800  }
0xd6: {  	[sflag:s30] =	ssyncset.done $0x0  }
0xd7: {  	s4 =	simm.s32 @!p0 $0x6;
	[sflag:s30] =	ssyncadd.s32 $0xFFFFF800  }
0xd8: {  	s29 =	simm.s32 $0x0;
	s9 =	simm.s32 $0x0;
	_ =	swait.ge @!p0 [sflag:s4], $0x2000  }
0xd9: {  	s0 =	sand.u32 $0x700, s29;
	s31 =	sand.u32 $0x40, s9;
	[sflag:s4] =	ssyncset.done @!p0 $0x0  }
0xda: {  	s7 =	sor.u32 s31, s0;
	[sflag:s4] =	ssyncadd.s32 @!p0 $0xFFFFE000  }
0xdb: {  	v0 =	vld [tilespmem:s7+$0x8830]  }
0xdc: {  	v1 =	vld [tilespmem:s7+$0x3830]  }
0xdd: {  	v2 =	vld [tilespmem:s7+$0x8800]  }
0xde: {  	v3 =	vld [tilespmem:s7+$0x2000]  }
0xdf: {  	v4 =	vld [tilespmem:s7+$0x2800]  }
0xe0: {  	v8 =	vld [tilespmem:s7+$0x8810]  }
0xe1: {  	v9 =	vld [tilespmem:s7+$0x2810];
	_ =	sdelay $0x1  }
0xe2: {  	v5 =	vld [tilespmem:s7+$0x3000]  }
0xe3: {  	v6 =	vld [tilespmem:s7+$0x3800];
	v1 =	vadd.f32 v1, v0  }
0xe4: {  	v7 =	vld [tilespmem:s7+$0x2010];
	v3 =	vadd.f32 v3, v2  }
0xe5: {  	v9 =	vadd.f32 v9, v8;
	[tilespmem:s7+$0xD830] =	vst v1;
	v1 =	vadd.f32 v4, v2;
	v4 =	vld [tilespmem:s7+$0x3010]  }
0xe6: {  	v10 =	vld [tilespmem:s7+$0x3810];
	[tilespmem:s7+$0xC000] =	vst v3  }
0xe7: {  	v3 =	vadd.f32 v5, v2;
	v5 =	vld [tilespmem:s7+$0x2020];
	[tilespmem:s7+$0xC810] =	vst v9  }
0xe8: {  	v2 =	vadd.f32 v6, v2;
	[tilespmem:s7+$0xC800] =	vst v1;
	v1 =	vld [tilespmem:s7+$0x8820]  }
0xe9: {  	v6 =	vadd.f32 v7, v8;
	[tilespmem:s7+$0xD000] =	vst v3;
	v3 =	vld [tilespmem:s7+$0x2820]  }
0xea: {  	[tilespmem:s7+$0xD800] =	vst v2;
	v2 =	vld [tilespmem:s7+$0x3020];
	v7 =	vadd.f32 v4, v8  }
0xeb: {  	s13 =	simm.s32 $0x0;
	[tilespmem:s7+$0xC010] =	vst v6;
	v6 =	vadd.f32 v10, v8;
	v4 =	vld [tilespmem:s7+$0x3820]  }
.LBB2_7:
0xec: {  	s9 =	sadd.s32 $0x40, s9;
	[tilespmem:s7+$0xD010] =	vst v7;
	v7 =	vld [tilespmem:s7+$0x2030];
	s13 =	sadd.s32 $0x80, s13  }
0xed: {  	s4 =	sand.u32 $0x40, s9;
	s19 =	sand.u32 $0x700, s13;
	p2 =	slt.u32 s9, $0x3C0;
	[tilespmem:s7+$0xD810] =	vst v6;
	v5 =	vadd.f32 v5, v1;
	v6 =	vld [tilespmem:s7+$0x2830]  }
0xee: {  	s4 =	sor.u32 s4, s19;
	v3 =	vadd.f32 v3, v1;
	v8 =	vld [tilespmem:s7+$0x3030]  }
0xef: {  	v9 =	vld [tilespmem:s4+$0x8830];
	[tilespmem:s7+$0xC020] =	vst v5;
	v2 =	vadd.f32 v2, v1  }
0xf0: {  	v5 =	vld [tilespmem:s4+$0x3830];
	[tilespmem:s7+$0xC820] =	vst v3;
	v1 =	vadd.f32 v4, v1  }
0xf1: {  	v3 =	vld [tilespmem:s4+$0x8800];
	[tilespmem:s7+$0xD020] =	vst v2;
	v2 =	vadd.f32 v7, v0  }
0xf2: {  	v4 =	vld [tilespmem:s4+$0x2000];
	[tilespmem:s7+$0xD820] =	vst v1;
	v1 =	vadd.f32 v6, v0  }
0xf3: {  	v6 =	vld [tilespmem:s4+$0x2800];
	[tilespmem:s7+$0xC030] =	vst v2;
	v2 =	vadd.f32 v8, v0  }
0xf4: {  	v7 =	vld [tilespmem:s4+$0x3000];
	[tilespmem:s7+$0xC830] =	vst v1;
	v0 =	vmov v9  }
0xf5: {  	v1 =	vld [tilespmem:s4+$0x3800];
	v5 =	vadd.f32 v5, v0;
	[tilespmem:s7+$0xD030] =	vst v2;
	s7 =	smov.u32 s4  }
0xf6: {  	v8 =	vld [tilespmem:s7+$0x8810]  }
0xf7: {  	v2 =	vadd.f32 v4, v3;
	v4 =	vld [tilespmem:s7+$0x2010];
	[tilespmem:s7+$0xD830] =	vst v5  }
0xf8: {  	v5 =	vadd.f32 v6, v3;
	v6 =	vld [tilespmem:s7+$0x2810]  }
0xf9: {  	[tilespmem:s7+$0xC000] =	vst v2;
	v2 =	vadd.f32 v7, v3;
	v7 =	vld [tilespmem:s7+$0x3010]  }
0xfa: {  	[tilespmem:s7+$0xC800] =	vst v5;
	v3 =	vadd.f32 v1, v3;
	v9 =	vld [tilespmem:s7+$0x3810]  }
.Ltmp4:
0xfb: {  	[tilespmem:s7+$0xD000] =	vst v2;
	v1 =	vld [tilespmem:s7+$0x8820];
	(pc) =	sbr.rel @p2 .LBB2_7-.Ltmp4, $4  }
0xfc: {  	[tilespmem:s7+$0xD800] =	vst v3;
	v2 =	vadd.f32 v4, v8;
	v5 =	vld [tilespmem:s7+$0x2020]  }
0xfd: {  	v4 =	vadd.f32 v6, v8;
	v3 =	vld [tilespmem:s7+$0x2820]  }
0xfe: {  	[tilespmem:s7+$0xC010] =	vst v2;
	v7 =	vadd.f32 v7, v8;
	v2 =	vld [tilespmem:s7+$0x3020]  }
0xff: {  	[tilespmem:s7+$0xC810] =	vst v4;
	v6 =	vadd.f32 v9, v8;
	v4 =	vld [tilespmem:s7+$0x3820]  }
0x100: {  	v8 =	vld [tilespmem:s7+$0x2030]  }
0x101: {  	[tilespmem:s7+$0xD010] =	vst v7;
	v7 =	vld [tilespmem:s7+$0x2830];
	v5 =	vadd.f32 v5, v1  }
0x102: {  	[tilespmem:s7+$0xD810] =	vst v6;
	v6 =	vld [tilespmem:s7+$0x3030];
	v3 =	vadd.f32 v3, v1  }
0x103: {  	[tilespmem:s7+$0xC020] =	vst v5;
	v2 =	vadd.f32 v2, v1  }
0x104: {  	[tilespmem:s7+$0xC820] =	vst v3;
	v1 =	vadd.f32 v4, v1  }
0x105: {  	[tilespmem:s7+$0xD020] =	vst v2;
	v2 =	vadd.f32 v8, v0  }
0x106: {  	[tilespmem:s7+$0xD820] =	vst v1;
	v1 =	vadd.f32 v7, v0  }
0x107: {  	s9 =	simm.s32 $0x0;
	v0 =	vadd.f32 v6, v0;
	[tilespmem:s7+$0xC030] =	vst v2  }
0x108: {  	s4 =	sand.u32 $0x40, s9;
	[tilespmem:s7+$0xC830] =	vst v1  }
0x109: {  	s0 =	sor.u32 s4, s0;
	[tilespmem:s7+$0xD030] =	vst v0  }
0x10a: {  	v0 =	vld [tilespmem:s0+$0x88B0]  }
0x10b: {  	v1 =	vld [tilespmem:s0+$0x38B0]  }
0x10c: {  	v2 =	vld [tilespmem:s0+$0x8880]  }
0x10d: {  	v3 =	vld [tilespmem:s0+$0x2080]  }
0x10e: {  	v4 =	vld [tilespmem:s0+$0x2880]  }
0x10f: {  	v8 =	vld [tilespmem:s0+$0x8890]  }
0x110: {  	v9 =	vld [tilespmem:s0+$0x2890];
	_ =	sdelay $0x1  }
0x111: {  	v5 =	vld [tilespmem:s0+$0x3080]  }
0x112: {  	v6 =	vld [tilespmem:s0+$0x3880];
	v1 =	vadd.f32 v1, v0  }
0x113: {  	v7 =	vld [tilespmem:s0+$0x2090];
	v3 =	vadd.f32 v3, v2  }
0x114: {  	v9 =	vadd.f32 v9, v8;
	[tilespmem:s0+$0xD8B0] =	vst v1;
	v1 =	vadd.f32 v4, v2;
	v4 =	vld [tilespmem:s0+$0x3090]  }
0x115: {  	v10 =	vld [tilespmem:s0+$0x3890];
	[tilespmem:s0+$0xC080] =	vst v3  }
0x116: {  	v3 =	vadd.f32 v5, v2;
	v5 =	vld [tilespmem:s0+$0x20A0];
	[tilespmem:s0+$0xC890] =	vst v9  }
0x117: {  	v2 =	vadd.f32 v6, v2;
	[tilespmem:s0+$0xC880] =	vst v1;
	v1 =	vld [tilespmem:s0+$0x88A0]  }
0x118: {  	v6 =	vadd.f32 v7, v8;
	[tilespmem:s0+$0xD080] =	vst v3;
	v3 =	vld [tilespmem:s0+$0x28A0]  }
0x119: {  	[tilespmem:s0+$0xD880] =	vst v2;
	v2 =	vld [tilespmem:s0+$0x30A0];
	v7 =	vadd.f32 v4, v8  }
0x11a: {  	[tilespmem:s0+$0xC090] =	vst v6;
	v6 =	vadd.f32 v10, v8;
	v4 =	vld [tilespmem:s0+$0x38A0]  }
.LBB2_9:
0x11b: {  	s9 =	sadd.s32 $0x40, s9;
	[tilespmem:s0+$0xD090] =	vst v7;
	v7 =	vld [tilespmem:s0+$0x20B0];
	s29 =	sadd.s32 $0x80, s29  }
0x11c: {  	s4 =	sand.u32 $0x40, s9;
	s7 =	sand.u32 $0x700, s29;
	p2 =	slt.u32 s9, $0x3C0;
	[tilespmem:s0+$0xD890] =	vst v6;
	v5 =	vadd.f32 v5, v1;
	v6 =	vld [tilespmem:s0+$0x28B0]  }
0x11d: {  	s4 =	sor.u32 s4, s7;
	v3 =	vadd.f32 v3, v1;
	v8 =	vld [tilespmem:s0+$0x30B0]  }
0x11e: {  	v9 =	vld [tilespmem:s4+$0x88B0];
	[tilespmem:s0+$0xC0A0] =	vst v5;
	v2 =	vadd.f32 v2, v1  }
0x11f: {  	v5 =	vld [tilespmem:s4+$0x38B0];
	[tilespmem:s0+$0xC8A0] =	vst v3;
	v1 =	vadd.f32 v4, v1  }
0x120: {  	v3 =	vld [tilespmem:s4+$0x8880];
	[tilespmem:s0+$0xD0A0] =	vst v2;
	v2 =	vadd.f32 v7, v0  }
0x121: {  	v4 =	vld [tilespmem:s4+$0x2080];
	[tilespmem:s0+$0xD8A0] =	vst v1;
	v1 =	vadd.f32 v6, v0  }
0x122: {  	v6 =	vld [tilespmem:s4+$0x2880];
	[tilespmem:s0+$0xC0B0] =	vst v2;
	v2 =	vadd.f32 v8, v0  }
0x123: {  	v7 =	vld [tilespmem:s4+$0x3080];
	[tilespmem:s0+$0xC8B0] =	vst v1;
	v0 =	vmov v9  }
0x124: {  	v1 =	vld [tilespmem:s4+$0x3880];
	v5 =	vadd.f32 v5, v0;
	[tilespmem:s0+$0xD0B0] =	vst v2;
	s0 =	smov.u32 s4  }
0x125: {  	v8 =	vld [tilespmem:s0+$0x8890]  }
0x126: {  	v2 =	vadd.f32 v4, v3;
	v4 =	vld [tilespmem:s0+$0x2090];
	[tilespmem:s0+$0xD8B0] =	vst v5  }
0x127: {  	v5 =	vadd.f32 v6, v3;
	v6 =	vld [tilespmem:s0+$0x2890]  }
0x128: {  	[tilespmem:s0+$0xC080] =	vst v2;
	v2 =	vadd.f32 v7, v3;
	v7 =	vld [tilespmem:s0+$0x3090]  }
0x129: {  	[tilespmem:s0+$0xC880] =	vst v5;
	v3 =	vadd.f32 v1, v3;
	v9 =	vld [tilespmem:s0+$0x3890]  }
.Ltmp5:
0x12a: {  	[tilespmem:s0+$0xD080] =	vst v2;
	v1 =	vld [tilespmem:s0+$0x88A0];
	(pc) =	sbr.rel @p2 .LBB2_9-.Ltmp5, $4  }
0x12b: {  	[tilespmem:s0+$0xD880] =	vst v3;
	v2 =	vadd.f32 v4, v8;
	v5 =	vld [tilespmem:s0+$0x20A0]  }
0x12c: {  	v4 =	vadd.f32 v6, v8;
	v3 =	vld [tilespmem:s0+$0x28A0]  }
0x12d: {  	[tilespmem:s0+$0xC090] =	vst v2;
	v7 =	vadd.f32 v7, v8;
	v2 =	vld [tilespmem:s0+$0x30A0]  }
0x12e: {  	[tilespmem:s0+$0xC890] =	vst v4;
	v6 =	vadd.f32 v9, v8;
	v4 =	vld [tilespmem:s0+$0x38A0]  }
0x12f: {  	v8 =	vld [tilespmem:s0+$0x20B0]  }
0x130: {  	[tilespmem:s0+$0xD090] =	vst v7;
	v7 =	vld [tilespmem:s0+$0x28B0];
	v5 =	vadd.f32 v5, v1  }
0x131: {  	[tilespmem:s0+$0xD890] =	vst v6;
	v6 =	vld [tilespmem:s0+$0x30B0];
	v3 =	vadd.f32 v3, v1  }
0x132: {  	[tilespmem:s0+$0xC0A0] =	vst v5;
	v2 =	vadd.f32 v2, v1  }
0x133: {  	[tilespmem:s0+$0xC8A0] =	vst v3;
	v1 =	vadd.f32 v4, v1  }
0x134: {  	[tilespmem:s0+$0xD0A0] =	vst v2;
	v2 =	vadd.f32 v8, v0  }
0x135: {  	[tilespmem:s0+$0xD8A0] =	vst v1;
	v1 =	vadd.f32 v7, v0  }
0x136: {  	s29 =	sshll.u32 s28, $0xA;
	v0 =	vadd.f32 v6, v0;
	[tilespmem:s0+$0xC0B0] =	vst v2  }
0x137: {  	s31 =	sadd.s32 s6, s29;
	[tilespmem:s0+$0xC8B0] =	vst v1  }
0x138: {  	s4 =	simm.s32 $0xC000;
	s19 =	sadd.s32 s31, s16;
	[tilespmem:s0+$0xD0B0] =	vst v0  }
0x139: {  	[hbm4b:s19+s12] =	stream.strided.scatter [tilespmem:s4], [sflag:$0x6], $0x800, s14, s12, $0x38;
	[tilespmem:$0x12000] =	vst v63  }
0x13a: {  	s7 =	simm.s32 $0xC800;
	s20 =	sadd.s32 $0x80000, s19  }
0x13b: {  	[hbm4b:s20+s12] =	stream.strided.scatter [tilespmem:s7], [sflag:$0x6], $0x800, s14, s12, $0x38;
	[tilespmem:$0x12000] =	vst v63  }
0x13c: {  	s13 =	simm.s32 $0xD000;
	s9 =	sadd.s32 $0x100000, s19  }
0x13d: {  	[hbm4b:s9+s12] =	stream.strided.scatter [tilespmem:s13], [sflag:$0x6], $0x800, s14, s12, $0x38;
	[tilespmem:$0x12000] =	vst v63  }
0x13e: {  	s0 =	sadd.s32 $0x180000, s19;
	s19 =	simm.s32 $0xD800  }
0x13f: {  	[hbm4b:s0+s12] =	stream.strided.scatter [tilespmem:s19], [sflag:$0x6], $0x800, s14, s12, $0x38;
	[tilespmem:$0x12000] =	vst v63  }
0x140: {  	s0 =	sadd.s32 @!p1 s5, s29  }
0x141: {  	s0 =	sand.u32 @!p1 $0xFFC00, s0  }
0x142: {  	s7 =	simm.s32 @!p1 $0x100;
	s0 =	sor.u32 @!p1 $0x20, s0  }
0x143: {  	s9 =	simm.s32 @!p1 $0x400;
	s13 =	simm.s32 @!p1 $0x2000;
	s4 =	sadd.s32 @!p1 s1, s0  }
0x144: {  	[tilespmem:s13], [sflag:$0x2] =	stream.strided.gather @!p1 [hbm4b:s4+s7], $0x800, s9, s7, $0x38;
	[tilespmem:$0x12000] =	vst v63  }
0x145: {  	s19 =	simm.s32 @!p1 $0x2800;
	s13 =	sadd.s32 @!p1 $0x80000, s4  }
0x146: {  	[tilespmem:s19], [sflag:$0x2] =	stream.strided.gather @!p1 [hbm4b:s13+s7], $0x800, s9, s7, $0x38;
	[tilespmem:$0x12000] =	vst v63  }
0x147: {  	s13 =	sadd.s32 @!p1 $0x100000, s4;
	s19 =	simm.s32 @!p1 $0x3000  }
0x148: {  	[tilespmem:s19], [sflag:$0x2] =	stream.strided.gather @!p1 [hbm4b:s13+s7], $0x800, s9, s7, $0x38;
	[tilespmem:$0x12000] =	vst v63  }
0x149: {  	s4 =	sadd.s32 @!p1 $0x180000, s4;
	s13 =	simm.s32 @!p1 $0x3800  }
0x14a: {  	[tilespmem:s13], [sflag:$0x2] =	stream.strided.gather @!p1 [hbm4b:s4+s7], $0x800, s9, s7, $0x38;
	[tilespmem:$0x12000] =	vst v63  }
0x14b: {  	s0 =	sadd.s32 @!p1 s2, s0;
	s4 =	simm.s32 @!p1 $0x8800  }
0x14c: {  	[tilespmem:s4], [sflag:$0x2] =	stream.strided.gather @!p1 [hbm4b:s0+s7], $0x800, s9, s7, $0x38;
	[tilespmem:$0x12000] =	vst v63  }
0x14d: {  	_ =	swait.ge [sflag:s11], $0x2000  }
0x14e: {  	[sflag:s11] =	ssyncset.done $0x0  }
0x14f: {  	[sflag:s11] =	ssyncadd.s32 $0xFFFFE000  }
0x150: {  	_ =	swait.ge [sflag:s11], $0x800  }
0x151: {  	[sflag:s11] =	ssyncset.done $0x0  }
0x152: {  	s4 =	simm.s32 @!p0 $0x7;
	[sflag:s11] =	ssyncadd.s32 $0xFFFFF800  }
0x153: {  	s13 =	simm.s32 $0x0;
	s0 =	simm.s32 $0x0;
	_ =	swait.ge @!p0 [sflag:s4], $0x2000  }
0x154: {  	s20 =	sand.u32 $0x40, s13;
	s7 =	sand.u32 $0x700, s0;
	[sflag:s4] =	ssyncset.done @!p0 $0x0  }
0x155: {  	s9 =	sor.u32 s20, s7;
	[sflag:s4] =	ssyncadd.s32 @!p0 $0xFFFFE000  }
0x156: {  	v0 =	vld [tilespmem:s9+$0x9030]  }
0x157: {  	v1 =	vld [tilespmem:s9+$0x5830]  }
0x158: {  	v2 =	vld [tilespmem:s9+$0x9000]  }
0x159: {  	v3 =	vld [tilespmem:s9+$0x4000]  }
0x15a: {  	v4 =	vld [tilespmem:s9+$0x4800]  }
0x15b: {  	v8 =	vld [tilespmem:s9+$0x9010]  }
0x15c: {  	v9 =	vld [tilespmem:s9+$0x4810];
	_ =	sdelay $0x1  }
0x15d: {  	v5 =	vld [tilespmem:s9+$0x5000]  }
0x15e: {  	v6 =	vld [tilespmem:s9+$0x5800];
	v1 =	vadd.f32 v1, v0  }
0x15f: {  	v7 =	vld [tilespmem:s9+$0x4010];
	v3 =	vadd.f32 v3, v2  }
0x160: {  	v9 =	vadd.f32 v9, v8;
	[tilespmem:s9+$0xF830] =	vst v1;
	v1 =	vadd.f32 v4, v2;
	v4 =	vld [tilespmem:s9+$0x5010]  }
0x161: {  	v10 =	vld [tilespmem:s9+$0x5810];
	[tilespmem:s9+$0xE000] =	vst v3  }
0x162: {  	v3 =	vadd.f32 v5, v2;
	v5 =	vld [tilespmem:s9+$0x4020];
	[tilespmem:s9+$0xE810] =	vst v9  }
0x163: {  	v2 =	vadd.f32 v6, v2;
	[tilespmem:s9+$0xE800] =	vst v1;
	v1 =	vld [tilespmem:s9+$0x9020]  }
0x164: {  	v6 =	vadd.f32 v7, v8;
	[tilespmem:s9+$0xF000] =	vst v3;
	v3 =	vld [tilespmem:s9+$0x4820]  }
0x165: {  	[tilespmem:s9+$0xF800] =	vst v2;
	v2 =	vld [tilespmem:s9+$0x5020];
	v7 =	vadd.f32 v4, v8  }
0x166: {  	s4 =	simm.s32 $0x0;
	[tilespmem:s9+$0xE010] =	vst v6;
	v6 =	vadd.f32 v10, v8;
	v4 =	vld [tilespmem:s9+$0x5820]  }
.LBB2_11:
0x167: {  	s13 =	sadd.s32 $0x40, s13;
	[tilespmem:s9+$0xF010] =	vst v7;
	v7 =	vld [tilespmem:s9+$0x4030];
	s4 =	sadd.s32 $0x80, s4  }
0x168: {  	s19 =	sand.u32 $0x40, s13;
	s20 =	sand.u32 $0x700, s4;
	p2 =	slt.u32 s13, $0x3C0;
	[tilespmem:s9+$0xF810] =	vst v6;
	v5 =	vadd.f32 v5, v1;
	v6 =	vld [tilespmem:s9+$0x4830]  }
0x169: {  	s19 =	sor.u32 s19, s20;
	v3 =	vadd.f32 v3, v1;
	v8 =	vld [tilespmem:s9+$0x5030]  }
0x16a: {  	v9 =	vld [tilespmem:s19+$0x9030];
	[tilespmem:s9+$0xE020] =	vst v5;
	v2 =	vadd.f32 v2, v1  }
0x16b: {  	v5 =	vld [tilespmem:s19+$0x5830];
	[tilespmem:s9+$0xE820] =	vst v3;
	v1 =	vadd.f32 v4, v1  }
0x16c: {  	v3 =	vld [tilespmem:s19+$0x9000];
	[tilespmem:s9+$0xF020] =	vst v2;
	v2 =	vadd.f32 v7, v0  }
0x16d: {  	v4 =	vld [tilespmem:s19+$0x4000];
	[tilespmem:s9+$0xF820] =	vst v1;
	v1 =	vadd.f32 v6, v0  }
0x16e: {  	v6 =	vld [tilespmem:s19+$0x4800];
	[tilespmem:s9+$0xE030] =	vst v2;
	v2 =	vadd.f32 v8, v0  }
0x16f: {  	v7 =	vld [tilespmem:s19+$0x5000];
	[tilespmem:s9+$0xE830] =	vst v1;
	v0 =	vmov v9  }
0x170: {  	v1 =	vld [tilespmem:s19+$0x5800];
	v5 =	vadd.f32 v5, v0;
	[tilespmem:s9+$0xF030] =	vst v2;
	s9 =	smov.u32 s19  }
0x171: {  	v8 =	vld [tilespmem:s9+$0x9010]  }
0x172: {  	v2 =	vadd.f32 v4, v3;
	v4 =	vld [tilespmem:s9+$0x4010];
	[tilespmem:s9+$0xF830] =	vst v5  }
0x173: {  	v5 =	vadd.f32 v6, v3;
	v6 =	vld [tilespmem:s9+$0x4810]  }
0x174: {  	[tilespmem:s9+$0xE000] =	vst v2;
	v2 =	vadd.f32 v7, v3;
	v7 =	vld [tilespmem:s9+$0x5010]  }
0x175: {  	[tilespmem:s9+$0xE800] =	vst v5;
	v3 =	vadd.f32 v1, v3;
	v9 =	vld [tilespmem:s9+$0x5810]  }
.Ltmp6:
0x176: {  	[tilespmem:s9+$0xF000] =	vst v2;
	v1 =	vld [tilespmem:s9+$0x9020];
	(pc) =	sbr.rel @p2 .LBB2_11-.Ltmp6, $4  }
0x177: {  	[tilespmem:s9+$0xF800] =	vst v3;
	v2 =	vadd.f32 v4, v8;
	v5 =	vld [tilespmem:s9+$0x4020]  }
0x178: {  	v4 =	vadd.f32 v6, v8;
	v3 =	vld [tilespmem:s9+$0x4820]  }
0x179: {  	[tilespmem:s9+$0xE010] =	vst v2;
	v7 =	vadd.f32 v7, v8;
	v2 =	vld [tilespmem:s9+$0x5020]  }
0x17a: {  	[tilespmem:s9+$0xE810] =	vst v4;
	v6 =	vadd.f32 v9, v8;
	v4 =	vld [tilespmem:s9+$0x5820]  }
0x17b: {  	v8 =	vld [tilespmem:s9+$0x4030]  }
0x17c: {  	[tilespmem:s9+$0xF010] =	vst v7;
	v7 =	vld [tilespmem:s9+$0x4830];
	v5 =	vadd.f32 v5, v1  }
0x17d: {  	[tilespmem:s9+$0xF810] =	vst v6;
	v6 =	vld [tilespmem:s9+$0x5030];
	v3 =	vadd.f32 v3, v1  }
0x17e: {  	[tilespmem:s9+$0xE020] =	vst v5;
	v2 =	vadd.f32 v2, v1  }
0x17f: {  	[tilespmem:s9+$0xE820] =	vst v3;
	v1 =	vadd.f32 v4, v1  }
0x180: {  	[tilespmem:s9+$0xF020] =	vst v2;
	v2 =	vadd.f32 v8, v0  }
0x181: {  	[tilespmem:s9+$0xF820] =	vst v1;
	v1 =	vadd.f32 v7, v0  }
0x182: {  	s13 =	simm.s32 $0x0;
	v0 =	vadd.f32 v6, v0;
	[tilespmem:s9+$0xE030] =	vst v2  }
0x183: {  	s4 =	sand.u32 $0x40, s13;
	[tilespmem:s9+$0xE830] =	vst v1  }
0x184: {  	s7 =	sor.u32 s4, s7;
	[tilespmem:s9+$0xF030] =	vst v0  }
0x185: {  	v0 =	vld [tilespmem:s7+$0x90B0]  }
0x186: {  	v1 =	vld [tilespmem:s7+$0x58B0]  }
0x187: {  	v2 =	vld [tilespmem:s7+$0x9080]  }
0x188: {  	v3 =	vld [tilespmem:s7+$0x4080]  }
0x189: {  	v4 =	vld [tilespmem:s7+$0x4880]  }
0x18a: {  	v8 =	vld [tilespmem:s7+$0x9090]  }
0x18b: {  	v9 =	vld [tilespmem:s7+$0x4890];
	_ =	sdelay $0x1  }
0x18c: {  	v5 =	vld [tilespmem:s7+$0x5080]  }
0x18d: {  	v6 =	vld [tilespmem:s7+$0x5880];
	v1 =	vadd.f32 v1, v0  }
0x18e: {  	v7 =	vld [tilespmem:s7+$0x4090];
	v3 =	vadd.f32 v3, v2  }
0x18f: {  	v9 =	vadd.f32 v9, v8;
	[tilespmem:s7+$0xF8B0] =	vst v1;
	v1 =	vadd.f32 v4, v2;
	v4 =	vld [tilespmem:s7+$0x5090]  }
0x190: {  	v10 =	vld [tilespmem:s7+$0x5890];
	[tilespmem:s7+$0xE080] =	vst v3  }
0x191: {  	v3 =	vadd.f32 v5, v2;
	v5 =	vld [tilespmem:s7+$0x40A0];
	[tilespmem:s7+$0xE890] =	vst v9  }
0x192: {  	v2 =	vadd.f32 v6, v2;
	[tilespmem:s7+$0xE880] =	vst v1;
	v1 =	vld [tilespmem:s7+$0x90A0]  }
0x193: {  	v6 =	vadd.f32 v7, v8;
	[tilespmem:s7+$0xF080] =	vst v3;
	v3 =	vld [tilespmem:s7+$0x48A0]  }
0x194: {  	[tilespmem:s7+$0xF880] =	vst v2;
	v2 =	vld [tilespmem:s7+$0x50A0];
	v7 =	vadd.f32 v4, v8  }
0x195: {  	[tilespmem:s7+$0xE090] =	vst v6;
	v6 =	vadd.f32 v10, v8;
	v4 =	vld [tilespmem:s7+$0x58A0]  }
.LBB2_13:
0x196: {  	s13 =	sadd.s32 $0x40, s13;
	[tilespmem:s7+$0xF090] =	vst v7;
	v7 =	vld [tilespmem:s7+$0x40B0];
	s0 =	sadd.s32 $0x80, s0  }
0x197: {  	s4 =	sand.u32 $0x40, s13;
	s9 =	sand.u32 $0x700, s0;
	p2 =	slt.u32 s13, $0x3C0;
	[tilespmem:s7+$0xF890] =	vst v6;
	v5 =	vadd.f32 v5, v1;
	v6 =	vld [tilespmem:s7+$0x48B0]  }
0x198: {  	s4 =	sor.u32 s4, s9;
	v3 =	vadd.f32 v3, v1;
	v8 =	vld [tilespmem:s7+$0x50B0]  }
0x199: {  	v9 =	vld [tilespmem:s4+$0x90B0];
	[tilespmem:s7+$0xE0A0] =	vst v5;
	v2 =	vadd.f32 v2, v1  }
0x19a: {  	v5 =	vld [tilespmem:s4+$0x58B0];
	[tilespmem:s7+$0xE8A0] =	vst v3;
	v1 =	vadd.f32 v4, v1  }
0x19b: {  	v3 =	vld [tilespmem:s4+$0x9080];
	[tilespmem:s7+$0xF0A0] =	vst v2;
	v2 =	vadd.f32 v7, v0  }
0x19c: {  	v4 =	vld [tilespmem:s4+$0x4080];
	[tilespmem:s7+$0xF8A0] =	vst v1;
	v1 =	vadd.f32 v6, v0  }
0x19d: {  	v6 =	vld [tilespmem:s4+$0x4880];
	[tilespmem:s7+$0xE0B0] =	vst v2;
	v2 =	vadd.f32 v8, v0  }
0x19e: {  	v7 =	vld [tilespmem:s4+$0x5080];
	[tilespmem:s7+$0xE8B0] =	vst v1;
	v0 =	vmov v9  }
0x19f: {  	v1 =	vld [tilespmem:s4+$0x5880];
	v5 =	vadd.f32 v5, v0;
	[tilespmem:s7+$0xF0B0] =	vst v2;
	s7 =	smov.u32 s4  }
0x1a0: {  	v8 =	vld [tilespmem:s7+$0x9090]  }
0x1a1: {  	v2 =	vadd.f32 v4, v3;
	v4 =	vld [tilespmem:s7+$0x4090];
	[tilespmem:s7+$0xF8B0] =	vst v5  }
0x1a2: {  	v5 =	vadd.f32 v6, v3;
	v6 =	vld [tilespmem:s7+$0x4890]  }
0x1a3: {  	[tilespmem:s7+$0xE080] =	vst v2;
	v2 =	vadd.f32 v7, v3;
	v7 =	vld [tilespmem:s7+$0x5090]  }
0x1a4: {  	[tilespmem:s7+$0xE880] =	vst v5;
	v3 =	vadd.f32 v1, v3;
	v9 =	vld [tilespmem:s7+$0x5890]  }
.Ltmp7:
0x1a5: {  	[tilespmem:s7+$0xF080] =	vst v2;
	v1 =	vld [tilespmem:s7+$0x90A0];
	(pc) =	sbr.rel @p2 .LBB2_13-.Ltmp7, $4  }
0x1a6: {  	[tilespmem:s7+$0xF880] =	vst v3;
	v2 =	vadd.f32 v4, v8;
	v5 =	vld [tilespmem:s7+$0x40A0]  }
0x1a7: {  	v4 =	vadd.f32 v6, v8;
	v3 =	vld [tilespmem:s7+$0x48A0]  }
0x1a8: {  	[tilespmem:s7+$0xE090] =	vst v2;
	v7 =	vadd.f32 v7, v8;
	v2 =	vld [tilespmem:s7+$0x50A0]  }
0x1a9: {  	[tilespmem:s7+$0xE890] =	vst v4;
	v6 =	vadd.f32 v9, v8;
	v4 =	vld [tilespmem:s7+$0x58A0]  }
0x1aa: {  	v8 =	vld [tilespmem:s7+$0x40B0]  }
0x1ab: {  	[tilespmem:s7+$0xF090] =	vst v7;
	v7 =	vld [tilespmem:s7+$0x48B0];
	v5 =	vadd.f32 v5, v1  }
0x1ac: {  	[tilespmem:s7+$0xF890] =	vst v6;
	v6 =	vld [tilespmem:s7+$0x50B0];
	v3 =	vadd.f32 v3, v1  }
0x1ad: {  	[tilespmem:s7+$0xE0A0] =	vst v5;
	v2 =	vadd.f32 v2, v1  }
0x1ae: {  	[tilespmem:s7+$0xE8A0] =	vst v3;
	v1 =	vadd.f32 v4, v1  }
0x1af: {  	[tilespmem:s7+$0xF0A0] =	vst v2;
	v2 =	vadd.f32 v8, v0  }
0x1b0: {  	[tilespmem:s7+$0xF8A0] =	vst v1;
	v1 =	vadd.f32 v7, v0  }
0x1b1: {  	v0 =	vadd.f32 v6, v0;
	[tilespmem:s7+$0xE0B0] =	vst v2  }
0x1b2: {  	[tilespmem:s7+$0xE8B0] =	vst v1  }
0x1b3: {  	s0 =	sadd.s32 s31, s17;
	s4 =	simm.s32 $0xE000;
	[tilespmem:s7+$0xF0B0] =	vst v0  }
0x1b4: {  	[hbm4b:s0+s12] =	stream.strided.scatter [tilespmem:s4], [sflag:$0x7], $0x800, s14, s12, $0x38;
	[tilespmem:$0x12000] =	vst v63  }
0x1b5: {  	s20 =	simm.s32 $0xE800;
	s19 =	sadd.s32 $0x80000, s0  }
0x1b6: {  	[hbm4b:s19+s12] =	stream.strided.scatter [tilespmem:s20], [sflag:$0x7], $0x800, s14, s12, $0x38;
	[tilespmem:$0x12000] =	vst v63  }
0x1b7: {  	s13 =	simm.s32 $0xF000;
	s9 =	sadd.s32 $0x100000, s0  }
0x1b8: {  	[hbm4b:s9+s12] =	stream.strided.scatter [tilespmem:s13], [sflag:$0x7], $0x800, s14, s12, $0x38;
	[tilespmem:$0x12000] =	vst v63  }
0x1b9: {  	s0 =	sadd.s32 $0x180000, s0;
	s19 =	simm.s32 $0xF800  }
0x1ba: {  	[hbm4b:s0+s12] =	stream.strided.scatter [tilespmem:s19], [sflag:$0x7], $0x800, s14, s12, $0x38;
	[tilespmem:$0x12000] =	vst v63  }
0x1bb: {  	s0 =	sadd.s32 @!p1 s8, s29  }
0x1bc: {  	s0 =	sand.u32 @!p1 $0xFFC00, s0  }
0x1bd: {  	s7 =	simm.s32 @!p1 $0x100;
	s0 =	sor.u32 @!p1 $0x40, s0  }
0x1be: {  	s9 =	simm.s32 @!p1 $0x400;
	s13 =	simm.s32 @!p1 $0x4000;
	s4 =	sadd.s32 @!p1 s1, s0  }
0x1bf: {  	[tilespmem:s13], [sflag:$0x3] =	stream.strided.gather @!p1 [hbm4b:s4+s7], $0x800, s9, s7, $0x38;
	[tilespmem:$0x12000] =	vst v63  }
0x1c0: {  	s19 =	simm.s32 @!p1 $0x4800;
	s13 =	sadd.s32 @!p1 $0x80000, s4  }
0x1c1: {  	[tilespmem:s19], [sflag:$0x3] =	stream.strided.gather @!p1 [hbm4b:s13+s7], $0x800, s9, s7, $0x38;
	[tilespmem:$0x12000] =	vst v63  }
0x1c2: {  	s13 =	sadd.s32 @!p1 $0x100000, s4;
	s19 =	simm.s32 @!p1 $0x5000  }
0x1c3: {  	[tilespmem:s19], [sflag:$0x3] =	stream.strided.gather @!p1 [hbm4b:s13+s7], $0x800, s9, s7, $0x38;
	[tilespmem:$0x12000] =	vst v63  }
0x1c4: {  	s4 =	sadd.s32 @!p1 $0x180000, s4;
	s13 =	simm.s32 @!p1 $0x5800  }
0x1c5: {  	[tilespmem:s13], [sflag:$0x3] =	stream.strided.gather @!p1 [hbm4b:s4+s7], $0x800, s9, s7, $0x38;
	[tilespmem:$0x12000] =	vst v63  }
0x1c6: {  	s0 =	sadd.s32 @!p1 s2, s0;
	s4 =	simm.s32 @!p1 $0x9000  }
0x1c7: {  	[tilespmem:s4], [sflag:$0x3] =	stream.strided.gather @!p1 [hbm4b:s0+s7], $0x800, s9, s7, $0x38;
	[tilespmem:$0x12000] =	vst v63  }
0x1c8: {  	_ =	swait.ge [sflag:s21], $0x2000  }
0x1c9: {  	[sflag:s21] =	ssyncset.done $0x0  }
0x1ca: {  	[sflag:s21] =	ssyncadd.s32 $0xFFFFE000  }
0x1cb: {  	_ =	swait.ge [sflag:s21], $0x800  }
0x1cc: {  	[sflag:s21] =	ssyncset.done $0x0  }
0x1cd: {  	s4 =	simm.s32 @!p0 $0x8;
	[sflag:s21] =	ssyncadd.s32 $0xFFFFF800  }
0x1ce: {  	s13 =	simm.s32 $0x0;
	s0 =	simm.s32 $0x0;
	_ =	swait.ge @!p0 [sflag:s4], $0x2000  }
0x1cf: {  	s20 =	sand.u32 $0x40, s13;
	s7 =	sand.u32 $0x700, s0;
	[sflag:s4] =	ssyncset.done @!p0 $0x0  }
0x1d0: {  	s9 =	sor.u32 s20, s7;
	[sflag:s4] =	ssyncadd.s32 @!p0 $0xFFFFE000  }
0x1d1: {  	v0 =	vld [tilespmem:s9+$0x9830]  }
0x1d2: {  	v1 =	vld [tilespmem:s9+$0x7830]  }
0x1d3: {  	v2 =	vld [tilespmem:s9+$0x9800]  }
0x1d4: {  	v3 =	vld [tilespmem:s9+$0x6000]  }
0x1d5: {  	v4 =	vld [tilespmem:s9+$0x6800]  }
0x1d6: {  	v8 =	vld [tilespmem:s9+$0x9810]  }
0x1d7: {  	v9 =	vld [tilespmem:s9+$0x6810];
	_ =	sdelay $0x1  }
0x1d8: {  	v5 =	vld [tilespmem:s9+$0x7000]  }
0x1d9: {  	v6 =	vld [tilespmem:s9+$0x7800];
	v1 =	vadd.f32 v1, v0  }
0x1da: {  	v7 =	vld [tilespmem:s9+$0x6010];
	v3 =	vadd.f32 v3, v2  }
0x1db: {  	v9 =	vadd.f32 v9, v8;
	[tilespmem:s9+$0x11830] =	vst v1;
	v1 =	vadd.f32 v4, v2;
	v4 =	vld [tilespmem:s9+$0x7010]  }
0x1dc: {  	v10 =	vld [tilespmem:s9+$0x7810];
	[tilespmem:s9+$0x10000] =	vst v3  }
0x1dd: {  	v3 =	vadd.f32 v5, v2;
	v5 =	vld [tilespmem:s9+$0x6020];
	[tilespmem:s9+$0x10810] =	vst v9  }
0x1de: {  	v2 =	vadd.f32 v6, v2;
	[tilespmem:s9+$0x10800] =	vst v1;
	v1 =	vld [tilespmem:s9+$0x9820]  }
0x1df: {  	v6 =	vadd.f32 v7, v8;
	[tilespmem:s9+$0x11000] =	vst v3;
	v3 =	vld [tilespmem:s9+$0x6820]  }
0x1e0: {  	[tilespmem:s9+$0x11800] =	vst v2;
	v2 =	vld [tilespmem:s9+$0x7020];
	v7 =	vadd.f32 v4, v8  }
0x1e1: {  	s4 =	simm.s32 $0x0;
	[tilespmem:s9+$0x10010] =	vst v6;
	v6 =	vadd.f32 v10, v8;
	v4 =	vld [tilespmem:s9+$0x7820]  }
.LBB2_15:
0x1e2: {  	s13 =	sadd.s32 $0x40, s13;
	[tilespmem:s9+$0x11010] =	vst v7;
	v7 =	vld [tilespmem:s9+$0x6030];
	s4 =	sadd.s32 $0x80, s4  }
0x1e3: {  	s19 =	sand.u32 $0x40, s13;
	s20 =	sand.u32 $0x700, s4;
	p0 =	slt.u32 s13, $0x3C0;
	[tilespmem:s9+$0x11810] =	vst v6;
	v5 =	vadd.f32 v5, v1;
	v6 =	vld [tilespmem:s9+$0x6830]  }
0x1e4: {  	s19 =	sor.u32 s19, s20;
	v3 =	vadd.f32 v3, v1;
	v8 =	vld [tilespmem:s9+$0x7030]  }
0x1e5: {  	v9 =	vld [tilespmem:s19+$0x9830];
	[tilespmem:s9+$0x10020] =	vst v5;
	v2 =	vadd.f32 v2, v1  }
0x1e6: {  	v5 =	vld [tilespmem:s19+$0x7830];
	[tilespmem:s9+$0x10820] =	vst v3;
	v1 =	vadd.f32 v4, v1  }
0x1e7: {  	v3 =	vld [tilespmem:s19+$0x9800];
	[tilespmem:s9+$0x11020] =	vst v2;
	v2 =	vadd.f32 v7, v0  }
0x1e8: {  	v4 =	vld [tilespmem:s19+$0x6000];
	[tilespmem:s9+$0x11820] =	vst v1;
	v1 =	vadd.f32 v6, v0  }
0x1e9: {  	v6 =	vld [tilespmem:s19+$0x6800];
	[tilespmem:s9+$0x10030] =	vst v2;
	v2 =	vadd.f32 v8, v0  }
0x1ea: {  	v7 =	vld [tilespmem:s19+$0x7000];
	[tilespmem:s9+$0x10830] =	vst v1;
	v0 =	vmov v9  }
0x1eb: {  	v1 =	vld [tilespmem:s19+$0x7800];
	v5 =	vadd.f32 v5, v0;
	[tilespmem:s9+$0x11030] =	vst v2;
	s9 =	smov.u32 s19  }
0x1ec: {  	v8 =	vld [tilespmem:s9+$0x9810]  }
0x1ed: {  	v2 =	vadd.f32 v4, v3;
	v4 =	vld [tilespmem:s9+$0x6010];
	[tilespmem:s9+$0x11830] =	vst v5  }
0x1ee: {  	v5 =	vadd.f32 v6, v3;
	v6 =	vld [tilespmem:s9+$0x6810]  }
0x1ef: {  	[tilespmem:s9+$0x10000] =	vst v2;
	v2 =	vadd.f32 v7, v3;
	v7 =	vld [tilespmem:s9+$0x7010]  }
0x1f0: {  	[tilespmem:s9+$0x10800] =	vst v5;
	v3 =	vadd.f32 v1, v3;
	v9 =	vld [tilespmem:s9+$0x7810]  }
.Ltmp8:
0x1f1: {  	[tilespmem:s9+$0x11000] =	vst v2;
	v1 =	vld [tilespmem:s9+$0x9820];
	(pc) =	sbr.rel @p0 .LBB2_15-.Ltmp8, $4  }
0x1f2: {  	[tilespmem:s9+$0x11800] =	vst v3;
	v2 =	vadd.f32 v4, v8;
	v5 =	vld [tilespmem:s9+$0x6020]  }
0x1f3: {  	v4 =	vadd.f32 v6, v8;
	v3 =	vld [tilespmem:s9+$0x6820]  }
0x1f4: {  	[tilespmem:s9+$0x10010] =	vst v2;
	v7 =	vadd.f32 v7, v8;
	v2 =	vld [tilespmem:s9+$0x7020]  }
0x1f5: {  	[tilespmem:s9+$0x10810] =	vst v4;
	v6 =	vadd.f32 v9, v8;
	v4 =	vld [tilespmem:s9+$0x7820]  }
0x1f6: {  	v8 =	vld [tilespmem:s9+$0x6030]  }
0x1f7: {  	[tilespmem:s9+$0x11010] =	vst v7;
	v7 =	vld [tilespmem:s9+$0x6830];
	v5 =	vadd.f32 v5, v1  }
0x1f8: {  	[tilespmem:s9+$0x11810] =	vst v6;
	v6 =	vld [tilespmem:s9+$0x7030];
	v3 =	vadd.f32 v3, v1  }
0x1f9: {  	[tilespmem:s9+$0x10020] =	vst v5;
	v2 =	vadd.f32 v2, v1  }
0x1fa: {  	[tilespmem:s9+$0x10820] =	vst v3;
	v1 =	vadd.f32 v4, v1  }
0x1fb: {  	[tilespmem:s9+$0x11020] =	vst v2;
	v2 =	vadd.f32 v8, v0  }
0x1fc: {  	[tilespmem:s9+$0x11820] =	vst v1;
	v1 =	vadd.f32 v7, v0  }
0x1fd: {  	s13 =	simm.s32 $0x0;
	v0 =	vadd.f32 v6, v0;
	[tilespmem:s9+$0x10030] =	vst v2  }
0x1fe: {  	s4 =	sand.u32 $0x40, s13;
	[tilespmem:s9+$0x10830] =	vst v1  }
0x1ff: {  	s7 =	sor.u32 s4, s7;
	[tilespmem:s9+$0x11030] =	vst v0  }
0x200: {  	v0 =	vld [tilespmem:s7+$0x98B0]  }
0x201: {  	v1 =	vld [tilespmem:s7+$0x78B0]  }
0x202: {  	v2 =	vld [tilespmem:s7+$0x9880]  }
0x203: {  	v3 =	vld [tilespmem:s7+$0x6080]  }
0x204: {  	v4 =	vld [tilespmem:s7+$0x6880]  }
0x205: {  	v8 =	vld [tilespmem:s7+$0x9890]  }
0x206: {  	v9 =	vld [tilespmem:s7+$0x6890];
	_ =	sdelay $0x1  }
0x207: {  	v5 =	vld [tilespmem:s7+$0x7080]  }
0x208: {  	v6 =	vld [tilespmem:s7+$0x7880];
	v1 =	vadd.f32 v1, v0  }
0x209: {  	v7 =	vld [tilespmem:s7+$0x6090];
	v3 =	vadd.f32 v3, v2  }
0x20a: {  	v9 =	vadd.f32 v9, v8;
	[tilespmem:s7+$0x118B0] =	vst v1;
	v1 =	vadd.f32 v4, v2;
	v4 =	vld [tilespmem:s7+$0x7090]  }
0x20b: {  	v10 =	vld [tilespmem:s7+$0x7890];
	[tilespmem:s7+$0x10080] =	vst v3  }
0x20c: {  	v3 =	vadd.f32 v5, v2;
	v5 =	vld [tilespmem:s7+$0x60A0];
	[tilespmem:s7+$0x10890] =	vst v9  }
0x20d: {  	v2 =	vadd.f32 v6, v2;
	[tilespmem:s7+$0x10880] =	vst v1;
	v1 =	vld [tilespmem:s7+$0x98A0]  }
0x20e: {  	v6 =	vadd.f32 v7, v8;
	[tilespmem:s7+$0x11080] =	vst v3;
	v3 =	vld [tilespmem:s7+$0x68A0]  }
0x20f: {  	[tilespmem:s7+$0x11880] =	vst v2;
	v2 =	vld [tilespmem:s7+$0x70A0];
	v7 =	vadd.f32 v4, v8  }
0x210: {  	[tilespmem:s7+$0x10090] =	vst v6;
	v6 =	vadd.f32 v10, v8;
	v4 =	vld [tilespmem:s7+$0x78A0]  }
.LBB2_17:
0x211: {  	s13 =	sadd.s32 $0x40, s13;
	[tilespmem:s7+$0x11090] =	vst v7;
	v7 =	vld [tilespmem:s7+$0x60B0];
	s0 =	sadd.s32 $0x80, s0  }
0x212: {  	s4 =	sand.u32 $0x40, s13;
	s9 =	sand.u32 $0x700, s0;
	p0 =	slt.u32 s13, $0x3C0;
	[tilespmem:s7+$0x11890] =	vst v6;
	v5 =	vadd.f32 v5, v1;
	v6 =	vld [tilespmem:s7+$0x68B0]  }
0x213: {  	s4 =	sor.u32 s4, s9;
	v3 =	vadd.f32 v3, v1;
	v8 =	vld [tilespmem:s7+$0x70B0]  }
0x214: {  	v9 =	vld [tilespmem:s4+$0x98B0];
	[tilespmem:s7+$0x100A0] =	vst v5;
	v2 =	vadd.f32 v2, v1  }
0x215: {  	v5 =	vld [tilespmem:s4+$0x78B0];
	[tilespmem:s7+$0x108A0] =	vst v3;
	v1 =	vadd.f32 v4, v1  }
0x216: {  	v3 =	vld [tilespmem:s4+$0x9880];
	[tilespmem:s7+$0x110A0] =	vst v2;
	v2 =	vadd.f32 v7, v0  }
0x217: {  	v4 =	vld [tilespmem:s4+$0x6080];
	[tilespmem:s7+$0x118A0] =	vst v1;
	v1 =	vadd.f32 v6, v0  }
0x218: {  	v6 =	vld [tilespmem:s4+$0x6880];
	[tilespmem:s7+$0x100B0] =	vst v2;
	v2 =	vadd.f32 v8, v0  }
0x219: {  	v7 =	vld [tilespmem:s4+$0x7080];
	[tilespmem:s7+$0x108B0] =	vst v1;
	v0 =	vmov v9  }
0x21a: {  	v1 =	vld [tilespmem:s4+$0x7880];
	v5 =	vadd.f32 v5, v0;
	[tilespmem:s7+$0x110B0] =	vst v2;
	s7 =	smov.u32 s4  }
0x21b: {  	v8 =	vld [tilespmem:s7+$0x9890]  }
0x21c: {  	v2 =	vadd.f32 v4, v3;
	v4 =	vld [tilespmem:s7+$0x6090];
	[tilespmem:s7+$0x118B0] =	vst v5  }
0x21d: {  	v5 =	vadd.f32 v6, v3;
	v6 =	vld [tilespmem:s7+$0x6890]  }
0x21e: {  	[tilespmem:s7+$0x10080] =	vst v2;
	v2 =	vadd.f32 v7, v3;
	v7 =	vld [tilespmem:s7+$0x7090]  }
0x21f: {  	[tilespmem:s7+$0x10880] =	vst v5;
	v3 =	vadd.f32 v1, v3;
	v9 =	vld [tilespmem:s7+$0x7890]  }
.Ltmp9:
0x220: {  	[tilespmem:s7+$0x11080] =	vst v2;
	v1 =	vld [tilespmem:s7+$0x98A0];
	(pc) =	sbr.rel @p0 .LBB2_17-.Ltmp9, $4  }
0x221: {  	[tilespmem:s7+$0x11880] =	vst v3;
	v2 =	vadd.f32 v4, v8;
	v5 =	vld [tilespmem:s7+$0x60A0]  }
0x222: {  	v4 =	vadd.f32 v6, v8;
	v3 =	vld [tilespmem:s7+$0x68A0]  }
0x223: {  	[tilespmem:s7+$0x10090] =	vst v2;
	v7 =	vadd.f32 v7, v8;
	v2 =	vld [tilespmem:s7+$0x70A0]  }
0x224: {  	[tilespmem:s7+$0x10890] =	vst v4;
	v6 =	vadd.f32 v9, v8;
	v4 =	vld [tilespmem:s7+$0x78A0]  }
0x225: {  	v8 =	vld [tilespmem:s7+$0x60B0]  }
0x226: {  	[tilespmem:s7+$0x11090] =	vst v7;
	v58 =	vld [tilespmem:s7+$0x68B0];
	v5 =	vadd.f32 v5, v1  }
0x227: {  	v59 =	vld [tilespmem:s7+$0x70B0];
	[tilespmem:s7+$0x11890] =	vst v6;
	v3 =	vadd.f32 v3, v1  }
0x228: {  	[tilespmem:s7+$0x100A0] =	vst v5;
	v2 =	vadd.f32 v2, v1  }
0x229: {  	[tilespmem:s7+$0x108A0] =	vst v3;
	v60 =	vadd.f32 v4, v1  }
0x22a: {  	[tilespmem:s7+$0x110A0] =	vst v2;
	v61 =	vadd.f32 v8, v0  }
0x22b: {  	v62 =	vadd.f32 v58, v0;
	[tilespmem:s7+$0x118A0] =	vst v60  }
0x22c: {  	v63 =	vadd.f32 v59, v0;
	[tilespmem:s7+$0x100B0] =	vst v61  }
0x22d: {  	[tilespmem:s7+$0x108B0] =	vst v62  }
0x22e: {  	s0 =	sadd.s32 s31, s18;
	[tilespmem:s7+$0x110B0] =	vst v63  }
0x22f: {  	[hbm4b:s0+s12] =	stream.strided.scatter [tilespmem:s22], [sflag:$0x8], $0x800, s14, s12, $0x38;
	[tilespmem:$0x12000] =	vst v63  }
0x230: {  	s4 =	sadd.s32 $0x80000, s0  }
0x231: {  	[hbm4b:s4+s12] =	stream.strided.scatter [tilespmem:s23], [sflag:$0x8], $0x800, s14, s12, $0x38;
	[tilespmem:$0x12000] =	vst v63  }
.Ltmp10:
0x232: {  	_ = 	snop;
	(pc) =	sbr.rel @p1 .LBB2_20-.Ltmp10, $4  }
0x233: {  	s31 =	sadd.s32 $0x100000, s0  }
0x234: {  	[hbm4b:s31+s12] =	stream.strided.scatter [tilespmem:s25], [sflag:$0x8], $0x800, s14, s12, $0x38;
	[tilespmem:$0x12000] =	vst v63  }
0x235: {  	s0 =	sadd.s32 $0x180000, s0  }
0x236: {  	[hbm4b:s0+s12] =	stream.strided.scatter [tilespmem:s26], [sflag:$0x8], $0x800, s14, s12, $0x38;
	[tilespmem:$0x12000] =	vst v63  }
0x237: {  	s0 =	sadd.s32 s10, s29  }
0x238: {  	s0 =	sand.u32 $0xFFC00, s0  }
0x239: {  	s0 =	sor.u32 $0x60, s0  }
0x23a: {  	s7 =	simm.s32 $0x6000;
	s4 =	sadd.s32 s1, s0  }
0x23b: {  	[tilespmem:s7], [sflag:$0x4] =	stream.strided.gather [hbm4b:s4+s12], $0x800, s14, s12, $0x38;
	[tilespmem:$0x12000] =	vst v63  }
0x23c: {  	s9 =	simm.s32 $0x6800;
	s13 =	sadd.s32 $0x80000, s4  }
0x23d: {  	[tilespmem:s9], [sflag:$0x4] =	stream.strided.gather [hbm4b:s13+s12], $0x800, s14, s12, $0x38;
	[tilespmem:$0x12000] =	vst v63  }
0x23e: {  	s20 =	simm.s32 $0x7000;
	s19 =	sadd.s32 $0x100000, s4  }
0x23f: {  	[tilespmem:s20], [sflag:$0x4] =	stream.strided.gather [hbm4b:s19+s12], $0x800, s14, s12, $0x38;
	[tilespmem:$0x12000] =	vst v63  }
.Ltmp11:
0x240: {  	_ = 	snop;
	(pc) =	sbr.rel .LBB2_2-.Ltmp11, $4  }
0x241: {  	s29 =	simm.s32 $0x7800;
	s4 =	sadd.s32 $0x180000, s4  }
0x242: {  	[tilespmem:s29], [sflag:$0x4] =	stream.strided.gather [hbm4b:s4+s12], $0x800, s14, s12, $0x38;
	[tilespmem:$0x12000] =	vst v63  }
0x243: {  	s31 =	simm.s32 $0x9800;
	s28 =	sadd.s32 $0x1, s28;
	s0 =	sadd.s32 s2, s0  }
0x244: {  	[tilespmem:s31], [sflag:$0x4] =	stream.strided.gather [hbm4b:s0+s12], $0x800, s14, s12, $0x38;
	[tilespmem:$0x12000] =	vst v63  }
.LBB2_21:
0x245: {  	_ =	sfence.sel $0x180000  }
0x246: {  	[bflag:$0x0] =	sbarrier.arrive $0xFFFF  }
0x247: {  	_ =	strace $0x90000047  }
0x248: {  	s0 =	stileid.u32;
	[bflag:$0x2] =	sbarrier.arrive $0xFFFF  }
0x249: {  	p0 =	sne.s32 s0, $0x0;
	s0 =	rddreg [dreg:$0x3]  }
0x24a: {  	s0 =	sadd.s32 @!p0 $0x100000, s0  }
0x24b: {  	[sflag:s0] =	ssyncadd.tile.s32 @!p0 $0x1;
	_ =	shalt  }
.Lfunc_end2:
_tile_overlayer_lowered:
.L_overlay_start_2:
0x24c: {  	(tag) =	ssettag $0x2  }
0x24d: {  	s0 =	rddreg [dreg:$0x0];
	s2 =	stileid.u32  }
0x24e: {  	s1 =	rddreg [dreg:$0x1];
	p0 =	sne.s32 s2, $0x0  }
0x24f: {  	s3 =	rddreg [dreg:$0x2];
	[bflag:$0x3] =	sbarrier.arrive $0xFFFF;
	s2 =	simm.s32 @!p0 $0x1C09  }
0x250: {  	[timem:s3], [sflag:s2] =	dma.local @!p0 [hbm:s0], s1  }
0x251: {  	s0 =	simm.s32 @!p0 $0x9  }
0x252: {  	_ =	swait.ge @!p0 [sflag:s0], s1  }
0x253: {  	s1 =	ssub.s32 @!p0 $0x0, s1;
	[sflag:s0] =	ssyncset.done @!p0 $0x0  }
0x254: {  	[sflag:s0] =	ssyncadd.s32 @!p0 s1  }
0x255: {  	[bflag:$0x3] =	sbarrier.arrive $0xFFFF  }
0x256: {  	_ =	shalt  }

</sc_bundles>
